<compile_context>
chip_gen: v7x
topology: tpu7x:2x2x1
jax: 0.10.2.dev20260603
libtpu: 0.0.44.dev20260713+nightly
codegen_flags: <defaults>
</compile_context>

<pallas_src>
import functools

import jax
import jax.numpy as jnp
from jax import lax
from jax.experimental import pallas as pl
from jax.experimental.pallas import tpu as pltpu
from jax.experimental.pallas import tpu_sc as plsc

NA = 1_600_000
NG = 100_000
LANES = 128
ABLK = 12_800
NBLK = NA // ABLK
SB = 2_560
NSB = ABLK // SB
NSBG = NA // SB
NW = 32
BPW = 4
RGT = ABLK * 4 + 64
RG_TRASH = ABLK * 4
GS = 3_136
NG_PAD = NW * GS
ACC_T = GS * 8


@functools.lru_cache(maxsize=None)
def _mesh():
    return plsc.VectorSubcoreMesh(core_axis_name="c", subcore_axis_name="s")


def _i16():
    return lax.iota(jnp.int32, 16)


def _worker_id():
    return lax.axis_index("s") * 2 + lax.axis_index("c")


@functools.lru_cache(maxsize=None)
def _make_a():
    return pl.kernel(
        _a,
        mesh=_mesh(),
        compiler_params=pltpu.CompilerParams(needs_layout_passes=False),
        out_type=jax.ShapeDtypeStruct((NBLK, 3, ABLK), jnp.float32),
        scratch_types=[
            pltpu.VMEM((SB + 16,), jnp.int32),
            pltpu.VMEM((SB * 9,), jnp.float32),
            pltpu.VMEM((SB * 9,), jnp.float32),
            pltpu.VMEM(((SB + 40) * 3,), jnp.float32),
            pltpu.VMEM((RGT,), jnp.float32),
            pltpu.VMEM((3, SB), jnp.float32),
            pltpu.VMEM((32,), jnp.int32),
            pltpu.VMEM((32,), jnp.float32),
            pltpu.SemaphoreType.DMA,
        ],
    )


def _a(ids_hbm, rot9_hbm, inv9_hbm, bnp_hbm, rx_hbm,
       ids_v, rot_v, inv_v, bn_v, rg_v, ob_v, sw_v, ww_v, sem):
    w = _worker_id()
    i16 = _i16()
    b_lo = w * BPW
    b_hi = jnp.minimum(b_lo + BPW, NBLK)
    base0 = pl.multiple_of(b_lo * ABLK, 128)

    pltpu.async_copy(ids_hbm.at[pl.ds(base0, 16)], sw_v.at[pl.ds(0, 16)],
                     sem).wait()
    g_head0 = sw_v[pl.ds(0, 16)][0]

    def srch(t, carry):
        lo, hi = carry
        mid = (lo + hi) // 2
        pltpu.async_copy(
            ids_hbm.at[pl.ds(pl.multiple_of(mid * 16, 16), 16)],
            sw_v.at[pl.ds(16, 16)], sem).wait()
        vmax = sw_v[pl.ds(16, 16)][15]
        found = vmax >= g_head0
        return (jnp.where(found, lo, mid + 1), jnp.where(found, mid, hi))
    glo, _ = lax.fori_loop(0, 17, srch, (jnp.int32(0), base0 // 16))
    pltpu.async_copy(
        ids_hbm.at[pl.ds(pl.multiple_of(glo * 16, 16), 16)],
        sw_v.at[pl.ds(16, 16)], sem).wait()
    vg = sw_v[pl.ds(16, 16)]
    a_star = glo * 16 + plsc.all_reduce_ffs(vg >= g_head0)[0]

    a9 = a_star * 9
    w0 = pl.multiple_of((a9 // 8) * 8, 8)
    pltpu.async_copy(inv9_hbm.at[pl.ds(w0, 24)], ww_v.at[pl.ds(0, 24)],
                     sem).wait()
    iv = plsc.load_gather(ww_v, [jnp.minimum(a9 - w0 + i16, 23)])
    g3 = g_head0 * 3
    w1 = pl.multiple_of((g3 // 8) * 8, 8)
    pltpu.async_copy(bnp_hbm.at[pl.ds(w1, 16)], ww_v.at[pl.ds(0, 16)],
                     sem).wait()
    bv = plsc.load_gather(ww_v, [jnp.minimum(g3 - w1 + i16, 15)])

    hr = []
    for i in range(3):
        acc = jnp.zeros((), jnp.float32)
        for j in range(3):
            acc = acc + iv[3 * i + j] * bv[j]
        hr.append(acc)
    head_rg = jnp.where(i16 == 0, hr[0],
                        jnp.where(i16 == 1, hr[1],
                                  jnp.where(i16 == 2, hr[2], 0.0)))
    plsc.store_scatter(rg_v, [jnp.where(i16 < 3, i16, RG_TRASH)], head_rg)

    def block_body(bb, g_carry):
        b = b_lo + bb
        base = pl.multiple_of(b * ABLK, 128)
        g_lo_prev = g_carry

        def sb_body(s, g_lo_blk):
            o = s * SB
            a0 = pl.multiple_of(base + o, 128)

            first = (s == 0) & (b == b_lo) & (base0 == 0)

            @pl.when(jnp.logical_not(first))
            def _():
                pltpu.async_copy(
                    ids_hbm.at[pl.ds(pl.multiple_of(a0 - 16, 16), SB + 16)],
                    ids_v, sem).wait()

            @pl.when(first)
            def _():
                pltpu.async_copy(ids_hbm.at[pl.ds(a0, SB)],
                                 ids_v.at[pl.ds(16, SB)], sem).wait()
                ids_v[pl.ds(0, 16)] = jnp.full((16,), -1, jnp.int32)

            g_sb = ids_v[pl.ds(16, 16)][0]
            gb3 = pl.multiple_of(((g_sb * 3) // 8) * 8, 8)
            pltpu.async_copy(
                rot9_hbm.at[pl.ds(pl.multiple_of(a0 * 9, 128), SB * 9)],
                rot_v, sem).wait()
            pltpu.async_copy(
                inv9_hbm.at[pl.ds(pl.multiple_of(a0 * 9, 128), SB * 9)],
                inv_v, sem).wait()
            pltpu.async_copy(bnp_hbm.at[pl.ds(gb3, (SB + 40) * 3)],
                             bn_v, sem).wait()

            def grp_body(k, _):
                cur = ids_v[pl.ds(16 + k * 16, 16)]
                prv = ids_v[pl.ds(15 + k * 16, 16)]
                bm = cur != prv
                gl = cur - g_lo_blk
                la = jnp.full((16,), k * 16, jnp.int32) + i16
                la9 = la * 9
                bo = cur * 3 - gb3
                bc = [plsc.load_gather(bn_v, [bo + jj]) for jj in range(3)]
                gl4 = gl * 4
                for i in range(3):
                    acc = jnp.zeros((16,), jnp.float32)
                    for jj in range(3):
                        ic = plsc.load_gather(inv_v, [la9 + (3 * i + jj)])
                        acc = acc + ic * bc[jj]
                    dst = jnp.where(bm, gl4 + i, jnp.int32(RG_TRASH))
                    plsc.store_scatter(rg_v, [dst], acc)
                rc = [plsc.load_gather(rg_v, [gl4 + jj]) for jj in range(3)]
                for i in range(3):
                    acc = jnp.zeros((16,), jnp.float32)
                    for jj in range(3):
                        mc = plsc.load_gather(rot_v, [la9 + (3 * i + jj)])
                        acc = acc + mc * rc[jj]
                    ob_v[i, pl.ds(k * 16, 16)] = acc
                return 0
            lax.fori_loop(0, SB // 16, grp_body, 0)
            pltpu.async_copy(ob_v, rx_hbm.at[b, :, pl.ds(o, SB)], sem).wait()
            return g_lo_blk
        lax.fori_loop(0, NSB, sb_body, g_lo_prev)

        nb = pl.multiple_of(base + ABLK, 128)

        @pl.when(bb + 1 < b_hi - b_lo)
        def _():
            pltpu.async_copy(ids_hbm.at[pl.ds(nb, 16)],
                             sw_v.at[pl.ds(0, 16)], sem).wait()

        g_next = jnp.where(bb + 1 < b_hi - b_lo, sw_v[pl.ds(0, 16)][0],
                           g_lo_prev)
        src = jnp.minimum((g_next - g_lo_prev) * 4, RG_TRASH) \
            + jnp.where(i16 < 4, i16, 0)
        row = plsc.load_gather(rg_v, [src])
        plsc.store_scatter(rg_v, [jnp.where(i16 < 4, i16, RG_TRASH)], row)
        return g_next
    lax.fori_loop(0, b_hi - b_lo, block_body, g_head0)


def _b_body(rx_ref, sig_ref, nt_ref, q_ref):
    i = pl.program_id(0)
    sig = sig_ref[0] + jnp.float32(1e-2)
    var = sig * sig
    inv_var = 1.0 / var
    n2v = -0.5 * inv_var
    inv_rs = 1.0 / jnp.sqrt(sig)
    qacc = jnp.zeros((), jnp.float32)
    for d in range(3):
        x = sig * rx_ref[0, d]
        nt_ref[0, d] = x
        p_ = jnp.zeros_like(x)
        s_ = jnp.zeros_like(x)
        for k in range(-10, 11):
            xi = x + jnp.float32(k)
            e = jnp.exp(xi * xi * n2v)
            p_ = p_ + xi * inv_var * e
            s_ = s_ + e
        t = p_ / (s_ + jnp.float32(1e-12)) * inv_rs
        nt_ref[0, 3 + d] = t
        qacc = qacc + jnp.sum(t * t)

    @pl.when(i == 0)
    def _():
        q_ref[0, 0] = jnp.float32(0.0)
    q_ref[0, 0] += qacc


def _run_b(rx4, sig3d):
    return pl.pallas_call(
        _b_body,
        grid=(NBLK,),
        in_specs=[
            pl.BlockSpec((1, 3, ABLK // LANES, LANES), lambda i: (i, 0, 0, 0)),
            pl.BlockSpec((1, ABLK // LANES, LANES), lambda i: (i, 0, 0)),
        ],
        out_specs=[
            pl.BlockSpec((1, 6, ABLK // LANES, LANES), lambda i: (i, 0, 0, 0)),
            pl.BlockSpec(memory_space=pltpu.SMEM),
        ],
        out_shape=[
            jax.ShapeDtypeStruct((NBLK, 6, ABLK // LANES, LANES), jnp.float32),
            jax.ShapeDtypeStruct((1, 1), jnp.float32),
        ],
    )(rx4, sig3d)


@functools.lru_cache(maxsize=None)
def _make_c():
    return pl.kernel(
        _c,
        mesh=_mesh(),
        compiler_params=pltpu.CompilerParams(needs_layout_passes=False),
        out_type=jax.ShapeDtypeStruct((NG_PAD * 8,), jnp.float32),
        scratch_types=[
            pltpu.VMEM((SB,), jnp.int32),
            pltpu.VMEM((SB * 3,), jnp.float32),
            pltpu.VMEM((6, SB), jnp.float32),
            pltpu.VMEM((ACC_T + 16,), jnp.float32),
            pltpu.VMEM((32,), jnp.int32),
            pltpu.SemaphoreType.DMA,
        ],
    )


def _c(ids_hbm, frac_hbm, nt_hbm, acc_hbm,
       ids_v, frac_v, nt_v, acc_v, sw_v, sem):
    w = _worker_id()
    i16 = _i16()
    s_lo = w * GS
    s_hi = s_lo + GS

    def z_body(k, _):
        acc_v[pl.ds(k * 16, 16)] = jnp.zeros((16,), jnp.float32)
        return 0
    lax.fori_loop(0, (ACC_T + 16) // 16, z_body, 0)

    def srch(val, off):
        def step(t, carry):
            lo, hi = carry
            mid = (lo + hi) // 2
            pltpu.async_copy(
                ids_hbm.at[pl.ds(pl.multiple_of(mid * SB + off, 16), 16)],
                sw_v.at[pl.ds(0, 16)], sem).wait()
            v = sw_v[pl.ds(0, 16)][15 if off else 0]
            found = v >= val
            return (jnp.where(found, lo, mid + 1), jnp.where(found, mid, hi))
        lo, _ = lax.fori_loop(0, 11, step, (jnp.int32(0), jnp.int32(NSBG)))
        return lo
    sb_lo = srch(s_lo, SB - 16)
    sb_hi = srch(s_hi, 0)

    def sb_body(t, _):
        sbg = sb_lo + t
        b = sbg // NSB
        o = (sbg % NSB) * SB
        a0 = pl.multiple_of(sbg * SB, 128)
        pltpu.async_copy(ids_hbm.at[pl.ds(a0, SB)], ids_v, sem).wait()
        pltpu.async_copy(
            frac_hbm.at[pl.ds(pl.multiple_of(a0 * 3, 128), SB * 3)],
            frac_v, sem).wait()
        pltpu.async_copy(nt_hbm.at[b, :, pl.ds(o, SB)], nt_v, sem).wait()

        def grp_body(k, _):
            rr = k * 16 + i16
            ids16 = ids_v[pl.ds(k * 16, 16)]
            inr = (ids16 >= s_lo) & (ids16 < s_hi)
            b8 = jnp.where(inr, (ids16 - s_lo) * 8, jnp.int32(ACC_T))
            r3 = rr * 3
            for d in range(3):
                nz = nt_v[d, pl.ds(k * 16, 16)]
                fc = plsc.load_gather(frac_v, [r3 + d])
                x = fc + nz
                xt = x.astype(jnp.int32).astype(jnp.float32)
                fl = x - xt
                fl = jnp.where(fl < 0, fl + 1.0, fl)
                plsc.addupdate_scatter(acc_v, [b8 + d], fl)
                tv = nt_v[3 + d, pl.ds(k * 16, 16)]
                plsc.addupdate_scatter(acc_v, [b8 + (3 + d)], tv)
            plsc.addupdate_scatter(acc_v, [b8 + 6],
                                   jnp.full((16,), 1.0, jnp.float32))
            return 0
        lax.fori_loop(0, SB // 16, grp_body, 0)
        return 0
    lax.fori_loop(0, jnp.maximum(sb_hi - sb_lo, 0), sb_body, 0)

    pltpu.sync_copy(acc_v.at[pl.ds(0, ACC_T)],
                    acc_hbm.at[pl.ds(pl.multiple_of(w * ACC_T, 128), ACC_T)])


def _d_body(acc_ref, q_ref, out_ref):
    x = acc_ref[...]
    lane = lax.broadcasted_iota(jnp.int32, x.shape, 1) % 8
    tb = jnp.roll(x, -3, axis=1)
    c6 = jnp.roll(x, -6, axis=1)
    c5 = jnp.roll(x, -5, axis=1)
    c4 = jnp.roll(x, -4, axis=1)
    cb = jnp.where(lane == 0, c6, jnp.where(lane == 1, c5, c4))
    cp = jnp.maximum(cb, 1.0)
    term = (x * x) * cb / (cp * cp) - 2.0 * x * tb / cp
    term = jnp.where(lane < 3, term, 0.0)
    out_ref[0, 0] = (jnp.sum(term) + q_ref[0, 0]) * jnp.float32(1.0 / (3.0 * NA))


def _run_d(acc3, q):
    return pl.pallas_call(
        _d_body,
        in_specs=[
            pl.BlockSpec((NG_PAD * 8 // LANES, LANES), lambda: (0, 0)),
            pl.BlockSpec(memory_space=pltpu.SMEM),
        ],
        out_specs=pl.BlockSpec(memory_space=pltpu.SMEM),
        out_shape=jax.ShapeDtypeStruct((1, 1), jnp.float32),
    )(acc3, q)


def kernel(frac_coords, rotation, inv_rotation, base_noise, sigmas_per_atom,
           segment_ids):
    ids = segment_ids.astype(jnp.int32)
    inv9 = inv_rotation.reshape(NA * 9)
    rot9 = rotation.reshape(NA * 9)
    bnp = jnp.concatenate(
        [base_noise, jnp.zeros((SB + 80, 3), jnp.float32)], axis=0).reshape(-1)
    sig3d = sigmas_per_atom.reshape(NBLK, ABLK // LANES, LANES)
    fracf = frac_coords.reshape(NA * 3)

    rx = _make_a()(ids, rot9, inv9, bnp)
    rx4 = rx.reshape(NBLK, 3, ABLK // LANES, LANES)
    nt, q = _run_b(rx4, sig3d)
    ntv = nt.reshape(NBLK, 6, ABLK)
    acc = _make_c()(ids, fracf, ntv)
    acc3 = acc.reshape(NG_PAD * 8 // LANES, LANES)
    loss = _run_d(acc3, q)
    return loss.reshape(())

# --- scband reference (transcript-rebuilt; emitter-appended) ---
"""Pipeline reference for scband-cspdiffusion-61907658605066 (READ-ONLY COPY).

The authoritative reference and input builder live on the scoring server;
editing this copy changes nothing except your own understanding.
"""

import jax, jax.numpy as jnp
import numpy as np

N = 1600000
G = 100000

def d_log_p_wrapped_normal(x, sigma, Nw=10, T=1.0):
    # score of wrapped normal, truncated sum (DiffCSP-style)
    p_ = jnp.zeros_like(x)
    s_ = jnp.zeros_like(x)
    var = sigma ** 2
    for i in range(-Nw, Nw + 1):
        xi = x + T * i
        e = jnp.exp(-(xi ** 2) / (2.0 * var))
        p_ = p_ + (xi / var) * e
        s_ = s_ + e
    return p_ / (s_ + 1e-12)

def setup_inputs(seed: int = 0) -> dict:
    key = jax.random.key(seed)
    ks = jax.random.split(key, 6)
    frac_coords = jax.random.uniform(ks[0], (N, 3), dtype=jnp.float32)
    rotation = jax.random.normal(ks[1], (N, 3, 3), dtype=jnp.float32)
    inv_rotation = jax.random.normal(ks[2], (N, 3, 3), dtype=jnp.float32)
    base_noise = jax.random.normal(ks[3], (G, 3), dtype=jnp.float32)
    sigmas_per_atom = jax.random.uniform(ks[4], (N, 1), dtype=jnp.float32)
    segment_ids = jnp.sort(jax.random.randint(ks[5], (N,), 0, G, dtype=jnp.int32))
    return {"frac_coords": frac_coords, "rotation": rotation, "inv_rotation": inv_rotation, "base_noise": base_noise, "sigmas_per_atom": sigmas_per_atom, "segment_ids": segment_ids}

def reference(frac_coords, rotation, inv_rotation, base_noise, sigmas_per_atom, segment_ids):
    sig = sigmas_per_atom + 1e-2
    # anchor index = first atom of each segment (cumsum of wp_len in original)
    anchor = jnp.clip(jnp.searchsorted(segment_ids, jnp.arange(G, dtype=segment_ids.dtype)), 0, N - 1)
    # rand_x = bmm(inv_rotation[anchor_idx], base_noise)
    rg = jnp.einsum('gij,gj->gi', jnp.take(inv_rotation, anchor, axis=0), base_noise)
    # repeat_interleave over segments == gather by segment_ids
    rx = jnp.take(rg, segment_ids, axis=0)
    # rand_x = bmm(rotation, rand_x)
    rx = jnp.einsum('nij,nj->ni', rotation, rx)
    noise = sig * rx
    input_frac = (frac_coords + noise) % 1.0
    # scatter-mean over segments, then broadcast back (repeat_interleave)
    counts = jnp.bincount(segment_ids, length=G).astype(jnp.float32)
    seg_sum = jax.ops.segment_sum(input_frac, segment_ids, num_segments=G)
    seg_mean = seg_sum / jnp.maximum(counts, 1.0)[:, None]
    pred = jnp.take(seg_mean, segment_ids, axis=0)
    tar = d_log_p_wrapped_normal(noise, sig) / jnp.sqrt(sig)
    loss_coord = jnp.mean((pred - tar) ** 2)
    return loss_coord

if __name__ == "__main__":
    import jax
    _d = setup_inputs()
    print(jax.jit(kernel)(*tuple(_d.values())))

</pallas_src>

<mosaic_0001>
#map = affine_map<(d0, d1) -> (0)>
#map1 = affine_map<(d0, d1) -> (0, 0, 0)>
module attributes {stable_mosaic.version = 14 : i64} {
  func.func @_a(%arg0: i32, %arg1: i32, %arg2: memref<1600000xi32, #tpu.memory_space<hbm>>, %arg3: memref<14400000xf32, #tpu.memory_space<hbm>>, %arg4: memref<14400000xf32, #tpu.memory_space<hbm>>, %arg5: memref<307920xf32, #tpu.memory_space<hbm>>, %arg6: memref<125x3x12800xf32, #tpu.memory_space<hbm>>, %arg7: memref<2576xi32, #tpu.memory_space<vmem>>, %arg8: memref<23040xf32, #tpu.memory_space<vmem>>, %arg9: memref<23040xf32, #tpu.memory_space<vmem>>, %arg10: memref<7800xf32, #tpu.memory_space<vmem>>, %arg11: memref<51264xf32, #tpu.memory_space<vmem>>, %arg12: memref<3x2560xf32, #tpu.memory_space<vmem>>, %arg13: memref<32xi32, #tpu.memory_space<vmem>>, %arg14: memref<32xf32, #tpu.memory_space<vmem>>, %arg15: memref<!tpu.dma_semaphore, #tpu.memory_space<semaphore_mem>>) attributes {dimension_semantics = [#tpu.dimension_semantics<core_parallel>, #tpu.dimension_semantics<subcore_parallel>], iteration_bounds = array<i64: 2, 16>, scalar_prefetch = 0 : i64, scratch_operands = 9 : i64, tpu.core_type = #tpu.core_type<sc_vector_subcore>, window_params = [{transform_indices = #map}, {transform_indices = #map}, {transform_indices = #map}, {transform_indices = #map}, {transform_indices = #map1}]} {
    %mul3A = arith.constant 2 : i32
    %mul3A_0 = arith.muli %arg1, %mul3A : i32
    %add3A = arith.addi %mul3A_0, %arg0 : i32
    %iota3A = tpu.iota {dimensions = array<i32: 0>} : vector<16xi32>
    %mul3A_1 = arith.constant 4 : i32
    %mul3A_2 = arith.muli %add3A, %mul3A_1 : i32
    %add3A_3 = arith.constant 4 : i32
    %add3A_4 = arith.addi %mul3A_2, %add3A_3 : i32
    %min3A = arith.constant 125 : i32
    %min3A_5 = arith.minsi %add3A_4, %min3A : i32
    %mul3A_6 = arith.constant 12800 : i32
    %mul3A_7 = arith.muli %mul3A_2, %mul3A_6 : i32
    %multiple_of3A = tpu.assume_multiple %mul3A_7, 128 : i32
    %dma_start3A = arith.constant 0 : i32
    %dma_start3A_8 = tpu.memref_slice %arg13[%dma_start3A] : memref<32xi32, #tpu.memory_space<vmem>> -> memref<16xi32, #tpu.memory_space<vmem>>
    %dma_start3A_9 = tpu.memref_slice %arg2[%multiple_of3A] : memref<1600000xi32, #tpu.memory_space<hbm>> -> memref<16xi32, #tpu.memory_space<hbm>>
    %dma_start3A_10 = arith.constant 0 : i32
    %dma_start3A_11 = tpu.memref_slice %arg13[%dma_start3A_10] : memref<32xi32, #tpu.memory_space<vmem>> -> memref<16xi32, #tpu.memory_space<vmem>>
    %dma_start3A_12 = tpu.memref_slice %arg2[%multiple_of3A] : memref<1600000xi32, #tpu.memory_space<hbm>> -> memref<16xi32, #tpu.memory_space<hbm>>
    tpu.enqueue_dma source(%dma_start3A_12 : memref<16xi32, #tpu.memory_space<hbm>>) target(%dma_start3A_11 : memref<16xi32, #tpu.memory_space<vmem>>) target_semaphore(%arg15 : memref<!tpu.dma_semaphore, #tpu.memory_space<semaphore_mem>>)
    %dma_wait3A = arith.constant 0 : i32
    %dma_wait3A_13 = tpu.memref_slice %arg13[%dma_wait3A] : memref<32xi32, #tpu.memory_space<vmem>> -> memref<16xi32, #tpu.memory_space<vmem>>
    %dma_wait3A_14 = tpu.memref_slice %arg2[%multiple_of3A] : memref<1600000xi32, #tpu.memory_space<hbm>> -> memref<16xi32, #tpu.memory_space<hbm>>
    %dma_wait3A_15 = arith.constant 0 : i32
    %dma_wait3A_16 = tpu.memref_slice %arg13[%dma_wait3A_15] : memref<32xi32, #tpu.memory_space<vmem>> -> memref<16xi32, #tpu.memory_space<vmem>>
    %dma_wait3A_17 = tpu.memref_slice %arg2[%multiple_of3A] : memref<1600000xi32, #tpu.memory_space<hbm>> -> memref<16xi32, #tpu.memory_space<hbm>>
    tpu.wait_dma2 semaphore(%arg15 : memref<!tpu.dma_semaphore, #tpu.memory_space<semaphore_mem>>) src(%dma_wait3A_17 : memref<16xi32, #tpu.memory_space<hbm>>) dst(%dma_wait3A_16 : memref<16xi32, #tpu.memory_space<vmem>>)
    %get3A = arith.constant 0 : index
    %get3A_18 = tpu.vector_load %arg13[%get3A] {strides = array<i32>} : memref<32xi32, #tpu.memory_space<vmem>>, vector<16xi32>,
    %slice3A = vector.extract_strided_slice %get3A_18 {offsets = [0], sizes = [1], strides = [1]} : vector<16xi32> to vector<1xi32>
    %squeeze3A = vector.extract %slice3A[0] : i32 from vector<1xi32>
    %jit3A = arith.constant 16 : i32
    %div3A = arith.divsi %multiple_of3A, %jit3A : i32
    %sign3A = arith.constant 0 : i32
    %sign3A_19 = arith.cmpi sgt, %multiple_of3A, %sign3A : i32
    %sign3A_20 = arith.extui %sign3A_19 : i1 to i32
    %sign3A_21 = arith.constant 0 : i32
    %sign3A_22 = arith.cmpi slt, %multiple_of3A, %sign3A_21 : i32
    %sign3A_23 = arith.extui %sign3A_22 : i1 to i32
    %sign3A_24 = arith.subi %sign3A_20, %sign3A_23 : i32
    %sign3A_25 = arith.constant 0 : i32
    %sign3A_26 = arith.cmpi sgt, %jit3A, %sign3A_25 : i32
    %sign3A_27 = arith.extui %sign3A_26 : i1 to i32
    %sign3A_28 = arith.constant 0 : i32
    %sign3A_29 = arith.cmpi slt, %jit3A, %sign3A_28 : i32
    %sign3A_30 = arith.extui %sign3A_29 : i1 to i32
    %sign3A_31 = arith.subi %sign3A_27, %sign3A_30 : i32
    %ne3A = arith.cmpi ne, %sign3A_24, %sign3A_31 : i32
    %rem3A = arith.remsi %multiple_of3A, %jit3A : i32
    %ne3A_32 = arith.constant 0 : i32
    %ne3A_33 = arith.cmpi ne, %rem3A, %ne3A_32 : i32
    %and3A = arith.andi %ne3A, %ne3A_33 : i1
    %sub3A = arith.constant 1 : i32
    %sub3A_34 = arith.subi %div3A, %sub3A : i32
    %select_n3A = arith.select %and3A, %sub3A_34, %div3A : i32
    %scan3A = arith.constant 0 : i32
    %scan3A_35 = arith.constant 0 : i32
    %scan3A_36 = arith.constant 17 : i32
    %scan3A_37 = arith.addi %scan3A_35, %scan3A_36 : i32
    %scan3A_38 = arith.constant 1 : i32
    %scan3A_39:2 = scf.for %scan3A_247 = %scan3A_35 to %scan3A_37 step %scan3A_38 iter_args(%scan3A_248 = %scan3A, %scan3A_249 = %select_n3A) -> (i32, i32)  : i32 {
      %add3A_250 = arith.addi %scan3A_248, %scan3A_249 : i32
      %jit3A_251 = arith.constant 2 : i32
      %div3A_252 = arith.divsi %add3A_250, %jit3A_251 : i32
      %sign3A_253 = arith.constant 0 : i32
      %sign3A_254 = arith.cmpi sgt, %add3A_250, %sign3A_253 : i32
      %sign3A_255 = arith.extui %sign3A_254 : i1 to i32
      %sign3A_256 = arith.constant 0 : i32
      %sign3A_257 = arith.cmpi slt, %add3A_250, %sign3A_256 : i32
      %sign3A_258 = arith.extui %sign3A_257 : i1 to i32
      %sign3A_259 = arith.subi %sign3A_255, %sign3A_258 : i32
      %sign3A_260 = arith.constant 0 : i32
      %sign3A_261 = arith.cmpi sgt, %jit3A_251, %sign3A_260 : i32
      %sign3A_262 = arith.extui %sign3A_261 : i1 to i32
      %sign3A_263 = arith.constant 0 : i32
      %sign3A_264 = arith.cmpi slt, %jit3A_251, %sign3A_263 : i32
      %sign3A_265 = arith.extui %sign3A_264 : i1 to i32
      %sign3A_266 = arith.subi %sign3A_262, %sign3A_265 : i32
      %ne3A_267 = arith.cmpi ne, %sign3A_259, %sign3A_266 : i32
      %rem3A_268 = arith.remsi %add3A_250, %jit3A_251 : i32
      %ne3A_269 = arith.constant 0 : i32
      %ne3A_270 = arith.cmpi ne, %rem3A_268, %ne3A_269 : i32
      %and3A_271 = arith.andi %ne3A_267, %ne3A_270 : i1
      %sub3A_272 = arith.constant 1 : i32
      %sub3A_273 = arith.subi %div3A_252, %sub3A_272 : i32
      %select_n3A_274 = arith.select %and3A_271, %sub3A_273, %div3A_252 : i32
      %mul3A_275 = arith.constant 16 : i32
      %mul3A_276 = arith.muli %select_n3A_274, %mul3A_275 : i32
      %multiple_of3A_277 = tpu.assume_multiple %mul3A_276, 16 : i32
      %dma_start3A_278 = arith.constant 16 : i32
      %dma_start3A_279 = tpu.memref_slice %arg13[%dma_start3A_278] : memref<32xi32, #tpu.memory_space<vmem>> -> memref<16xi32, #tpu.memory_space<vmem>>
      %dma_start3A_280 = tpu.memref_slice %arg2[%multiple_of3A_277] : memref<1600000xi32, #tpu.memory_space<hbm>> -> memref<16xi32, #tpu.memory_space<hbm>>
      %dma_start3A_281 = arith.constant 16 : i32
      %dma_start3A_282 = tpu.memref_slice %arg13[%dma_start3A_281] : memref<32xi32, #tpu.memory_space<vmem>> -> memref<16xi32, #tpu.memory_space<vmem>>
      %dma_start3A_283 = tpu.memref_slice %arg2[%multiple_of3A_277] : memref<1600000xi32, #tpu.memory_space<hbm>> -> memref<16xi32, #tpu.memory_space<hbm>>
      tpu.enqueue_dma source(%dma_start3A_283 : memref<16xi32, #tpu.memory_space<hbm>>) target(%dma_start3A_282 : memref<16xi32, #tpu.memory_space<vmem>>) target_semaphore(%arg15 : memref<!tpu.dma_semaphore, #tpu.memory_space<semaphore_mem>>)
      %dma_wait3A_284 = arith.constant 16 : i32
      %dma_wait3A_285 = tpu.memref_slice %arg13[%dma_wait3A_284] : memref<32xi32, #tpu.memory_space<vmem>> -> memref<16xi32, #tpu.memory_space<vmem>>
      %dma_wait3A_286 = tpu.memref_slice %arg2[%multiple_of3A_277] : memref<1600000xi32, #tpu.memory_space<hbm>> -> memref<16xi32, #tpu.memory_space<hbm>>
      %dma_wait3A_287 = arith.constant 16 : i32
      %dma_wait3A_288 = tpu.memref_slice %arg13[%dma_wait3A_287] : memref<32xi32, #tpu.memory_space<vmem>> -> memref<16xi32, #tpu.memory_space<vmem>>
      %dma_wait3A_289 = tpu.memref_slice %arg2[%multiple_of3A_277] : memref<1600000xi32, #tpu.memory_space<hbm>> -> memref<16xi32, #tpu.memory_space<hbm>>
      tpu.wait_dma2 semaphore(%arg15 : memref<!tpu.dma_semaphore, #tpu.memory_space<semaphore_mem>>) src(%dma_wait3A_289 : memref<16xi32, #tpu.memory_space<hbm>>) dst(%dma_wait3A_288 : memref<16xi32, #tpu.memory_space<vmem>>)
      %get3A_290 = arith.constant 16 : index
      %get3A_291 = tpu.vector_load %arg13[%get3A_290] {strides = array<i32>} : memref<32xi32, #tpu.memory_space<vmem>>, vector<16xi32>,
      %slice3A_292 = vector.extract_strided_slice %get3A_291 {offsets = [15], sizes = [1], strides = [1]} : vector<16xi32> to vector<1xi32>
      %squeeze3A_293 = vector.extract %slice3A_292[0] : i32 from vector<1xi32>
      %ge3A_294 = arith.cmpi sge, %squeeze3A_293, %squeeze3A : i32
      %add3A_295 = arith.constant 1 : i32
      %add3A_296 = arith.addi %select_n3A_274, %add3A_295 : i32
      %select_n3A_297 = arith.select %ge3A_294, %scan3A_248, %add3A_296 : i32
      %select_n3A_298 = arith.select %ge3A_294, %select_n3A_274, %scan3A_249 : i32
      scf.yield %select_n3A_297, %select_n3A_298 : i32, i32
    }
    %scan3A_40 = arith.constant 17 : i32
    %mul3A_41 = arith.constant 16 : i32
    %mul3A_42 = arith.muli %scan3A_39#0, %mul3A_41 : i32
    %multiple_of3A_43 = tpu.assume_multiple %mul3A_42, 16 : i32
    %dma_start3A_44 = arith.constant 16 : i32
    %dma_start3A_45 = tpu.memref_slice %arg13[%dma_start3A_44] : memref<32xi32, #tpu.memory_space<vmem>> -> memref<16xi32, #tpu.memory_space<vmem>>
    %dma_start3A_46 = tpu.memref_slice %arg2[%multiple_of3A_43] : memref<1600000xi32, #tpu.memory_space<hbm>> -> memref<16xi32, #tpu.memory_space<hbm>>
    %dma_start3A_47 = arith.constant 16 : i32
    %dma_start3A_48 = tpu.memref_slice %arg13[%dma_start3A_47] : memref<32xi32, #tpu.memory_space<vmem>> -> memref<16xi32, #tpu.memory_space<vmem>>
    %dma_start3A_49 = tpu.memref_slice %arg2[%multiple_of3A_43] : memref<1600000xi32, #tpu.memory_space<hbm>> -> memref<16xi32, #tpu.memory_space<hbm>>
    tpu.enqueue_dma source(%dma_start3A_49 : memref<16xi32, #tpu.memory_space<hbm>>) target(%dma_start3A_48 : memref<16xi32, #tpu.memory_space<vmem>>) target_semaphore(%arg15 : memref<!tpu.dma_semaphore, #tpu.memory_space<semaphore_mem>>)
    %dma_wait3A_50 = arith.constant 16 : i32
    %dma_wait3A_51 = tpu.memref_slice %arg13[%dma_wait3A_50] : memref<32xi32, #tpu.memory_space<vmem>> -> memref<16xi32, #tpu.memory_space<vmem>>
    %dma_wait3A_52 = tpu.memref_slice %arg2[%multiple_of3A_43] : memref<1600000xi32, #tpu.memory_space<hbm>> -> memref<16xi32, #tpu.memory_space<hbm>>
    %dma_wait3A_53 = arith.constant 16 : i32
    %dma_wait3A_54 = tpu.memref_slice %arg13[%dma_wait3A_53] : memref<32xi32, #tpu.memory_space<vmem>> -> memref<16xi32, #tpu.memory_space<vmem>>
    %dma_wait3A_55 = tpu.memref_slice %arg2[%multiple_of3A_43] : memref<1600000xi32, #tpu.memory_space<hbm>> -> memref<16xi32, #tpu.memory_space<hbm>>
    tpu.wait_dma2 semaphore(%arg15 : memref<!tpu.dma_semaphore, #tpu.memory_space<semaphore_mem>>) src(%dma_wait3A_55 : memref<16xi32, #tpu.memory_space<hbm>>) dst(%dma_wait3A_54 : memref<16xi32, #tpu.memory_space<vmem>>)
    %get3A_56 = arith.constant 16 : index
    %get3A_57 = tpu.vector_load %arg13[%get3A_56] {strides = array<i32>} : memref<32xi32, #tpu.memory_space<vmem>>, vector<16xi32>,
    %mul3A_58 = arith.constant 16 : i32
    %mul3A_59 = arith.muli %scan3A_39#0, %mul3A_58 : i32
    %ge3A = vector.broadcast %squeeze3A : i32 to vector<16xi32>
    %ge3A_60 = arith.cmpi sge, %get3A_57, %ge3A : vector<16xi32>
    %all_reduce_ffs3A = tpu.all_reduce %ge3A_60 {dim = 0 : i64, kind = #tpu.reduction_kind<find_first_set>} : vector<16xi1> -> vector<16xi32>
    %slice3A_61 = vector.extract_strided_slice %all_reduce_ffs3A {offsets = [0], sizes = [1], strides = [1]} : vector<16xi32> to vector<1xi32>
    %squeeze3A_62 = vector.extract %slice3A_61[0] : i32 from vector<1xi32>
    %add3A_63 = arith.addi %mul3A_59, %squeeze3A_62 : i32
    %mul3A_64 = arith.constant 9 : i32
    %mul3A_65 = arith.muli %add3A_63, %mul3A_64 : i32
    %jit3A_66 = arith.constant 8 : i32
    %div3A_67 = arith.divsi %mul3A_65, %jit3A_66 : i32
    %sign3A_68 = arith.constant 0 : i32
    %sign3A_69 = arith.cmpi sgt, %mul3A_65, %sign3A_68 : i32
    %sign3A_70 = arith.extui %sign3A_69 : i1 to i32
    %sign3A_71 = arith.constant 0 : i32
    %sign3A_72 = arith.cmpi slt, %mul3A_65, %sign3A_71 : i32
    %sign3A_73 = arith.extui %sign3A_72 : i1 to i32
    %sign3A_74 = arith.subi %sign3A_70, %sign3A_73 : i32
    %sign3A_75 = arith.constant 0 : i32
    %sign3A_76 = arith.cmpi sgt, %jit3A_66, %sign3A_75 : i32
    %sign3A_77 = arith.extui %sign3A_76 : i1 to i32
    %sign3A_78 = arith.constant 0 : i32
    %sign3A_79 = arith.cmpi slt, %jit3A_66, %sign3A_78 : i32
    %sign3A_80 = arith.extui %sign3A_79 : i1 to i32
    %sign3A_81 = arith.subi %sign3A_77, %sign3A_80 : i32
    %ne3A_82 = arith.cmpi ne, %sign3A_74, %sign3A_81 : i32
    %rem3A_83 = arith.remsi %mul3A_65, %jit3A_66 : i32
    %ne3A_84 = arith.constant 0 : i32
    %ne3A_85 = arith.cmpi ne, %rem3A_83, %ne3A_84 : i32
    %and3A_86 = arith.andi %ne3A_82, %ne3A_85 : i1
    %sub3A_87 = arith.constant 1 : i32
    %sub3A_88 = arith.subi %div3A_67, %sub3A_87 : i32
    %select_n3A_89 = arith.select %and3A_86, %sub3A_88, %div3A_67 : i32
    %mul3A_90 = arith.constant 8 : i32
    %mul3A_91 = arith.muli %select_n3A_89, %mul3A_90 : i32
    %multiple_of3A_92 = tpu.assume_multiple %mul3A_91, 8 : i32
    %dma_start3A_93 = arith.constant 0 : i32
    %dma_start3A_94 = tpu.memref_slice %arg14[%dma_start3A_93] : memref<32xf32, #tpu.memory_space<vmem>> -> memref<24xf32, #tpu.memory_space<vmem>>
    %dma_start3A_95 = tpu.memref_slice %arg4[%multiple_of3A_92] : memref<14400000xf32, #tpu.memory_space<hbm>> -> memref<24xf32, #tpu.memory_space<hbm>>
    %dma_start3A_96 = arith.constant 0 : i32
    %dma_start3A_97 = tpu.memref_slice %arg14[%dma_start3A_96] : memref<32xf32, #tpu.memory_space<vmem>> -> memref<24xf32, #tpu.memory_space<vmem>>
    %dma_start3A_98 = tpu.memref_slice %arg4[%multiple_of3A_92] : memref<14400000xf32, #tpu.memory_space<hbm>> -> memref<24xf32, #tpu.memory_space<hbm>>
    tpu.enqueue_dma source(%dma_start3A_98 : memref<24xf32, #tpu.memory_space<hbm>>) target(%dma_start3A_97 : memref<24xf32, #tpu.memory_space<vmem>>) target_semaphore(%arg15 : memref<!tpu.dma_semaphore, #tpu.memory_space<semaphore_mem>>)
    %dma_wait3A_99 = arith.constant 0 : i32
    %dma_wait3A_100 = tpu.memref_slice %arg14[%dma_wait3A_99] : memref<32xf32, #tpu.memory_space<vmem>> -> memref<24xf32, #tpu.memory_space<vmem>>
    %dma_wait3A_101 = tpu.memref_slice %arg4[%multiple_of3A_92] : memref<14400000xf32, #tpu.memory_space<hbm>> -> memref<24xf32, #tpu.memory_space<hbm>>
    %dma_wait3A_102 = arith.constant 0 : i32
    %dma_wait3A_103 = tpu.memref_slice %arg14[%dma_wait3A_102] : memref<32xf32, #tpu.memory_space<vmem>> -> memref<24xf32, #tpu.memory_space<vmem>>
    %dma_wait3A_104 = tpu.memref_slice %arg4[%multiple_of3A_92] : memref<14400000xf32, #tpu.memory_space<hbm>> -> memref<24xf32, #tpu.memory_space<hbm>>
    tpu.wait_dma2 semaphore(%arg15 : memref<!tpu.dma_semaphore, #tpu.memory_space<semaphore_mem>>) src(%dma_wait3A_104 : memref<24xf32, #tpu.memory_space<hbm>>) dst(%dma_wait3A_103 : memref<24xf32, #tpu.memory_space<vmem>>)
    %sub3A_105 = arith.subi %mul3A_65, %multiple_of3A_92 : i32
    %add3A_106 = vector.broadcast %sub3A_105 : i32 to vector<16xi32>
    %add3A_107 = arith.addi %add3A_106, %iota3A : vector<16xi32>
    %min3A_108 = arith.constant 23 : i32
    %min3A_109 = vector.broadcast %min3A_108 : i32 to vector<16xi32>
    %min3A_110 = arith.minsi %add3A_107, %min3A_109 : vector<16xi32>
    %gather3A = tpu.vector_load_idx %arg14[%min3A_110] : memref<32xf32, #tpu.memory_space<vmem>>[vector<16xi32>], vector<16xf32>,
    %mul3A_111 = arith.constant 3 : i32
    %mul3A_112 = arith.muli %squeeze3A, %mul3A_111 : i32
    %jit3A_113 = arith.constant 8 : i32
    %div3A_114 = arith.divsi %mul3A_112, %jit3A_113 : i32
    %sign3A_115 = arith.constant 0 : i32
    %sign3A_116 = arith.cmpi sgt, %mul3A_112, %sign3A_115 : i32
    %sign3A_117 = arith.extui %sign3A_116 : i1 to i32
    %sign3A_118 = arith.constant 0 : i32
    %sign3A_119 = arith.cmpi slt, %mul3A_112, %sign3A_118 : i32
    %sign3A_120 = arith.extui %sign3A_119 : i1 to i32
    %sign3A_121 = arith.subi %sign3A_117, %sign3A_120 : i32
    %sign3A_122 = arith.constant 0 : i32
    %sign3A_123 = arith.cmpi sgt, %jit3A_113, %sign3A_122 : i32
    %sign3A_124 = arith.extui %sign3A_123 : i1 to i32
    %sign3A_125 = arith.constant 0 : i32
    %sign3A_126 = arith.cmpi slt, %jit3A_113, %sign3A_125 : i32
    %sign3A_127 = arith.extui %sign3A_126 : i1 to i32
    %sign3A_128 = arith.subi %sign3A_124, %sign3A_127 : i32
    %ne3A_129 = arith.cmpi ne, %sign3A_121, %sign3A_128 : i32
    %rem3A_130 = arith.remsi %mul3A_112, %jit3A_113 : i32
    %ne3A_131 = arith.constant 0 : i32
    %ne3A_132 = arith.cmpi ne, %rem3A_130, %ne3A_131 : i32
    %and3A_133 = arith.andi %ne3A_129, %ne3A_132 : i1
    %sub3A_134 = arith.constant 1 : i32
    %sub3A_135 = arith.subi %div3A_114, %sub3A_134 : i32
    %select_n3A_136 = arith.select %and3A_133, %sub3A_135, %div3A_114 : i32
    %mul3A_137 = arith.constant 8 : i32
    %mul3A_138 = arith.muli %select_n3A_136, %mul3A_137 : i32
    %multiple_of3A_139 = tpu.assume_multiple %mul3A_138, 8 : i32
    %dma_start3A_140 = arith.constant 0 : i32
    %dma_start3A_141 = tpu.memref_slice %arg14[%dma_start3A_140] : memref<32xf32, #tpu.memory_space<vmem>> -> memref<16xf32, #tpu.memory_space<vmem>>
    %dma_start3A_142 = tpu.memref_slice %arg5[%multiple_of3A_139] : memref<307920xf32, #tpu.memory_space<hbm>> -> memref<16xf32, #tpu.memory_space<hbm>>
    %dma_start3A_143 = arith.constant 0 : i32
    %dma_start3A_144 = tpu.memref_slice %arg14[%dma_start3A_143] : memref<32xf32, #tpu.memory_space<vmem>> -> memref<16xf32, #tpu.memory_space<vmem>>
    %dma_start3A_145 = tpu.memref_slice %arg5[%multiple_of3A_139] : memref<307920xf32, #tpu.memory_space<hbm>> -> memref<16xf32, #tpu.memory_space<hbm>>
    tpu.enqueue_dma source(%dma_start3A_145 : memref<16xf32, #tpu.memory_space<hbm>>) target(%dma_start3A_144 : memref<16xf32, #tpu.memory_space<vmem>>) target_semaphore(%arg15 : memref<!tpu.dma_semaphore, #tpu.memory_space<semaphore_mem>>)
    %dma_wait3A_146 = arith.constant 0 : i32
    %dma_wait3A_147 = tpu.memref_slice %arg14[%dma_wait3A_146] : memref<32xf32, #tpu.memory_space<vmem>> -> memref<16xf32, #tpu.memory_space<vmem>>
    %dma_wait3A_148 = tpu.memref_slice %arg5[%multiple_of3A_139] : memref<307920xf32, #tpu.memory_space<hbm>> -> memref<16xf32, #tpu.memory_space<hbm>>
    %dma_wait3A_149 = arith.constant 0 : i32
    %dma_wait3A_150 = tpu.memref_slice %arg14[%dma_wait3A_149] : memref<32xf32, #tpu.memory_space<vmem>> -> memref<16xf32, #tpu.memory_space<vmem>>
    %dma_wait3A_151 = tpu.memref_slice %arg5[%multiple_of3A_139] : memref<307920xf32, #tpu.memory_space<hbm>> -> memref<16xf32, #tpu.memory_space<hbm>>
    tpu.wait_dma2 semaphore(%arg15 : memref<!tpu.dma_semaphore, #tpu.memory_space<semaphore_mem>>) src(%dma_wait3A_151 : memref<16xf32, #tpu.memory_space<hbm>>) dst(%dma_wait3A_150 : memref<16xf32, #tpu.memory_space<vmem>>)
    %sub3A_152 = arith.subi %mul3A_112, %multiple_of3A_139 : i32
    %add3A_153 = vector.broadcast %sub3A_152 : i32 to vector<16xi32>
    %add3A_154 = arith.addi %add3A_153, %iota3A : vector<16xi32>
    %min3A_155 = arith.constant 15 : i32
    %min3A_156 = vector.broadcast %min3A_155 : i32 to vector<16xi32>
    %min3A_157 = arith.minsi %add3A_154, %min3A_156 : vector<16xi32>
    %gather3A_158 = tpu.vector_load_idx %arg14[%min3A_157] : memref<32xf32, #tpu.memory_space<vmem>>[vector<16xi32>], vector<16xf32>,
    %slice3A_159 = vector.extract_strided_slice %gather3A {offsets = [0], sizes = [1], strides = [1]} : vector<16xf32> to vector<1xf32>
    %squeeze3A_160 = vector.extract %slice3A_159[0] : f32 from vector<1xf32>
    %slice3A_161 = vector.extract_strided_slice %gather3A_158 {offsets = [0], sizes = [1], strides = [1]} : vector<16xf32> to vector<1xf32>
    %squeeze3A_162 = vector.extract %slice3A_161[0] : f32 from vector<1xf32>
    %mul3A_163 = arith.mulf %squeeze3A_160, %squeeze3A_162 : f32
    %add3A_164 = arith.constant 0.000000e+00 : f32
    %add3A_165 = arith.addf %add3A_164, %mul3A_163 : f32
    %slice3A_166 = vector.extract_strided_slice %gather3A {offsets = [1], sizes = [1], strides = [1]} : vector<16xf32> to vector<1xf32>
    %squeeze3A_167 = vector.extract %slice3A_166[0] : f32 from vector<1xf32>
    %slice3A_168 = vector.extract_strided_slice %gather3A_158 {offsets = [1], sizes = [1], strides = [1]} : vector<16xf32> to vector<1xf32>
    %squeeze3A_169 = vector.extract %slice3A_168[0] : f32 from vector<1xf32>
    %mul3A_170 = arith.mulf %squeeze3A_167, %squeeze3A_169 : f32
    %add3A_171 = arith.addf %add3A_165, %mul3A_170 : f32
    %slice3A_172 = vector.extract_strided_slice %gather3A {offsets = [2], sizes = [1], strides = [1]} : vector<16xf32> to vector<1xf32>
    %squeeze3A_173 = vector.extract %slice3A_172[0] : f32 from vector<1xf32>
    %slice3A_174 = vector.extract_strided_slice %gather3A_158 {offsets = [2], sizes = [1], strides = [1]} : vector<16xf32> to vector<1xf32>
    %squeeze3A_175 = vector.extract %slice3A_174[0] : f32 from vector<1xf32>
    %mul3A_176 = arith.mulf %squeeze3A_173, %squeeze3A_175 : f32
    %add3A_177 = arith.addf %add3A_171, %mul3A_176 : f32
    %slice3A_178 = vector.extract_strided_slice %gather3A {offsets = [3], sizes = [1], strides = [1]} : vector<16xf32> to vector<1xf32>
    %squeeze3A_179 = vector.extract %slice3A_178[0] : f32 from vector<1xf32>
    %slice3A_180 = vector.extract_strided_slice %gather3A_158 {offsets = [0], sizes = [1], strides = [1]} : vector<16xf32> to vector<1xf32>
    %squeeze3A_181 = vector.extract %slice3A_180[0] : f32 from vector<1xf32>
    %mul3A_182 = arith.mulf %squeeze3A_179, %squeeze3A_181 : f32
    %add3A_183 = arith.constant 0.000000e+00 : f32
    %add3A_184 = arith.addf %add3A_183, %mul3A_182 : f32
    %slice3A_185 = vector.extract_strided_slice %gather3A {offsets = [4], sizes = [1], strides = [1]} : vector<16xf32> to vector<1xf32>
    %squeeze3A_186 = vector.extract %slice3A_185[0] : f32 from vector<1xf32>
    %slice3A_187 = vector.extract_strided_slice %gather3A_158 {offsets = [1], sizes = [1], strides = [1]} : vector<16xf32> to vector<1xf32>
    %squeeze3A_188 = vector.extract %slice3A_187[0] : f32 from vector<1xf32>
    %mul3A_189 = arith.mulf %squeeze3A_186, %squeeze3A_188 : f32
    %add3A_190 = arith.addf %add3A_184, %mul3A_189 : f32
    %slice3A_191 = vector.extract_strided_slice %gather3A {offsets = [5], sizes = [1], strides = [1]} : vector<16xf32> to vector<1xf32>
    %squeeze3A_192 = vector.extract %slice3A_191[0] : f32 from vector<1xf32>
    %slice3A_193 = vector.extract_strided_slice %gather3A_158 {offsets = [2], sizes = [1], strides = [1]} : vector<16xf32> to vector<1xf32>
    %squeeze3A_194 = vector.extract %slice3A_193[0] : f32 from vector<1xf32>
    %mul3A_195 = arith.mulf %squeeze3A_192, %squeeze3A_194 : f32
    %add3A_196 = arith.addf %add3A_190, %mul3A_195 : f32
    %slice3A_197 = vector.extract_strided_slice %gather3A {offsets = [6], sizes = [1], strides = [1]} : vector<16xf32> to vector<1xf32>
    %squeeze3A_198 = vector.extract %slice3A_197[0] : f32 from vector<1xf32>
    %slice3A_199 = vector.extract_strided_slice %gather3A_158 {offsets = [0], sizes = [1], strides = [1]} : vector<16xf32> to vector<1xf32>
    %squeeze3A_200 = vector.extract %slice3A_199[0] : f32 from vector<1xf32>
    %mul3A_201 = arith.mulf %squeeze3A_198, %squeeze3A_200 : f32
    %add3A_202 = arith.constant 0.000000e+00 : f32
    %add3A_203 = arith.addf %add3A_202, %mul3A_201 : f32
    %slice3A_204 = vector.extract_strided_slice %gather3A {offsets = [7], sizes = [1], strides = [1]} : vector<16xf32> to vector<1xf32>
    %squeeze3A_205 = vector.extract %slice3A_204[0] : f32 from vector<1xf32>
    %slice3A_206 = vector.extract_strided_slice %gather3A_158 {offsets = [1], sizes = [1], strides = [1]} : vector<16xf32> to vector<1xf32>
    %squeeze3A_207 = vector.extract %slice3A_206[0] : f32 from vector<1xf32>
    %mul3A_208 = arith.mulf %squeeze3A_205, %squeeze3A_207 : f32
    %add3A_209 = arith.addf %add3A_203, %mul3A_208 : f32
    %slice3A_210 = vector.extract_strided_slice %gather3A {offsets = [8], sizes = [1], strides = [1]} : vector<16xf32> to vector<1xf32>
    %squeeze3A_211 = vector.extract %slice3A_210[0] : f32 from vector<1xf32>
    %slice3A_212 = vector.extract_strided_slice %gather3A_158 {offsets = [2], sizes = [1], strides = [1]} : vector<16xf32> to vector<1xf32>
    %squeeze3A_213 = vector.extract %slice3A_212[0] : f32 from vector<1xf32>
    %mul3A_214 = arith.mulf %squeeze3A_211, %squeeze3A_213 : f32
    %add3A_215 = arith.addf %add3A_209, %mul3A_214 : f32
    %eq3A = arith.constant 0 : i32
    %eq3A_216 = vector.broadcast %eq3A : i32 to vector<16xi32>
    %eq3A_217 = arith.cmpi eq, %iota3A, %eq3A_216 : vector<16xi32>
    %eq3A_218 = arith.constant 1 : i32
    %eq3A_219 = vector.broadcast %eq3A_218 : i32 to vector<16xi32>
    %eq3A_220 = arith.cmpi eq, %iota3A, %eq3A_219 : vector<16xi32>
    %eq3A_221 = arith.constant 2 : i32
    %eq3A_222 = vector.broadcast %eq3A_221 : i32 to vector<16xi32>
    %eq3A_223 = arith.cmpi eq, %iota3A, %eq3A_222 : vector<16xi32>
    %jit3A_224 = arith.constant 0.000000e+00 : f32
    %broadcast_in_dim3A = vector.broadcast %add3A_215 : f32 to vector<16xf32>
    %broadcast_in_dim3A_225 = vector.broadcast %jit3A_224 : f32 to vector<16xf32>
    %select_n3A_226 = arith.select %eq3A_223, %broadcast_in_dim3A, %broadcast_in_dim3A_225 : vector<16xi1>, vector<16xf32>
    %broadcast_in_dim3A_227 = vector.broadcast %add3A_196 : f32 to vector<16xf32>
    %select_n3A_228 = arith.select %eq3A_220, %broadcast_in_dim3A_227, %select_n3A_226 : vector<16xi1>, vector<16xf32>
    %broadcast_in_dim3A_229 = vector.broadcast %add3A_177 : f32 to vector<16xf32>
    %select_n3A_230 = arith.select %eq3A_217, %broadcast_in_dim3A_229, %select_n3A_228 : vector<16xi1>, vector<16xf32>
    %lt3A = arith.constant 3 : i32
    %lt3A_231 = vector.broadcast %lt3A : i32 to vector<16xi32>
    %lt3A_232 = arith.cmpi slt, %iota3A, %lt3A_231 : vector<16xi32>
    %jit3A_233 = arith.constant 51200 : i32
    %broadcast_in_dim3A_234 = vector.broadcast %jit3A_233 : i32 to vector<16xi32>
    %select_n3A_235 = arith.select %lt3A_232, %iota3A, %broadcast_in_dim3A_234 : vector<16xi1>, vector<16xi32>
    tpu.vector_store_idx %arg11[%select_n3A_235], %select_n3A_230 : memref<51264xf32, #tpu.memory_space<vmem>>[vector<16xi32>], vector<16xf32>,
    %sub3A_236 = arith.subi %min3A_5, %mul3A_2 : i32
    %while3A = arith.constant 0 : i32
    %while3A_237 = arith.subi %sub3A_236, %while3A : i32
    %while3A_238 = arith.addi %while3A, %while3A_237 : i32
    %while3A_239 = arith.constant 1 : i32
    %while3A_240 = arith.divsi %while3A_237, %while3A_239 : i32
    %while3A_241 = arith.muli %while3A_240, %while3A_239 : i32
    %while3A_242 = arith.addi %while3A, %while3A_241 : i32
    %while3A_243 = arith.constant 1 : i32
    %while3A_244 = scf.for %while3A_247 = %while3A to %while3A_242 step %while3A_243 iter_args(%while3A_248 = %squeeze3A) -> (i32)  : i32 {
      %add3A_249 = arith.addi %mul3A_2, %while3A_247 : i32
      %mul3A_250 = arith.constant 12800 : i32
      %mul3A_251 = arith.muli %add3A_249, %mul3A_250 : i32
      %multiple_of3A_252 = tpu.assume_multiple %mul3A_251, 128 : i32
      %scan3A_253 = arith.constant 0 : i32
      %scan3A_254 = arith.constant 5 : i32
      %scan3A_255 = arith.addi %scan3A_253, %scan3A_254 : i32
      %scan3A_256 = arith.constant 1 : i32
      scf.for %scan3A_295 = %scan3A_253 to %scan3A_255 step %scan3A_256  : i32 {
        %mul3A_296 = arith.constant 2560 : i32
        %mul3A_297 = arith.muli %scan3A_295, %mul3A_296 : i32
        %add3A_298 = arith.addi %multiple_of3A_252, %mul3A_297 : i32
        %multiple_of3A_299 = tpu.assume_multiple %add3A_298, 128 : i32
        %eq3A_300 = arith.constant 0 : i32
        %eq3A_301 = arith.cmpi eq, %scan3A_295, %eq3A_300 : i32
        %eq3A_302 = arith.cmpi eq, %add3A_249, %mul3A_2 : i32
        %and3A_303 = arith.andi %eq3A_301, %eq3A_302 : i1
        %eq3A_304 = arith.constant 0 : i32
        %eq3A_305 = arith.cmpi eq, %multiple_of3A, %eq3A_304 : i32
        %and3A_306 = arith.andi %and3A_303, %eq3A_305 : i1
        %not3A = arith.constant true
        %not3A_307 = arith.xori %and3A_306, %not3A : i1
        %convert_element_type3A_308 = arith.extui %not3A_307 : i1 to i32
        %cond3A_309 = arith.constant 0 : i32
        %cond3A_310 = arith.cmpi ne, %convert_element_type3A_308, %cond3A_309 : i32
        scf.if %cond3A_310 {
          %sub3A_384 = arith.constant 16 : i32
          %sub3A_385 = arith.subi %multiple_of3A_299, %sub3A_384 : i32
          %multiple_of3A_386 = tpu.assume_multiple %sub3A_385, 16 : i32
          %dma_start3A_387 = tpu.memref_slice %arg2[%multiple_of3A_386] : memref<1600000xi32, #tpu.memory_space<hbm>> -> memref<2576xi32, #tpu.memory_space<hbm>>
          %dma_start3A_388 = tpu.memref_slice %arg2[%multiple_of3A_386] : memref<1600000xi32, #tpu.memory_space<hbm>> -> memref<2576xi32, #tpu.memory_space<hbm>>
          tpu.enqueue_dma source(%dma_start3A_388 : memref<2576xi32, #tpu.memory_space<hbm>>) target(%arg7 : memref<2576xi32, #tpu.memory_space<vmem>>) target_semaphore(%arg15 : memref<!tpu.dma_semaphore, #tpu.memory_space<semaphore_mem>>)
          %dma_wait3A_389 = tpu.memref_slice %arg2[%multiple_of3A_386] : memref<1600000xi32, #tpu.memory_space<hbm>> -> memref<2576xi32, #tpu.memory_space<hbm>>
          %dma_wait3A_390 = tpu.memref_slice %arg2[%multiple_of3A_386] : memref<1600000xi32, #tpu.memory_space<hbm>> -> memref<2576xi32, #tpu.memory_space<hbm>>
          tpu.wait_dma2 semaphore(%arg15 : memref<!tpu.dma_semaphore, #tpu.memory_space<semaphore_mem>>) src(%dma_wait3A_390 : memref<2576xi32, #tpu.memory_space<hbm>>) dst(%arg7 : memref<2576xi32, #tpu.memory_space<vmem>>)
        } else {
        }
        %convert_element_type3A_311 = arith.extui %and3A_306 : i1 to i32
        %cond3A_312 = arith.constant 0 : i32
        %cond3A_313 = arith.cmpi ne, %convert_element_type3A_311, %cond3A_312 : i32
        scf.if %cond3A_313 {
          %dma_start3A_384 = arith.constant 16 : i32
          %dma_start3A_385 = tpu.memref_slice %arg7[%dma_start3A_384] : memref<2576xi32, #tpu.memory_space<vmem>> -> memref<2560xi32, #tpu.memory_space<vmem>>
          %dma_start3A_386 = tpu.memref_slice %arg2[%multiple_of3A_299] : memref<1600000xi32, #tpu.memory_space<hbm>> -> memref<2560xi32, #tpu.memory_space<hbm>>
          %dma_start3A_387 = arith.constant 16 : i32
          %dma_start3A_388 = tpu.memref_slice %arg7[%dma_start3A_387] : memref<2576xi32, #tpu.memory_space<vmem>> -> memref<2560xi32, #tpu.memory_space<vmem>>
          %dma_start3A_389 = tpu.memref_slice %arg2[%multiple_of3A_299] : memref<1600000xi32, #tpu.memory_space<hbm>> -> memref<2560xi32, #tpu.memory_space<hbm>>
          tpu.enqueue_dma source(%dma_start3A_389 : memref<2560xi32, #tpu.memory_space<hbm>>) target(%dma_start3A_388 : memref<2560xi32, #tpu.memory_space<vmem>>) target_semaphore(%arg15 : memref<!tpu.dma_semaphore, #tpu.memory_space<semaphore_mem>>)
          %dma_wait3A_390 = arith.constant 16 : i32
          %dma_wait3A_391 = tpu.memref_slice %arg7[%dma_wait3A_390] : memref<2576xi32, #tpu.memory_space<vmem>> -> memref<2560xi32, #tpu.memory_space<vmem>>
          %dma_wait3A_392 = tpu.memref_slice %arg2[%multiple_of3A_299] : memref<1600000xi32, #tpu.memory_space<hbm>> -> memref<2560xi32, #tpu.memory_space<hbm>>
          %dma_wait3A_393 = arith.constant 16 : i32
          %dma_wait3A_394 = tpu.memref_slice %arg7[%dma_wait3A_393] : memref<2576xi32, #tpu.memory_space<vmem>> -> memref<2560xi32, #tpu.memory_space<vmem>>
          %dma_wait3A_395 = tpu.memref_slice %arg2[%multiple_of3A_299] : memref<1600000xi32, #tpu.memory_space<hbm>> -> memref<2560xi32, #tpu.memory_space<hbm>>
          tpu.wait_dma2 semaphore(%arg15 : memref<!tpu.dma_semaphore, #tpu.memory_space<semaphore_mem>>) src(%dma_wait3A_395 : memref<2560xi32, #tpu.memory_space<hbm>>) dst(%dma_wait3A_394 : memref<2560xi32, #tpu.memory_space<vmem>>)
          %broadcast_in_dim3A_396 = arith.constant -1 : i32
          %broadcast_in_dim3A_397 = vector.broadcast %broadcast_in_dim3A_396 : i32 to vector<16xi32>
          %swap3A = arith.constant 0 : index
          %swap3A_398 = tpu.vector_load %arg7[%swap3A] {strides = array<i32>} : memref<2576xi32, #tpu.memory_space<vmem>>, vector<16xi32>,
          tpu.vector_store %arg7[%swap3A], %broadcast_in_dim3A_397 {strides = array<i32>} : memref<2576xi32, #tpu.memory_space<vmem>>, vector<16xi32>,
        } else {
        }
        %get3A_314 = arith.constant 16 : index
        %get3A_315 = tpu.vector_load %arg7[%get3A_314] {strides = array<i32>} : memref<2576xi32, #tpu.memory_space<vmem>>, vector<16xi32>,
        %slice3A_316 = vector.extract_strided_slice %get3A_315 {offsets = [0], sizes = [1], strides = [1]} : vector<16xi32> to vector<1xi32>
        %squeeze3A_317 = vector.extract %slice3A_316[0] : i32 from vector<1xi32>
        %mul3A_318 = arith.constant 3 : i32
        %mul3A_319 = arith.muli %squeeze3A_317, %mul3A_318 : i32
        %jit3A_320 = arith.constant 8 : i32
        %div3A_321 = arith.divsi %mul3A_319, %jit3A_320 : i32
        %sign3A_322 = arith.constant 0 : i32
        %sign3A_323 = arith.cmpi sgt, %mul3A_319, %sign3A_322 : i32
        %sign3A_324 = arith.extui %sign3A_323 : i1 to i32
        %sign3A_325 = arith.constant 0 : i32
        %sign3A_326 = arith.cmpi slt, %mul3A_319, %sign3A_325 : i32
        %sign3A_327 = arith.extui %sign3A_326 : i1 to i32
        %sign3A_328 = arith.subi %sign3A_324, %sign3A_327 : i32
        %sign3A_329 = arith.constant 0 : i32
        %sign3A_330 = arith.cmpi sgt, %jit3A_320, %sign3A_329 : i32
        %sign3A_331 = arith.extui %sign3A_330 : i1 to i32
        %sign3A_332 = arith.constant 0 : i32
        %sign3A_333 = arith.cmpi slt, %jit3A_320, %sign3A_332 : i32
        %sign3A_334 = arith.extui %sign3A_333 : i1 to i32
        %sign3A_335 = arith.subi %sign3A_331, %sign3A_334 : i32
        %ne3A_336 = arith.cmpi ne, %sign3A_328, %sign3A_335 : i32
        %rem3A_337 = arith.remsi %mul3A_319, %jit3A_320 : i32
        %ne3A_338 = arith.constant 0 : i32
        %ne3A_339 = arith.cmpi ne, %rem3A_337, %ne3A_338 : i32
        %and3A_340 = arith.andi %ne3A_336, %ne3A_339 : i1
        %sub3A_341 = arith.constant 1 : i32
        %sub3A_342 = arith.subi %div3A_321, %sub3A_341 : i32
        %select_n3A_343 = arith.select %and3A_340, %sub3A_342, %div3A_321 : i32
        %mul3A_344 = arith.constant 8 : i32
        %mul3A_345 = arith.muli %select_n3A_343, %mul3A_344 : i32
        %multiple_of3A_346 = tpu.assume_multiple %mul3A_345, 8 : i32
        %mul3A_347 = arith.constant 9 : i32
        %mul3A_348 = arith.muli %multiple_of3A_299, %mul3A_347 : i32
        %multiple_of3A_349 = tpu.assume_multiple %mul3A_348, 128 : i32
        %dma_start3A_350 = tpu.memref_slice %arg3[%multiple_of3A_349] : memref<14400000xf32, #tpu.memory_space<hbm>> -> memref<23040xf32, #tpu.memory_space<hbm>>
        %dma_start3A_351 = tpu.memref_slice %arg3[%multiple_of3A_349] : memref<14400000xf32, #tpu.memory_space<hbm>> -> memref<23040xf32, #tpu.memory_space<hbm>>
        tpu.enqueue_dma source(%dma_start3A_351 : memref<23040xf32, #tpu.memory_space<hbm>>) target(%arg8 : memref<23040xf32, #tpu.memory_space<vmem>>) target_semaphore(%arg15 : memref<!tpu.dma_semaphore, #tpu.memory_space<semaphore_mem>>)
        %dma_wait3A_352 = tpu.memref_slice %arg3[%multiple_of3A_349] : memref<14400000xf32, #tpu.memory_space<hbm>> -> memref<23040xf32, #tpu.memory_space<hbm>>
        %dma_wait3A_353 = tpu.memref_slice %arg3[%multiple_of3A_349] : memref<14400000xf32, #tpu.memory_space<hbm>> -> memref<23040xf32, #tpu.memory_space<hbm>>
        tpu.wait_dma2 semaphore(%arg15 : memref<!tpu.dma_semaphore, #tpu.memory_space<semaphore_mem>>) src(%dma_wait3A_353 : memref<23040xf32, #tpu.memory_space<hbm>>) dst(%arg8 : memref<23040xf32, #tpu.memory_space<vmem>>)
        %mul3A_354 = arith.constant 9 : i32
        %mul3A_355 = arith.muli %multiple_of3A_299, %mul3A_354 : i32
        %multiple_of3A_356 = tpu.assume_multiple %mul3A_355, 128 : i32
        %dma_start3A_357 = tpu.memref_slice %arg4[%multiple_of3A_356] : memref<14400000xf32, #tpu.memory_space<hbm>> -> memref<23040xf32, #tpu.memory_space<hbm>>
        %dma_start3A_358 = tpu.memref_slice %arg4[%multiple_of3A_356] : memref<14400000xf32, #tpu.memory_space<hbm>> -> memref<23040xf32, #tpu.memory_space<hbm>>
        tpu.enqueue_dma source(%dma_start3A_358 : memref<23040xf32, #tpu.memory_space<hbm>>) target(%arg9 : memref<23040xf32, #tpu.memory_space<vmem>>) target_semaphore(%arg15 : memref<!tpu.dma_semaphore, #tpu.memory_space<semaphore_mem>>)
        %dma_wait3A_359 = tpu.memref_slice %arg4[%multiple_of3A_356] : memref<14400000xf32, #tpu.memory_space<hbm>> -> memref<23040xf32, #tpu.memory_space<hbm>>
        %dma_wait3A_360 = tpu.memref_slice %arg4[%multiple_of3A_356] : memref<14400000xf32, #tpu.memory_space<hbm>> -> memref<23040xf32, #tpu.memory_space<hbm>>
        tpu.wait_dma2 semaphore(%arg15 : memref<!tpu.dma_semaphore, #tpu.memory_space<semaphore_mem>>) src(%dma_wait3A_360 : memref<23040xf32, #tpu.memory_space<hbm>>) dst(%arg9 : memref<23040xf32, #tpu.memory_space<vmem>>)
        %dma_start3A_361 = tpu.memref_slice %arg5[%multiple_of3A_346] : memref<307920xf32, #tpu.memory_space<hbm>> -> memref<7800xf32, #tpu.memory_space<hbm>>
        %dma_start3A_362 = tpu.memref_slice %arg5[%multiple_of3A_346] : memref<307920xf32, #tpu.memory_space<hbm>> -> memref<7800xf32, #tpu.memory_space<hbm>>
        tpu.enqueue_dma source(%dma_start3A_362 : memref<7800xf32, #tpu.memory_space<hbm>>) target(%arg10 : memref<7800xf32, #tpu.memory_space<vmem>>) target_semaphore(%arg15 : memref<!tpu.dma_semaphore, #tpu.memory_space<semaphore_mem>>)
        %dma_wait3A_363 = tpu.memref_slice %arg5[%multiple_of3A_346] : memref<307920xf32, #tpu.memory_space<hbm>> -> memref<7800xf32, #tpu.memory_space<hbm>>
        %dma_wait3A_364 = tpu.memref_slice %arg5[%multiple_of3A_346] : memref<307920xf32, #tpu.memory_space<hbm>> -> memref<7800xf32, #tpu.memory_space<hbm>>
        tpu.wait_dma2 semaphore(%arg15 : memref<!tpu.dma_semaphore, #tpu.memory_space<semaphore_mem>>) src(%dma_wait3A_364 : memref<7800xf32, #tpu.memory_space<hbm>>) dst(%arg10 : memref<7800xf32, #tpu.memory_space<vmem>>)
        %scan3A_365 = arith.constant 0 : i32
        %scan3A_366 = arith.constant 0 : i32
        %scan3A_367 = arith.constant 160 : i32
        %scan3A_368 = arith.addi %scan3A_366, %scan3A_367 : i32
        %scan3A_369 = arith.constant 1 : i32
        %scan3A_370 = scf.for %scan3A_384 = %scan3A_366 to %scan3A_368 step %scan3A_369 iter_args(%scan3A_385 = %scan3A_365) -> (i32)  : i32 {
          %mul3A_386 = arith.constant 16 : i32
          %mul3A_387 = arith.muli %scan3A_384, %mul3A_386 : i32
          %add3A_388 = arith.constant 16 : i32
          %add3A_389 = arith.addi %add3A_388, %mul3A_387 : i32
          %get3A_390 = arith.index_cast %add3A_389 : i32 to index
          %get3A_391 = tpu.vector_load %arg7[%get3A_390] {strides = array<i32>} : memref<2576xi32, #tpu.memory_space<vmem>>, vector<16xi32>,
          %mul3A_392 = arith.constant 16 : i32
          %mul3A_393 = arith.muli %scan3A_384, %mul3A_392 : i32
          %add3A_394 = arith.constant 15 : i32
          %add3A_395 = arith.addi %add3A_394, %mul3A_393 : i32
          %get3A_396 = arith.index_cast %add3A_395 : i32 to index
          %get3A_397 = tpu.vector_load %arg7[%get3A_396] {strides = array<i32>} : memref<2576xi32, #tpu.memory_space<vmem>>, vector<16xi32>,
          %ne3A_398 = arith.cmpi ne, %get3A_391, %get3A_397 : vector<16xi32>
          %sub3A_399 = vector.broadcast %while3A_248 : i32 to vector<16xi32>
          %sub3A_400 = arith.subi %get3A_391, %sub3A_399 : vector<16xi32>
          %mul3A_401 = arith.constant 16 : i32
          %mul3A_402 = arith.muli %scan3A_384, %mul3A_401 : i32
          %broadcast_in_dim3A_403 = vector.broadcast %mul3A_402 : i32 to vector<16xi32>
          %add3A_404 = arith.addi %broadcast_in_dim3A_403, %iota3A : vector<16xi32>
          %mul3A_405 = arith.constant 9 : i32
          %mul3A_406 = vector.broadcast %mul3A_405 : i32 to vector<16xi32>
          %mul3A_407 = arith.muli %add3A_404, %mul3A_406 : vector<16xi32>
          %mul3A_408 = arith.constant 3 : i32
          %mul3A_409 = vector.broadcast %mul3A_408 : i32 to vector<16xi32>
          %mul3A_410 = arith.muli %get3A_391, %mul3A_409 : vector<16xi32>
          %sub3A_411 = vector.broadcast %multiple_of3A_346 : i32 to vector<16xi32>
          %sub3A_412 = arith.subi %mul3A_410, %sub3A_411 : vector<16xi32>
          %add3A_413 = arith.constant 0 : i32
          %add3A_414 = vector.broadcast %add3A_413 : i32 to vector<16xi32>
          %add3A_415 = arith.addi %sub3A_412, %add3A_414 : vector<16xi32>
          %gather3A_416 = tpu.vector_load_idx %arg10[%add3A_415] : memref<7800xf32, #tpu.memory_space<vmem>>[vector<16xi32>], vector<16xf32>,
          %add3A_417 = arith.constant 1 : i32
          %add3A_418 = vector.broadcast %add3A_417 : i32 to vector<16xi32>
          %add3A_419 = arith.addi %sub3A_412, %add3A_418 : vector<16xi32>
          %gather3A_420 = tpu.vector_load_idx %arg10[%add3A_419] : memref<7800xf32, #tpu.memory_space<vmem>>[vector<16xi32>], vector<16xf32>,
          %add3A_421 = arith.constant 2 : i32
          %add3A_422 = vector.broadcast %add3A_421 : i32 to vector<16xi32>
          %add3A_423 = arith.addi %sub3A_412, %add3A_422 : vector<16xi32>
          %gather3A_424 = tpu.vector_load_idx %arg10[%add3A_423] : memref<7800xf32, #tpu.memory_space<vmem>>[vector<16xi32>], vector<16xf32>,
          %mul3A_425 = arith.constant 4 : i32
          %mul3A_426 = vector.broadcast %mul3A_425 : i32 to vector<16xi32>
          %mul3A_427 = arith.muli %sub3A_400, %mul3A_426 : vector<16xi32>
          %broadcast_in_dim3A_428 = arith.constant 0.000000e+00 : f32
          %broadcast_in_dim3A_429 = vector.broadcast %broadcast_in_dim3A_428 : f32 to vector<16xf32>
          %add3A_430 = arith.constant 0 : i32
          %add3A_431 = vector.broadcast %add3A_430 : i32 to vector<16xi32>
          %add3A_432 = arith.addi %mul3A_407, %add3A_431 : vector<16xi32>
          %gather3A_433 = tpu.vector_load_idx %arg9[%add3A_432] : memref<23040xf32, #tpu.memory_space<vmem>>[vector<16xi32>], vector<16xf32>,
          %mul3A_434 = arith.mulf %gather3A_433, %gather3A_416 : vector<16xf32>
          %add3A_435 = arith.addf %broadcast_in_dim3A_429, %mul3A_434 : vector<16xf32>
          %add3A_436 = arith.constant 1 : i32
          %add3A_437 = vector.broadcast %add3A_436 : i32 to vector<16xi32>
          %add3A_438 = arith.addi %mul3A_407, %add3A_437 : vector<16xi32>
          %gather3A_439 = tpu.vector_load_idx %arg9[%add3A_438] : memref<23040xf32, #tpu.memory_space<vmem>>[vector<16xi32>], vector<16xf32>,
          %mul3A_440 = arith.mulf %gather3A_439, %gather3A_420 : vector<16xf32>
          %add3A_441 = arith.addf %add3A_435, %mul3A_440 : vector<16xf32>
          %add3A_442 = arith.constant 2 : i32
          %add3A_443 = vector.broadcast %add3A_442 : i32 to vector<16xi32>
          %add3A_444 = arith.addi %mul3A_407, %add3A_443 : vector<16xi32>
          %gather3A_445 = tpu.vector_load_idx %arg9[%add3A_444] : memref<23040xf32, #tpu.memory_space<vmem>>[vector<16xi32>], vector<16xf32>,
          %mul3A_446 = arith.mulf %gather3A_445, %gather3A_424 : vector<16xf32>
          %add3A_447 = arith.addf %add3A_441, %mul3A_446 : vector<16xf32>
          %add3A_448 = arith.constant 0 : i32
          %add3A_449 = vector.broadcast %add3A_448 : i32 to vector<16xi32>
          %add3A_450 = arith.addi %mul3A_427, %add3A_449 : vector<16xi32>
          %jit3A_451 = arith.constant 51200 : i32
          %broadcast_in_dim3A_452 = vector.broadcast %jit3A_451 : i32 to vector<16xi32>
          %select_n3A_453 = arith.select %ne3A_398, %add3A_450, %broadcast_in_dim3A_452 : vector<16xi1>, vector<16xi32>
          tpu.vector_store_idx %arg11[%select_n3A_453], %add3A_447 : memref<51264xf32, #tpu.memory_space<vmem>>[vector<16xi32>], vector<16xf32>,
          %broadcast_in_dim3A_454 = arith.constant 0.000000e+00 : f32
          %broadcast_in_dim3A_455 = vector.broadcast %broadcast_in_dim3A_454 : f32 to vector<16xf32>
          %add3A_456 = arith.constant 3 : i32
          %add3A_457 = vector.broadcast %add3A_456 : i32 to vector<16xi32>
          %add3A_458 = arith.addi %mul3A_407, %add3A_457 : vector<16xi32>
          %gather3A_459 = tpu.vector_load_idx %arg9[%add3A_458] : memref<23040xf32, #tpu.memory_space<vmem>>[vector<16xi32>], vector<16xf32>,
          %mul3A_460 = arith.mulf %gather3A_459, %gather3A_416 : vector<16xf32>
          %add3A_461 = arith.addf %broadcast_in_dim3A_455, %mul3A_460 : vector<16xf32>
          %add3A_462 = arith.constant 4 : i32
          %add3A_463 = vector.broadcast %add3A_462 : i32 to vector<16xi32>
          %add3A_464 = arith.addi %mul3A_407, %add3A_463 : vector<16xi32>
          %gather3A_465 = tpu.vector_load_idx %arg9[%add3A_464] : memref<23040xf32, #tpu.memory_space<vmem>>[vector<16xi32>], vector<16xf32>,
          %mul3A_466 = arith.mulf %gather3A_465, %gather3A_420 : vector<16xf32>
          %add3A_467 = arith.addf %add3A_461, %mul3A_466 : vector<16xf32>
          %add3A_468 = arith.constant 5 : i32
          %add3A_469 = vector.broadcast %add3A_468 : i32 to vector<16xi32>
          %add3A_470 = arith.addi %mul3A_407, %add3A_469 : vector<16xi32>
          %gather3A_471 = tpu.vector_load_idx %arg9[%add3A_470] : memref<23040xf32, #tpu.memory_space<vmem>>[vector<16xi32>], vector<16xf32>,
          %mul3A_472 = arith.mulf %gather3A_471, %gather3A_424 : vector<16xf32>
          %add3A_473 = arith.addf %add3A_467, %mul3A_472 : vector<16xf32>
          %add3A_474 = arith.constant 1 : i32
          %add3A_475 = vector.broadcast %add3A_474 : i32 to vector<16xi32>
          %add3A_476 = arith.addi %mul3A_427, %add3A_475 : vector<16xi32>
          %jit3A_477 = arith.constant 51200 : i32
          %broadcast_in_dim3A_478 = vector.broadcast %jit3A_477 : i32 to vector<16xi32>
          %select_n3A_479 = arith.select %ne3A_398, %add3A_476, %broadcast_in_dim3A_478 : vector<16xi1>, vector<16xi32>
          tpu.vector_store_idx %arg11[%select_n3A_479], %add3A_473 : memref<51264xf32, #tpu.memory_space<vmem>>[vector<16xi32>], vector<16xf32>,
          %broadcast_in_dim3A_480 = arith.constant 0.000000e+00 : f32
          %broadcast_in_dim3A_481 = vector.broadcast %broadcast_in_dim3A_480 : f32 to vector<16xf32>
          %add3A_482 = arith.constant 6 : i32
          %add3A_483 = vector.broadcast %add3A_482 : i32 to vector<16xi32>
          %add3A_484 = arith.addi %mul3A_407, %add3A_483 : vector<16xi32>
          %gather3A_485 = tpu.vector_load_idx %arg9[%add3A_484] : memref<23040xf32, #tpu.memory_space<vmem>>[vector<16xi32>], vector<16xf32>,
          %mul3A_486 = arith.mulf %gather3A_485, %gather3A_416 : vector<16xf32>
          %add3A_487 = arith.addf %broadcast_in_dim3A_481, %mul3A_486 : vector<16xf32>
          %add3A_488 = arith.constant 7 : i32
          %add3A_489 = vector.broadcast %add3A_488 : i32 to vector<16xi32>
          %add3A_490 = arith.addi %mul3A_407, %add3A_489 : vector<16xi32>
          %gather3A_491 = tpu.vector_load_idx %arg9[%add3A_490] : memref<23040xf32, #tpu.memory_space<vmem>>[vector<16xi32>], vector<16xf32>,
          %mul3A_492 = arith.mulf %gather3A_491, %gather3A_420 : vector<16xf32>
          %add3A_493 = arith.addf %add3A_487, %mul3A_492 : vector<16xf32>
          %add3A_494 = arith.constant 8 : i32
          %add3A_495 = vector.broadcast %add3A_494 : i32 to vector<16xi32>
          %add3A_496 = arith.addi %mul3A_407, %add3A_495 : vector<16xi32>
          %gather3A_497 = tpu.vector_load_idx %arg9[%add3A_496] : memref<23040xf32, #tpu.memory_space<vmem>>[vector<16xi32>], vector<16xf32>,
          %mul3A_498 = arith.mulf %gather3A_497, %gather3A_424 : vector<16xf32>
          %add3A_499 = arith.addf %add3A_493, %mul3A_498 : vector<16xf32>
          %add3A_500 = arith.constant 2 : i32
          %add3A_501 = vector.broadcast %add3A_500 : i32 to vector<16xi32>
          %add3A_502 = arith.addi %mul3A_427, %add3A_501 : vector<16xi32>
          %jit3A_503 = arith.constant 51200 : i32
          %broadcast_in_dim3A_504 = vector.broadcast %jit3A_503 : i32 to vector<16xi32>
          %select_n3A_505 = arith.select %ne3A_398, %add3A_502, %broadcast_in_dim3A_504 : vector<16xi1>, vector<16xi32>
          tpu.vector_store_idx %arg11[%select_n3A_505], %add3A_499 : memref<51264xf32, #tpu.memory_space<vmem>>[vector<16xi32>], vector<16xf32>,
          %add3A_506 = arith.constant 0 : i32
          %add3A_507 = vector.broadcast %add3A_506 : i32 to vector<16xi32>
          %add3A_508 = arith.addi %mul3A_427, %add3A_507 : vector<16xi32>
          %gather3A_509 = tpu.vector_load_idx %arg11[%add3A_508] : memref<51264xf32, #tpu.memory_space<vmem>>[vector<16xi32>], vector<16xf32>,
          %add3A_510 = arith.constant 1 : i32
          %add3A_511 = vector.broadcast %add3A_510 : i32 to vector<16xi32>
          %add3A_512 = arith.addi %mul3A_427, %add3A_511 : vector<16xi32>
          %gather3A_513 = tpu.vector_load_idx %arg11[%add3A_512] : memref<51264xf32, #tpu.memory_space<vmem>>[vector<16xi32>], vector<16xf32>,
          %add3A_514 = arith.constant 2 : i32
          %add3A_515 = vector.broadcast %add3A_514 : i32 to vector<16xi32>
          %add3A_516 = arith.addi %mul3A_427, %add3A_515 : vector<16xi32>
          %gather3A_517 = tpu.vector_load_idx %arg11[%add3A_516] : memref<51264xf32, #tpu.memory_space<vmem>>[vector<16xi32>], vector<16xf32>,
          %broadcast_in_dim3A_518 = arith.constant 0.000000e+00 : f32
          %broadcast_in_dim3A_519 = vector.broadcast %broadcast_in_dim3A_518 : f32 to vector<16xf32>
          %add3A_520 = arith.constant 0 : i32
          %add3A_521 = vector.broadcast %add3A_520 : i32 to vector<16xi32>
          %add3A_522 = arith.addi %mul3A_407, %add3A_521 : vector<16xi32>
          %gather3A_523 = tpu.vector_load_idx %arg8[%add3A_522] : memref<23040xf32, #tpu.memory_space<vmem>>[vector<16xi32>], vector<16xf32>,
          %mul3A_524 = arith.mulf %gather3A_523, %gather3A_509 : vector<16xf32>
          %add3A_525 = arith.addf %broadcast_in_dim3A_519, %mul3A_524 : vector<16xf32>
          %add3A_526 = arith.constant 1 : i32
          %add3A_527 = vector.broadcast %add3A_526 : i32 to vector<16xi32>
          %add3A_528 = arith.addi %mul3A_407, %add3A_527 : vector<16xi32>
          %gather3A_529 = tpu.vector_load_idx %arg8[%add3A_528] : memref<23040xf32, #tpu.memory_space<vmem>>[vector<16xi32>], vector<16xf32>,
          %mul3A_530 = arith.mulf %gather3A_529, %gather3A_513 : vector<16xf32>
          %add3A_531 = arith.addf %add3A_525, %mul3A_530 : vector<16xf32>
          %add3A_532 = arith.constant 2 : i32
          %add3A_533 = vector.broadcast %add3A_532 : i32 to vector<16xi32>
          %add3A_534 = arith.addi %mul3A_407, %add3A_533 : vector<16xi32>
          %gather3A_535 = tpu.vector_load_idx %arg8[%add3A_534] : memref<23040xf32, #tpu.memory_space<vmem>>[vector<16xi32>], vector<16xf32>,
          %mul3A_536 = arith.mulf %gather3A_535, %gather3A_517 : vector<16xf32>
          %add3A_537 = arith.addf %add3A_531, %mul3A_536 : vector<16xf32>
          %mul3A_538 = arith.constant 16 : i32
          %mul3A_539 = arith.muli %scan3A_384, %mul3A_538 : i32
          %swap3A = arith.constant 0 : i32
          %swap3A_540 = arith.index_cast %swap3A : i32 to index
          %swap3A_541 = arith.index_cast %mul3A_539 : i32 to index
          %swap3A_542 = tpu.vector_load %arg12[%swap3A_540, %swap3A_541] {strides = array<i32>} : memref<3x2560xf32, #tpu.memory_space<vmem>>, vector<16xf32>,
          tpu.vector_store %arg12[%swap3A_540, %swap3A_541], %add3A_537 {strides = array<i32>} : memref<3x2560xf32, #tpu.memory_space<vmem>>, vector<16xf32>,
          %broadcast_in_dim3A_543 = arith.constant 0.000000e+00 : f32
          %broadcast_in_dim3A_544 = vector.broadcast %broadcast_in_dim3A_543 : f32 to vector<16xf32>
          %add3A_545 = arith.constant 3 : i32
          %add3A_546 = vector.broadcast %add3A_545 : i32 to vector<16xi32>
          %add3A_547 = arith.addi %mul3A_407, %add3A_546 : vector<16xi32>
          %gather3A_548 = tpu.vector_load_idx %arg8[%add3A_547] : memref<23040xf32, #tpu.memory_space<vmem>>[vector<16xi32>], vector<16xf32>,
          %mul3A_549 = arith.mulf %gather3A_548, %gather3A_509 : vector<16xf32>
          %add3A_550 = arith.addf %broadcast_in_dim3A_544, %mul3A_549 : vector<16xf32>
          %add3A_551 = arith.constant 4 : i32
          %add3A_552 = vector.broadcast %add3A_551 : i32 to vector<16xi32>
          %add3A_553 = arith.addi %mul3A_407, %add3A_552 : vector<16xi32>
          %gather3A_554 = tpu.vector_load_idx %arg8[%add3A_553] : memref<23040xf32, #tpu.memory_space<vmem>>[vector<16xi32>], vector<16xf32>,
          %mul3A_555 = arith.mulf %gather3A_554, %gather3A_513 : vector<16xf32>
          %add3A_556 = arith.addf %add3A_550, %mul3A_555 : vector<16xf32>
          %add3A_557 = arith.constant 5 : i32
          %add3A_558 = vector.broadcast %add3A_557 : i32 to vector<16xi32>
          %add3A_559 = arith.addi %mul3A_407, %add3A_558 : vector<16xi32>
          %gather3A_560 = tpu.vector_load_idx %arg8[%add3A_559] : memref<23040xf32, #tpu.memory_space<vmem>>[vector<16xi32>], vector<16xf32>,
          %mul3A_561 = arith.mulf %gather3A_560, %gather3A_517 : vector<16xf32>
          %add3A_562 = arith.addf %add3A_556, %mul3A_561 : vector<16xf32>
          %mul3A_563 = arith.constant 16 : i32
          %mul3A_564 = arith.muli %scan3A_384, %mul3A_563 : i32
          %swap3A_565 = arith.constant 1 : i32
          %swap3A_566 = arith.index_cast %swap3A_565 : i32 to index
          %swap3A_567 = arith.index_cast %mul3A_564 : i32 to index
          %swap3A_568 = tpu.vector_load %arg12[%swap3A_566, %swap3A_567] {strides = array<i32>} : memref<3x2560xf32, #tpu.memory_space<vmem>>, vector<16xf32>,
          tpu.vector_store %arg12[%swap3A_566, %swap3A_567], %add3A_562 {strides = array<i32>} : memref<3x2560xf32, #tpu.memory_space<vmem>>, vector<16xf32>,
          %broadcast_in_dim3A_569 = arith.constant 0.000000e+00 : f32
          %broadcast_in_dim3A_570 = vector.broadcast %broadcast_in_dim3A_569 : f32 to vector<16xf32>
          %add3A_571 = arith.constant 6 : i32
          %add3A_572 = vector.broadcast %add3A_571 : i32 to vector<16xi32>
          %add3A_573 = arith.addi %mul3A_407, %add3A_572 : vector<16xi32>
          %gather3A_574 = tpu.vector_load_idx %arg8[%add3A_573] : memref<23040xf32, #tpu.memory_space<vmem>>[vector<16xi32>], vector<16xf32>,
          %mul3A_575 = arith.mulf %gather3A_574, %gather3A_509 : vector<16xf32>
          %add3A_576 = arith.addf %broadcast_in_dim3A_570, %mul3A_575 : vector<16xf32>
          %add3A_577 = arith.constant 7 : i32
          %add3A_578 = vector.broadcast %add3A_577 : i32 to vector<16xi32>
          %add3A_579 = arith.addi %mul3A_407, %add3A_578 : vector<16xi32>
          %gather3A_580 = tpu.vector_load_idx %arg8[%add3A_579] : memref<23040xf32, #tpu.memory_space<vmem>>[vector<16xi32>], vector<16xf32>,
          %mul3A_581 = arith.mulf %gather3A_580, %gather3A_513 : vector<16xf32>
          %add3A_582 = arith.addf %add3A_576, %mul3A_581 : vector<16xf32>
          %add3A_583 = arith.constant 8 : i32
          %add3A_584 = vector.broadcast %add3A_583 : i32 to vector<16xi32>
          %add3A_585 = arith.addi %mul3A_407, %add3A_584 : vector<16xi32>
          %gather3A_586 = tpu.vector_load_idx %arg8[%add3A_585] : memref<23040xf32, #tpu.memory_space<vmem>>[vector<16xi32>], vector<16xf32>,
          %mul3A_587 = arith.mulf %gather3A_586, %gather3A_517 : vector<16xf32>
          %add3A_588 = arith.addf %add3A_582, %mul3A_587 : vector<16xf32>
          %mul3A_589 = arith.constant 16 : i32
          %mul3A_590 = arith.muli %scan3A_384, %mul3A_589 : i32
          %swap3A_591 = arith.constant 2 : i32
          %swap3A_592 = arith.index_cast %swap3A_591 : i32 to index
          %swap3A_593 = arith.index_cast %mul3A_590 : i32 to index
          %swap3A_594 = tpu.vector_load %arg12[%swap3A_592, %swap3A_593] {strides = array<i32>} : memref<3x2560xf32, #tpu.memory_space<vmem>>, vector<16xf32>,
          tpu.vector_store %arg12[%swap3A_592, %swap3A_593], %add3A_588 {strides = array<i32>} : memref<3x2560xf32, #tpu.memory_space<vmem>>, vector<16xf32>,
          %scan3A_595 = arith.constant 0 : i32
          scf.yield %scan3A_595 : i32
        }
        %scan3A_371 = arith.constant 160 : i32
        %dma_start3A_372 = arith.constant 0 : i32
        %dma_start3A_373 = tpu.memref_slice %arg6[%add3A_249, %dma_start3A_372, %mul3A_297] : memref<125x3x12800xf32, #tpu.memory_space<hbm>> -> memref<1x3x2560xf32, #tpu.memory_space<hbm>>
        %dma_start3A_374 = tpu.memref_squeeze %dma_start3A_373 : memref<1x3x2560xf32, #tpu.memory_space<hbm>> -> memref<3x2560xf32, #tpu.memory_space<hbm>>
        %dma_start3A_375 = arith.constant 0 : i32
        %dma_start3A_376 = tpu.memref_slice %arg6[%add3A_249, %dma_start3A_375, %mul3A_297] : memref<125x3x12800xf32, #tpu.memory_space<hbm>> -> memref<1x3x2560xf32, #tpu.memory_space<hbm>>
        %dma_start3A_377 = tpu.memref_squeeze %dma_start3A_376 : memref<1x3x2560xf32, #tpu.memory_space<hbm>> -> memref<3x2560xf32, #tpu.memory_space<hbm>>
        tpu.enqueue_dma source(%arg12 : memref<3x2560xf32, #tpu.memory_space<vmem>>) target(%dma_start3A_377 : memref<3x2560xf32, #tpu.memory_space<hbm>>) target_semaphore(%arg15 : memref<!tpu.dma_semaphore, #tpu.memory_space<semaphore_mem>>)
        %dma_wait3A_378 = arith.constant 0 : i32
        %dma_wait3A_379 = tpu.memref_slice %arg6[%add3A_249, %dma_wait3A_378, %mul3A_297] : memref<125x3x12800xf32, #tpu.memory_space<hbm>> -> memref<1x3x2560xf32, #tpu.memory_space<hbm>>
        %dma_wait3A_380 = tpu.memref_squeeze %dma_wait3A_379 : memref<1x3x2560xf32, #tpu.memory_space<hbm>> -> memref<3x2560xf32, #tpu.memory_space<hbm>>
        %dma_wait3A_381 = arith.constant 0 : i32
        %dma_wait3A_382 = tpu.memref_slice %arg6[%add3A_249, %dma_wait3A_381, %mul3A_297] : memref<125x3x12800xf32, #tpu.memory_space<hbm>> -> memref<1x3x2560xf32, #tpu.memory_space<hbm>>
        %dma_wait3A_383 = tpu.memref_squeeze %dma_wait3A_382 : memref<1x3x2560xf32, #tpu.memory_space<hbm>> -> memref<3x2560xf32, #tpu.memory_space<hbm>>
        tpu.wait_dma2 semaphore(%arg15 : memref<!tpu.dma_semaphore, #tpu.memory_space<semaphore_mem>>) src(%arg12 : memref<3x2560xf32, #tpu.memory_space<vmem>>) dst(%dma_wait3A_383 : memref<3x2560xf32, #tpu.memory_space<hbm>>)
      }
      %scan3A_257 = arith.constant 5 : i32
      %add3A_258 = arith.constant 12800 : i32
      %add3A_259 = arith.addi %multiple_of3A_252, %add3A_258 : i32
      %multiple_of3A_260 = tpu.assume_multiple %add3A_259, 128 : i32
      %add3A_261 = arith.constant 1 : i32
      %add3A_262 = arith.addi %while3A_247, %add3A_261 : i32
      %sub3A_263 = arith.subi %min3A_5, %mul3A_2 : i32
      %lt3A_264 = arith.cmpi slt, %add3A_262, %sub3A_263 : i32
      %convert_element_type3A = arith.extui %lt3A_264 : i1 to i32
      %cond3A = arith.constant 0 : i32
      %cond3A_265 = arith.cmpi ne, %convert_element_type3A, %cond3A : i32
      scf.if %cond3A_265 {
        %dma_start3A_295 = arith.constant 0 : i32
        %dma_start3A_296 = tpu.memref_slice %arg13[%dma_start3A_295] : memref<32xi32, #tpu.memory_space<vmem>> -> memref<16xi32, #tpu.memory_space<vmem>>
        %dma_start3A_297 = tpu.memref_slice %arg2[%multiple_of3A_260] : memref<1600000xi32, #tpu.memory_space<hbm>> -> memref<16xi32, #tpu.memory_space<hbm>>
        %dma_start3A_298 = arith.constant 0 : i32
        %dma_start3A_299 = tpu.memref_slice %arg13[%dma_start3A_298] : memref<32xi32, #tpu.memory_space<vmem>> -> memref<16xi32, #tpu.memory_space<vmem>>
        %dma_start3A_300 = tpu.memref_slice %arg2[%multiple_of3A_260] : memref<1600000xi32, #tpu.memory_space<hbm>> -> memref<16xi32, #tpu.memory_space<hbm>>
        tpu.enqueue_dma source(%dma_start3A_300 : memref<16xi32, #tpu.memory_space<hbm>>) target(%dma_start3A_299 : memref<16xi32, #tpu.memory_space<vmem>>) target_semaphore(%arg15 : memref<!tpu.dma_semaphore, #tpu.memory_space<semaphore_mem>>)
        %dma_wait3A_301 = arith.constant 0 : i32
        %dma_wait3A_302 = tpu.memref_slice %arg13[%dma_wait3A_301] : memref<32xi32, #tpu.memory_space<vmem>> -> memref<16xi32, #tpu.memory_space<vmem>>
        %dma_wait3A_303 = tpu.memref_slice %arg2[%multiple_of3A_260] : memref<1600000xi32, #tpu.memory_space<hbm>> -> memref<16xi32, #tpu.memory_space<hbm>>
        %dma_wait3A_304 = arith.constant 0 : i32
        %dma_wait3A_305 = tpu.memref_slice %arg13[%dma_wait3A_304] : memref<32xi32, #tpu.memory_space<vmem>> -> memref<16xi32, #tpu.memory_space<vmem>>
        %dma_wait3A_306 = tpu.memref_slice %arg2[%multiple_of3A_260] : memref<1600000xi32, #tpu.memory_space<hbm>> -> memref<16xi32, #tpu.memory_space<hbm>>
        tpu.wait_dma2 semaphore(%arg15 : memref<!tpu.dma_semaphore, #tpu.memory_space<semaphore_mem>>) src(%dma_wait3A_306 : memref<16xi32, #tpu.memory_space<hbm>>) dst(%dma_wait3A_305 : memref<16xi32, #tpu.memory_space<vmem>>)
      } else {
      }
      %add3A_266 = arith.constant 1 : i32
      %add3A_267 = arith.addi %while3A_247, %add3A_266 : i32
      %sub3A_268 = arith.subi %min3A_5, %mul3A_2 : i32
      %lt3A_269 = arith.cmpi slt, %add3A_267, %sub3A_268 : i32
      %get3A_270 = arith.constant 0 : index
      %get3A_271 = tpu.vector_load %arg13[%get3A_270] {strides = array<i32>} : memref<32xi32, #tpu.memory_space<vmem>>, vector<16xi32>,
      %slice3A_272 = vector.extract_strided_slice %get3A_271 {offsets = [0], sizes = [1], strides = [1]} : vector<16xi32> to vector<1xi32>
      %squeeze3A_273 = vector.extract %slice3A_272[0] : i32 from vector<1xi32>
      %select_n3A_274 = arith.select %lt3A_269, %squeeze3A_273, %while3A_248 : i32
      %sub3A_275 = arith.subi %select_n3A_274, %while3A_248 : i32
      %mul3A_276 = arith.constant 4 : i32
      %mul3A_277 = arith.muli %sub3A_275, %mul3A_276 : i32
      %min3A_278 = arith.constant 51200 : i32
      %min3A_279 = arith.minsi %mul3A_277, %min3A_278 : i32
      %lt3A_280 = arith.constant 4 : i32
      %lt3A_281 = vector.broadcast %lt3A_280 : i32 to vector<16xi32>
      %lt3A_282 = arith.cmpi slt, %iota3A, %lt3A_281 : vector<16xi32>
      %jit3A_283 = arith.constant 0 : i32
      %broadcast_in_dim3A_284 = vector.broadcast %jit3A_283 : i32 to vector<16xi32>
      %select_n3A_285 = arith.select %lt3A_282, %iota3A, %broadcast_in_dim3A_284 : vector<16xi1>, vector<16xi32>
      %add3A_286 = vector.broadcast %min3A_279 : i32 to vector<16xi32>
      %add3A_287 = arith.addi %add3A_286, %select_n3A_285 : vector<16xi32>
      %gather3A_288 = tpu.vector_load_idx %arg11[%add3A_287] : memref<51264xf32, #tpu.memory_space<vmem>>[vector<16xi32>], vector<16xf32>,
      %lt3A_289 = arith.constant 4 : i32
      %lt3A_290 = vector.broadcast %lt3A_289 : i32 to vector<16xi32>
      %lt3A_291 = arith.cmpi slt, %iota3A, %lt3A_290 : vector<16xi32>
      %jit3A_292 = arith.constant 51200 : i32
      %broadcast_in_dim3A_293 = vector.broadcast %jit3A_292 : i32 to vector<16xi32>
      %select_n3A_294 = arith.select %lt3A_291, %iota3A, %broadcast_in_dim3A_293 : vector<16xi1>, vector<16xi32>
      tpu.vector_store_idx %arg11[%select_n3A_294], %gather3A_288 : memref<51264xf32, #tpu.memory_space<vmem>>[vector<16xi32>], vector<16xf32>,
      scf.yield %select_n3A_274 : i32
    }
    %while3A_245 = arith.constant 1 : i32
    %while3A_246 = scf.for %while3A_247 = %while3A_242 to %while3A_238 step %while3A_245 iter_args(%while3A_248 = %while3A_244) -> (i32)  : i32 {
      %add3A_249 = arith.addi %mul3A_2, %while3A_247 : i32
      %mul3A_250 = arith.constant 12800 : i32
      %mul3A_251 = arith.muli %add3A_249, %mul3A_250 : i32
      %multiple_of3A_252 = tpu.assume_multiple %mul3A_251, 128 : i32
      %scan3A_253 = arith.constant 0 : i32
      %scan3A_254 = arith.constant 5 : i32
      %scan3A_255 = arith.addi %scan3A_253, %scan3A_254 : i32
      %scan3A_256 = arith.constant 1 : i32
      scf.for %scan3A_295 = %scan3A_253 to %scan3A_255 step %scan3A_256  : i32 {
        %mul3A_296 = arith.constant 2560 : i32
        %mul3A_297 = arith.muli %scan3A_295, %mul3A_296 : i32
        %add3A_298 = arith.addi %multiple_of3A_252, %mul3A_297 : i32
        %multiple_of3A_299 = tpu.assume_multiple %add3A_298, 128 : i32
        %eq3A_300 = arith.constant 0 : i32
        %eq3A_301 = arith.cmpi eq, %scan3A_295, %eq3A_300 : i32
        %eq3A_302 = arith.cmpi eq, %add3A_249, %mul3A_2 : i32
        %and3A_303 = arith.andi %eq3A_301, %eq3A_302 : i1
        %eq3A_304 = arith.constant 0 : i32
        %eq3A_305 = arith.cmpi eq, %multiple_of3A, %eq3A_304 : i32
        %and3A_306 = arith.andi %and3A_303, %eq3A_305 : i1
        %not3A = arith.constant true
        %not3A_307 = arith.xori %and3A_306, %not3A : i1
        %convert_element_type3A_308 = arith.extui %not3A_307 : i1 to i32
        %cond3A_309 = arith.constant 0 : i32
        %cond3A_310 = arith.cmpi ne, %convert_element_type3A_308, %cond3A_309 : i32
        scf.if %cond3A_310 {
          %sub3A_384 = arith.constant 16 : i32
          %sub3A_385 = arith.subi %multiple_of3A_299, %sub3A_384 : i32
          %multiple_of3A_386 = tpu.assume_multiple %sub3A_385, 16 : i32
          %dma_start3A_387 = tpu.memref_slice %arg2[%multiple_of3A_386] : memref<1600000xi32, #tpu.memory_space<hbm>> -> memref<2576xi32, #tpu.memory_space<hbm>>
          %dma_start3A_388 = tpu.memref_slice %arg2[%multiple_of3A_386] : memref<1600000xi32, #tpu.memory_space<hbm>> -> memref<2576xi32, #tpu.memory_space<hbm>>
          tpu.enqueue_dma source(%dma_start3A_388 : memref<2576xi32, #tpu.memory_space<hbm>>) target(%arg7 : memref<2576xi32, #tpu.memory_space<vmem>>) target_semaphore(%arg15 : memref<!tpu.dma_semaphore, #tpu.memory_space<semaphore_mem>>)
          %dma_wait3A_389 = tpu.memref_slice %arg2[%multiple_of3A_386] : memref<1600000xi32, #tpu.memory_space<hbm>> -> memref<2576xi32, #tpu.memory_space<hbm>>
          %dma_wait3A_390 = tpu.memref_slice %arg2[%multiple_of3A_386] : memref<1600000xi32, #tpu.memory_space<hbm>> -> memref<2576xi32, #tpu.memory_space<hbm>>
          tpu.wait_dma2 semaphore(%arg15 : memref<!tpu.dma_semaphore, #tpu.memory_space<semaphore_mem>>) src(%dma_wait3A_390 : memref<2576xi32, #tpu.memory_space<hbm>>) dst(%arg7 : memref<2576xi32, #tpu.memory_space<vmem>>)
        } else {
        }
        %convert_element_type3A_311 = arith.extui %and3A_306 : i1 to i32
        %cond3A_312 = arith.constant 0 : i32
        %cond3A_313 = arith.cmpi ne, %convert_element_type3A_311, %cond3A_312 : i32
        scf.if %cond3A_313 {
          %dma_start3A_384 = arith.constant 16 : i32
          %dma_start3A_385 = tpu.memref_slice %arg7[%dma_start3A_384] : memref<2576xi32, #tpu.memory_space<vmem>> -> memref<2560xi32, #tpu.memory_space<vmem>>
          %dma_start3A_386 = tpu.memref_slice %arg2[%multiple_of3A_299] : memref<1600000xi32, #tpu.memory_space<hbm>> -> memref<2560xi32, #tpu.memory_space<hbm>>
          %dma_start3A_387 = arith.constant 16 : i32
          %dma_start3A_388 = tpu.memref_slice %arg7[%dma_start3A_387] : memref<2576xi32, #tpu.memory_space<vmem>> -> memref<2560xi32, #tpu.memory_space<vmem>>
          %dma_start3A_389 = tpu.memref_slice %arg2[%multiple_of3A_299] : memref<1600000xi32, #tpu.memory_space<hbm>> -> memref<2560xi32, #tpu.memory_space<hbm>>
          tpu.enqueue_dma source(%dma_start3A_389 : memref<2560xi32, #tpu.memory_space<hbm>>) target(%dma_start3A_388 : memref<2560xi32, #tpu.memory_space<vmem>>) target_semaphore(%arg15 : memref<!tpu.dma_semaphore, #tpu.memory_space<semaphore_mem>>)
          %dma_wait3A_390 = arith.constant 16 : i32
          %dma_wait3A_391 = tpu.memref_slice %arg7[%dma_wait3A_390] : memref<2576xi32, #tpu.memory_space<vmem>> -> memref<2560xi32, #tpu.memory_space<vmem>>
          %dma_wait3A_392 = tpu.memref_slice %arg2[%multiple_of3A_299] : memref<1600000xi32, #tpu.memory_space<hbm>> -> memref<2560xi32, #tpu.memory_space<hbm>>
          %dma_wait3A_393 = arith.constant 16 : i32
          %dma_wait3A_394 = tpu.memref_slice %arg7[%dma_wait3A_393] : memref<2576xi32, #tpu.memory_space<vmem>> -> memref<2560xi32, #tpu.memory_space<vmem>>
          %dma_wait3A_395 = tpu.memref_slice %arg2[%multiple_of3A_299] : memref<1600000xi32, #tpu.memory_space<hbm>> -> memref<2560xi32, #tpu.memory_space<hbm>>
          tpu.wait_dma2 semaphore(%arg15 : memref<!tpu.dma_semaphore, #tpu.memory_space<semaphore_mem>>) src(%dma_wait3A_395 : memref<2560xi32, #tpu.memory_space<hbm>>) dst(%dma_wait3A_394 : memref<2560xi32, #tpu.memory_space<vmem>>)
          %broadcast_in_dim3A_396 = arith.constant -1 : i32
          %broadcast_in_dim3A_397 = vector.broadcast %broadcast_in_dim3A_396 : i32 to vector<16xi32>
          %swap3A = arith.constant 0 : index
          %swap3A_398 = tpu.vector_load %arg7[%swap3A] {strides = array<i32>} : memref<2576xi32, #tpu.memory_space<vmem>>, vector<16xi32>,
          tpu.vector_store %arg7[%swap3A], %broadcast_in_dim3A_397 {strides = array<i32>} : memref<2576xi32, #tpu.memory_space<vmem>>, vector<16xi32>,
        } else {
        }
        %get3A_314 = arith.constant 16 : index
        %get3A_315 = tpu.vector_load %arg7[%get3A_314] {strides = array<i32>} : memref<2576xi32, #tpu.memory_space<vmem>>, vector<16xi32>,
        %slice3A_316 = vector.extract_strided_slice %get3A_315 {offsets = [0], sizes = [1], strides = [1]} : vector<16xi32> to vector<1xi32>
        %squeeze3A_317 = vector.extract %slice3A_316[0] : i32 from vector<1xi32>
        %mul3A_318 = arith.constant 3 : i32
        %mul3A_319 = arith.muli %squeeze3A_317, %mul3A_318 : i32
        %jit3A_320 = arith.constant 8 : i32
        %div3A_321 = arith.divsi %mul3A_319, %jit3A_320 : i32
        %sign3A_322 = arith.constant 0 : i32
        %sign3A_323 = arith.cmpi sgt, %mul3A_319, %sign3A_322 : i32
        %sign3A_324 = arith.extui %sign3A_323 : i1 to i32
        %sign3A_325 = arith.constant 0 : i32
        %sign3A_326 = arith.cmpi slt, %mul3A_319, %sign3A_325 : i32
        %sign3A_327 = arith.extui %sign3A_326 : i1 to i32
        %sign3A_328 = arith.subi %sign3A_324, %sign3A_327 : i32
        %sign3A_329 = arith.constant 0 : i32
        %sign3A_330 = arith.cmpi sgt, %jit3A_320, %sign3A_329 : i32
        %sign3A_331 = arith.extui %sign3A_330 : i1 to i32
        %sign3A_332 = arith.constant 0 : i32
        %sign3A_333 = arith.cmpi slt, %jit3A_320, %sign3A_332 : i32
        %sign3A_334 = arith.extui %sign3A_333 : i1 to i32
        %sign3A_335 = arith.subi %sign3A_331, %sign3A_334 : i32
        %ne3A_336 = arith.cmpi ne, %sign3A_328, %sign3A_335 : i32
        %rem3A_337 = arith.remsi %mul3A_319, %jit3A_320 : i32
        %ne3A_338 = arith.constant 0 : i32
        %ne3A_339 = arith.cmpi ne, %rem3A_337, %ne3A_338 : i32
        %and3A_340 = arith.andi %ne3A_336, %ne3A_339 : i1
        %sub3A_341 = arith.constant 1 : i32
        %sub3A_342 = arith.subi %div3A_321, %sub3A_341 : i32
        %select_n3A_343 = arith.select %and3A_340, %sub3A_342, %div3A_321 : i32
        %mul3A_344 = arith.constant 8 : i32
        %mul3A_345 = arith.muli %select_n3A_343, %mul3A_344 : i32
        %multiple_of3A_346 = tpu.assume_multiple %mul3A_345, 8 : i32
        %mul3A_347 = arith.constant 9 : i32
        %mul3A_348 = arith.muli %multiple_of3A_299, %mul3A_347 : i32
        %multiple_of3A_349 = tpu.assume_multiple %mul3A_348, 128 : i32
        %dma_start3A_350 = tpu.memref_slice %arg3[%multiple_of3A_349] : memref<14400000xf32, #tpu.memory_space<hbm>> -> memref<23040xf32, #tpu.memory_space<hbm>>
        %dma_start3A_351 = tpu.memref_slice %arg3[%multiple_of3A_349] : memref<14400000xf32, #tpu.memory_space<hbm>> -> memref<23040xf32, #tpu.memory_space<hbm>>
        tpu.enqueue_dma source(%dma_start3A_351 : memref<23040xf32, #tpu.memory_space<hbm>>) target(%arg8 : memref<23040xf32, #tpu.memory_space<vmem>>) target_semaphore(%arg15 : memref<!tpu.dma_semaphore, #tpu.memory_space<semaphore_mem>>)
        %dma_wait3A_352 = tpu.memref_slice %arg3[%multiple_of3A_349] : memref<14400000xf32, #tpu.memory_space<hbm>> -> memref<23040xf32, #tpu.memory_space<hbm>>
        %dma_wait3A_353 = tpu.memref_slice %arg3[%multiple_of3A_349] : memref<14400000xf32, #tpu.memory_space<hbm>> -> memref<23040xf32, #tpu.memory_space<hbm>>
        tpu.wait_dma2 semaphore(%arg15 : memref<!tpu.dma_semaphore, #tpu.memory_space<semaphore_mem>>) src(%dma_wait3A_353 : memref<23040xf32, #tpu.memory_space<hbm>>) dst(%arg8 : memref<23040xf32, #tpu.memory_space<vmem>>)
        %mul3A_354 = arith.constant 9 : i32
        %mul3A_355 = arith.muli %multiple_of3A_299, %mul3A_354 : i32
        %multiple_of3A_356 = tpu.assume_multiple %mul3A_355, 128 : i32
        %dma_start3A_357 = tpu.memref_slice %arg4[%multiple_of3A_356] : memref<14400000xf32, #tpu.memory_space<hbm>> -> memref<23040xf32, #tpu.memory_space<hbm>>
        %dma_start3A_358 = tpu.memref_slice %arg4[%multiple_of3A_356] : memref<14400000xf32, #tpu.memory_space<hbm>> -> memref<23040xf32, #tpu.memory_space<hbm>>
        tpu.enqueue_dma source(%dma_start3A_358 : memref<23040xf32, #tpu.memory_space<hbm>>) target(%arg9 : memref<23040xf32, #tpu.memory_space<vmem>>) target_semaphore(%arg15 : memref<!tpu.dma_semaphore, #tpu.memory_space<semaphore_mem>>)
        %dma_wait3A_359 = tpu.memref_slice %arg4[%multiple_of3A_356] : memref<14400000xf32, #tpu.memory_space<hbm>> -> memref<23040xf32, #tpu.memory_space<hbm>>
        %dma_wait3A_360 = tpu.memref_slice %arg4[%multiple_of3A_356] : memref<14400000xf32, #tpu.memory_space<hbm>> -> memref<23040xf32, #tpu.memory_space<hbm>>
        tpu.wait_dma2 semaphore(%arg15 : memref<!tpu.dma_semaphore, #tpu.memory_space<semaphore_mem>>) src(%dma_wait3A_360 : memref<23040xf32, #tpu.memory_space<hbm>>) dst(%arg9 : memref<23040xf32, #tpu.memory_space<vmem>>)
        %dma_start3A_361 = tpu.memref_slice %arg5[%multiple_of3A_346] : memref<307920xf32, #tpu.memory_space<hbm>> -> memref<7800xf32, #tpu.memory_space<hbm>>
        %dma_start3A_362 = tpu.memref_slice %arg5[%multiple_of3A_346] : memref<307920xf32, #tpu.memory_space<hbm>> -> memref<7800xf32, #tpu.memory_space<hbm>>
        tpu.enqueue_dma source(%dma_start3A_362 : memref<7800xf32, #tpu.memory_space<hbm>>) target(%arg10 : memref<7800xf32, #tpu.memory_space<vmem>>) target_semaphore(%arg15 : memref<!tpu.dma_semaphore, #tpu.memory_space<semaphore_mem>>)
        %dma_wait3A_363 = tpu.memref_slice %arg5[%multiple_of3A_346] : memref<307920xf32, #tpu.memory_space<hbm>> -> memref<7800xf32, #tpu.memory_space<hbm>>
        %dma_wait3A_364 = tpu.memref_slice %arg5[%multiple_of3A_346] : memref<307920xf32, #tpu.memory_space<hbm>> -> memref<7800xf32, #tpu.memory_space<hbm>>
        tpu.wait_dma2 semaphore(%arg15 : memref<!tpu.dma_semaphore, #tpu.memory_space<semaphore_mem>>) src(%dma_wait3A_364 : memref<7800xf32, #tpu.memory_space<hbm>>) dst(%arg10 : memref<7800xf32, #tpu.memory_space<vmem>>)
        %scan3A_365 = arith.constant 0 : i32
        %scan3A_366 = arith.constant 0 : i32
        %scan3A_367 = arith.constant 160 : i32
        %scan3A_368 = arith.addi %scan3A_366, %scan3A_367 : i32
        %scan3A_369 = arith.constant 1 : i32
        %scan3A_370 = scf.for %scan3A_384 = %scan3A_366 to %scan3A_368 step %scan3A_369 iter_args(%scan3A_385 = %scan3A_365) -> (i32)  : i32 {
          %mul3A_386 = arith.constant 16 : i32
          %mul3A_387 = arith.muli %scan3A_384, %mul3A_386 : i32
          %add3A_388 = arith.constant 16 : i32
          %add3A_389 = arith.addi %add3A_388, %mul3A_387 : i32
          %get3A_390 = arith.index_cast %add3A_389 : i32 to index
          %get3A_391 = tpu.vector_load %arg7[%get3A_390] {strides = array<i32>} : memref<2576xi32, #tpu.memory_space<vmem>>, vector<16xi32>,
          %mul3A_392 = arith.constant 16 : i32
          %mul3A_393 = arith.muli %scan3A_384, %mul3A_392 : i32
          %add3A_394 = arith.constant 15 : i32
          %add3A_395 = arith.addi %add3A_394, %mul3A_393 : i32
          %get3A_396 = arith.index_cast %add3A_395 : i32 to index
          %get3A_397 = tpu.vector_load %arg7[%get3A_396] {strides = array<i32>} : memref<2576xi32, #tpu.memory_space<vmem>>, vector<16xi32>,
          %ne3A_398 = arith.cmpi ne, %get3A_391, %get3A_397 : vector<16xi32>
          %sub3A_399 = vector.broadcast %while3A_248 : i32 to vector<16xi32>
          %sub3A_400 = arith.subi %get3A_391, %sub3A_399 : vector<16xi32>
          %mul3A_401 = arith.constant 16 : i32
          %mul3A_402 = arith.muli %scan3A_384, %mul3A_401 : i32
          %broadcast_in_dim3A_403 = vector.broadcast %mul3A_402 : i32 to vector<16xi32>
          %add3A_404 = arith.addi %broadcast_in_dim3A_403, %iota3A : vector<16xi32>
          %mul3A_405 = arith.constant 9 : i32
          %mul3A_406 = vector.broadcast %mul3A_405 : i32 to vector<16xi32>
          %mul3A_407 = arith.muli %add3A_404, %mul3A_406 : vector<16xi32>
          %mul3A_408 = arith.constant 3 : i32
          %mul3A_409 = vector.broadcast %mul3A_408 : i32 to vector<16xi32>
          %mul3A_410 = arith.muli %get3A_391, %mul3A_409 : vector<16xi32>
          %sub3A_411 = vector.broadcast %multiple_of3A_346 : i32 to vector<16xi32>
          %sub3A_412 = arith.subi %mul3A_410, %sub3A_411 : vector<16xi32>
          %add3A_413 = arith.constant 0 : i32
          %add3A_414 = vector.broadcast %add3A_413 : i32 to vector<16xi32>
          %add3A_415 = arith.addi %sub3A_412, %add3A_414 : vector<16xi32>
          %gather3A_416 = tpu.vector_load_idx %arg10[%add3A_415] : memref<7800xf32, #tpu.memory_space<vmem>>[vector<16xi32>], vector<16xf32>,
          %add3A_417 = arith.constant 1 : i32
          %add3A_418 = vector.broadcast %add3A_417 : i32 to vector<16xi32>
          %add3A_419 = arith.addi %sub3A_412, %add3A_418 : vector<16xi32>
          %gather3A_420 = tpu.vector_load_idx %arg10[%add3A_419] : memref<7800xf32, #tpu.memory_space<vmem>>[vector<16xi32>], vector<16xf32>,
          %add3A_421 = arith.constant 2 : i32
          %add3A_422 = vector.broadcast %add3A_421 : i32 to vector<16xi32>
          %add3A_423 = arith.addi %sub3A_412, %add3A_422 : vector<16xi32>
          %gather3A_424 = tpu.vector_load_idx %arg10[%add3A_423] : memref<7800xf32, #tpu.memory_space<vmem>>[vector<16xi32>], vector<16xf32>,
          %mul3A_425 = arith.constant 4 : i32
          %mul3A_426 = vector.broadcast %mul3A_425 : i32 to vector<16xi32>
          %mul3A_427 = arith.muli %sub3A_400, %mul3A_426 : vector<16xi32>
          %broadcast_in_dim3A_428 = arith.constant 0.000000e+00 : f32
          %broadcast_in_dim3A_429 = vector.broadcast %broadcast_in_dim3A_428 : f32 to vector<16xf32>
          %add3A_430 = arith.constant 0 : i32
          %add3A_431 = vector.broadcast %add3A_430 : i32 to vector<16xi32>
          %add3A_432 = arith.addi %mul3A_407, %add3A_431 : vector<16xi32>
          %gather3A_433 = tpu.vector_load_idx %arg9[%add3A_432] : memref<23040xf32, #tpu.memory_space<vmem>>[vector<16xi32>], vector<16xf32>,
          %mul3A_434 = arith.mulf %gather3A_433, %gather3A_416 : vector<16xf32>
          %add3A_435 = arith.addf %broadcast_in_dim3A_429, %mul3A_434 : vector<16xf32>
          %add3A_436 = arith.constant 1 : i32
          %add3A_437 = vector.broadcast %add3A_436 : i32 to vector<16xi32>
          %add3A_438 = arith.addi %mul3A_407, %add3A_437 : vector<16xi32>
          %gather3A_439 = tpu.vector_load_idx %arg9[%add3A_438] : memref<23040xf32, #tpu.memory_space<vmem>>[vector<16xi32>], vector<16xf32>,
          %mul3A_440 = arith.mulf %gather3A_439, %gather3A_420 : vector<16xf32>
          %add3A_441 = arith.addf %add3A_435, %mul3A_440 : vector<16xf32>
          %add3A_442 = arith.constant 2 : i32
          %add3A_443 = vector.broadcast %add3A_442 : i32 to vector<16xi32>
          %add3A_444 = arith.addi %mul3A_407, %add3A_443 : vector<16xi32>
          %gather3A_445 = tpu.vector_load_idx %arg9[%add3A_444] : memref<23040xf32, #tpu.memory_space<vmem>>[vector<16xi32>], vector<16xf32>,
          %mul3A_446 = arith.mulf %gather3A_445, %gather3A_424 : vector<16xf32>
          %add3A_447 = arith.addf %add3A_441, %mul3A_446 : vector<16xf32>
          %add3A_448 = arith.constant 0 : i32
          %add3A_449 = vector.broadcast %add3A_448 : i32 to vector<16xi32>
          %add3A_450 = arith.addi %mul3A_427, %add3A_449 : vector<16xi32>
          %jit3A_451 = arith.constant 51200 : i32
          %broadcast_in_dim3A_452 = vector.broadcast %jit3A_451 : i32 to vector<16xi32>
          %select_n3A_453 = arith.select %ne3A_398, %add3A_450, %broadcast_in_dim3A_452 : vector<16xi1>, vector<16xi32>
          tpu.vector_store_idx %arg11[%select_n3A_453], %add3A_447 : memref<51264xf32, #tpu.memory_space<vmem>>[vector<16xi32>], vector<16xf32>,
          %broadcast_in_dim3A_454 = arith.constant 0.000000e+00 : f32
          %broadcast_in_dim3A_455 = vector.broadcast %broadcast_in_dim3A_454 : f32 to vector<16xf32>
          %add3A_456 = arith.constant 3 : i32
          %add3A_457 = vector.broadcast %add3A_456 : i32 to vector<16xi32>
          %add3A_458 = arith.addi %mul3A_407, %add3A_457 : vector<16xi32>
          %gather3A_459 = tpu.vector_load_idx %arg9[%add3A_458] : memref<23040xf32, #tpu.memory_space<vmem>>[vector<16xi32>], vector<16xf32>,
          %mul3A_460 = arith.mulf %gather3A_459, %gather3A_416 : vector<16xf32>
          %add3A_461 = arith.addf %broadcast_in_dim3A_455, %mul3A_460 : vector<16xf32>
          %add3A_462 = arith.constant 4 : i32
          %add3A_463 = vector.broadcast %add3A_462 : i32 to vector<16xi32>
          %add3A_464 = arith.addi %mul3A_407, %add3A_463 : vector<16xi32>
          %gather3A_465 = tpu.vector_load_idx %arg9[%add3A_464] : memref<23040xf32, #tpu.memory_space<vmem>>[vector<16xi32>], vector<16xf32>,
          %mul3A_466 = arith.mulf %gather3A_465, %gather3A_420 : vector<16xf32>
          %add3A_467 = arith.addf %add3A_461, %mul3A_466 : vector<16xf32>
          %add3A_468 = arith.constant 5 : i32
          %add3A_469 = vector.broadcast %add3A_468 : i32 to vector<16xi32>
          %add3A_470 = arith.addi %mul3A_407, %add3A_469 : vector<16xi32>
          %gather3A_471 = tpu.vector_load_idx %arg9[%add3A_470] : memref<23040xf32, #tpu.memory_space<vmem>>[vector<16xi32>], vector<16xf32>,
          %mul3A_472 = arith.mulf %gather3A_471, %gather3A_424 : vector<16xf32>
          %add3A_473 = arith.addf %add3A_467, %mul3A_472 : vector<16xf32>
          %add3A_474 = arith.constant 1 : i32
          %add3A_475 = vector.broadcast %add3A_474 : i32 to vector<16xi32>
          %add3A_476 = arith.addi %mul3A_427, %add3A_475 : vector<16xi32>
          %jit3A_477 = arith.constant 51200 : i32
          %broadcast_in_dim3A_478 = vector.broadcast %jit3A_477 : i32 to vector<16xi32>
          %select_n3A_479 = arith.select %ne3A_398, %add3A_476, %broadcast_in_dim3A_478 : vector<16xi1>, vector<16xi32>
          tpu.vector_store_idx %arg11[%select_n3A_479], %add3A_473 : memref<51264xf32, #tpu.memory_space<vmem>>[vector<16xi32>], vector<16xf32>,
          %broadcast_in_dim3A_480 = arith.constant 0.000000e+00 : f32
          %broadcast_in_dim3A_481 = vector.broadcast %broadcast_in_dim3A_480 : f32 to vector<16xf32>
          %add3A_482 = arith.constant 6 : i32
          %add3A_483 = vector.broadcast %add3A_482 : i32 to vector<16xi32>
          %add3A_484 = arith.addi %mul3A_407, %add3A_483 : vector<16xi32>
          %gather3A_485 = tpu.vector_load_idx %arg9[%add3A_484] : memref<23040xf32, #tpu.memory_space<vmem>>[vector<16xi32>], vector<16xf32>,
          %mul3A_486 = arith.mulf %gather3A_485, %gather3A_416 : vector<16xf32>
          %add3A_487 = arith.addf %broadcast_in_dim3A_481, %mul3A_486 : vector<16xf32>
          %add3A_488 = arith.constant 7 : i32
          %add3A_489 = vector.broadcast %add3A_488 : i32 to vector<16xi32>
          %add3A_490 = arith.addi %mul3A_407, %add3A_489 : vector<16xi32>
          %gather3A_491 = tpu.vector_load_idx %arg9[%add3A_490] : memref<23040xf32, #tpu.memory_space<vmem>>[vector<16xi32>], vector<16xf32>,
          %mul3A_492 = arith.mulf %gather3A_491, %gather3A_420 : vector<16xf32>
          %add3A_493 = arith.addf %add3A_487, %mul3A_492 : vector<16xf32>
          %add3A_494 = arith.constant 8 : i32
          %add3A_495 = vector.broadcast %add3A_494 : i32 to vector<16xi32>
          %add3A_496 = arith.addi %mul3A_407, %add3A_495 : vector<16xi32>
          %gather3A_497 = tpu.vector_load_idx %arg9[%add3A_496] : memref<23040xf32, #tpu.memory_space<vmem>>[vector<16xi32>], vector<16xf32>,
          %mul3A_498 = arith.mulf %gather3A_497, %gather3A_424 : vector<16xf32>
          %add3A_499 = arith.addf %add3A_493, %mul3A_498 : vector<16xf32>
          %add3A_500 = arith.constant 2 : i32
          %add3A_501 = vector.broadcast %add3A_500 : i32 to vector<16xi32>
          %add3A_502 = arith.addi %mul3A_427, %add3A_501 : vector<16xi32>
          %jit3A_503 = arith.constant 51200 : i32
          %broadcast_in_dim3A_504 = vector.broadcast %jit3A_503 : i32 to vector<16xi32>
          %select_n3A_505 = arith.select %ne3A_398, %add3A_502, %broadcast_in_dim3A_504 : vector<16xi1>, vector<16xi32>
          tpu.vector_store_idx %arg11[%select_n3A_505], %add3A_499 : memref<51264xf32, #tpu.memory_space<vmem>>[vector<16xi32>], vector<16xf32>,
          %add3A_506 = arith.constant 0 : i32
          %add3A_507 = vector.broadcast %add3A_506 : i32 to vector<16xi32>
          %add3A_508 = arith.addi %mul3A_427, %add3A_507 : vector<16xi32>
          %gather3A_509 = tpu.vector_load_idx %arg11[%add3A_508] : memref<51264xf32, #tpu.memory_space<vmem>>[vector<16xi32>], vector<16xf32>,
          %add3A_510 = arith.constant 1 : i32
          %add3A_511 = vector.broadcast %add3A_510 : i32 to vector<16xi32>
          %add3A_512 = arith.addi %mul3A_427, %add3A_511 : vector<16xi32>
          %gather3A_513 = tpu.vector_load_idx %arg11[%add3A_512] : memref<51264xf32, #tpu.memory_space<vmem>>[vector<16xi32>], vector<16xf32>,
          %add3A_514 = arith.constant 2 : i32
          %add3A_515 = vector.broadcast %add3A_514 : i32 to vector<16xi32>
          %add3A_516 = arith.addi %mul3A_427, %add3A_515 : vector<16xi32>
          %gather3A_517 = tpu.vector_load_idx %arg11[%add3A_516] : memref<51264xf32, #tpu.memory_space<vmem>>[vector<16xi32>], vector<16xf32>,
          %broadcast_in_dim3A_518 = arith.constant 0.000000e+00 : f32
          %broadcast_in_dim3A_519 = vector.broadcast %broadcast_in_dim3A_518 : f32 to vector<16xf32>
          %add3A_520 = arith.constant 0 : i32
          %add3A_521 = vector.broadcast %add3A_520 : i32 to vector<16xi32>
          %add3A_522 = arith.addi %mul3A_407, %add3A_521 : vector<16xi32>
          %gather3A_523 = tpu.vector_load_idx %arg8[%add3A_522] : memref<23040xf32, #tpu.memory_space<vmem>>[vector<16xi32>], vector<16xf32>,
          %mul3A_524 = arith.mulf %gather3A_523, %gather3A_509 : vector<16xf32>
          %add3A_525 = arith.addf %broadcast_in_dim3A_519, %mul3A_524 : vector<16xf32>
          %add3A_526 = arith.constant 1 : i32
          %add3A_527 = vector.broadcast %add3A_526 : i32 to vector<16xi32>
          %add3A_528 = arith.addi %mul3A_407, %add3A_527 : vector<16xi32>
          %gather3A_529 = tpu.vector_load_idx %arg8[%add3A_528] : memref<23040xf32, #tpu.memory_space<vmem>>[vector<16xi32>], vector<16xf32>,
          %mul3A_530 = arith.mulf %gather3A_529, %gather3A_513 : vector<16xf32>
          %add3A_531 = arith.addf %add3A_525, %mul3A_530 : vector<16xf32>
          %add3A_532 = arith.constant 2 : i32
          %add3A_533 = vector.broadcast %add3A_532 : i32 to vector<16xi32>
          %add3A_534 = arith.addi %mul3A_407, %add3A_533 : vector<16xi32>
          %gather3A_535 = tpu.vector_load_idx %arg8[%add3A_534] : memref<23040xf32, #tpu.memory_space<vmem>>[vector<16xi32>], vector<16xf32>,
          %mul3A_536 = arith.mulf %gather3A_535, %gather3A_517 : vector<16xf32>
          %add3A_537 = arith.addf %add3A_531, %mul3A_536 : vector<16xf32>
          %mul3A_538 = arith.constant 16 : i32
          %mul3A_539 = arith.muli %scan3A_384, %mul3A_538 : i32
          %swap3A = arith.constant 0 : i32
          %swap3A_540 = arith.index_cast %swap3A : i32 to index
          %swap3A_541 = arith.index_cast %mul3A_539 : i32 to index
          %swap3A_542 = tpu.vector_load %arg12[%swap3A_540, %swap3A_541] {strides = array<i32>} : memref<3x2560xf32, #tpu.memory_space<vmem>>, vector<16xf32>,
          tpu.vector_store %arg12[%swap3A_540, %swap3A_541], %add3A_537 {strides = array<i32>} : memref<3x2560xf32, #tpu.memory_space<vmem>>, vector<16xf32>,
          %broadcast_in_dim3A_543 = arith.constant 0.000000e+00 : f32
          %broadcast_in_dim3A_544 = vector.broadcast %broadcast_in_dim3A_543 : f32 to vector<16xf32>
          %add3A_545 = arith.constant 3 : i32
          %add3A_546 = vector.broadcast %add3A_545 : i32 to vector<16xi32>
          %add3A_547 = arith.addi %mul3A_407, %add3A_546 : vector<16xi32>
          %gather3A_548 = tpu.vector_load_idx %arg8[%add3A_547] : memref<23040xf32, #tpu.memory_space<vmem>>[vector<16xi32>], vector<16xf32>,
          %mul3A_549 = arith.mulf %gather3A_548, %gather3A_509 : vector<16xf32>
          %add3A_550 = arith.addf %broadcast_in_dim3A_544, %mul3A_549 : vector<16xf32>
          %add3A_551 = arith.constant 4 : i32
          %add3A_552 = vector.broadcast %add3A_551 : i32 to vector<16xi32>
          %add3A_553 = arith.addi %mul3A_407, %add3A_552 : vector<16xi32>
          %gather3A_554 = tpu.vector_load_idx %arg8[%add3A_553] : memref<23040xf32, #tpu.memory_space<vmem>>[vector<16xi32>], vector<16xf32>,
          %mul3A_555 = arith.mulf %gather3A_554, %gather3A_513 : vector<16xf32>
          %add3A_556 = arith.addf %add3A_550, %mul3A_555 : vector<16xf32>
          %add3A_557 = arith.constant 5 : i32
          %add3A_558 = vector.broadcast %add3A_557 : i32 to vector<16xi32>
          %add3A_559 = arith.addi %mul3A_407, %add3A_558 : vector<16xi32>
          %gather3A_560 = tpu.vector_load_idx %arg8[%add3A_559] : memref<23040xf32, #tpu.memory_space<vmem>>[vector<16xi32>], vector<16xf32>,
          %mul3A_561 = arith.mulf %gather3A_560, %gather3A_517 : vector<16xf32>
          %add3A_562 = arith.addf %add3A_556, %mul3A_561 : vector<16xf32>
          %mul3A_563 = arith.constant 16 : i32
          %mul3A_564 = arith.muli %scan3A_384, %mul3A_563 : i32
          %swap3A_565 = arith.constant 1 : i32
          %swap3A_566 = arith.index_cast %swap3A_565 : i32 to index
          %swap3A_567 = arith.index_cast %mul3A_564 : i32 to index
          %swap3A_568 = tpu.vector_load %arg12[%swap3A_566, %swap3A_567] {strides = array<i32>} : memref<3x2560xf32, #tpu.memory_space<vmem>>, vector<16xf32>,
          tpu.vector_store %arg12[%swap3A_566, %swap3A_567], %add3A_562 {strides = array<i32>} : memref<3x2560xf32, #tpu.memory_space<vmem>>, vector<16xf32>,
          %broadcast_in_dim3A_569 = arith.constant 0.000000e+00 : f32
          %broadcast_in_dim3A_570 = vector.broadcast %broadcast_in_dim3A_569 : f32 to vector<16xf32>
          %add3A_571 = arith.constant 6 : i32
          %add3A_572 = vector.broadcast %add3A_571 : i32 to vector<16xi32>
          %add3A_573 = arith.addi %mul3A_407, %add3A_572 : vector<16xi32>
          %gather3A_574 = tpu.vector_load_idx %arg8[%add3A_573] : memref<23040xf32, #tpu.memory_space<vmem>>[vector<16xi32>], vector<16xf32>,
          %mul3A_575 = arith.mulf %gather3A_574, %gather3A_509 : vector<16xf32>
          %add3A_576 = arith.addf %broadcast_in_dim3A_570, %mul3A_575 : vector<16xf32>
          %add3A_577 = arith.constant 7 : i32
          %add3A_578 = vector.broadcast %add3A_577 : i32 to vector<16xi32>
          %add3A_579 = arith.addi %mul3A_407, %add3A_578 : vector<16xi32>
          %gather3A_580 = tpu.vector_load_idx %arg8[%add3A_579] : memref<23040xf32, #tpu.memory_space<vmem>>[vector<16xi32>], vector<16xf32>,
          %mul3A_581 = arith.mulf %gather3A_580, %gather3A_513 : vector<16xf32>
          %add3A_582 = arith.addf %add3A_576, %mul3A_581 : vector<16xf32>
          %add3A_583 = arith.constant 8 : i32
          %add3A_584 = vector.broadcast %add3A_583 : i32 to vector<16xi32>
          %add3A_585 = arith.addi %mul3A_407, %add3A_584 : vector<16xi32>
          %gather3A_586 = tpu.vector_load_idx %arg8[%add3A_585] : memref<23040xf32, #tpu.memory_space<vmem>>[vector<16xi32>], vector<16xf32>,
          %mul3A_587 = arith.mulf %gather3A_586, %gather3A_517 : vector<16xf32>
          %add3A_588 = arith.addf %add3A_582, %mul3A_587 : vector<16xf32>
          %mul3A_589 = arith.constant 16 : i32
          %mul3A_590 = arith.muli %scan3A_384, %mul3A_589 : i32
          %swap3A_591 = arith.constant 2 : i32
          %swap3A_592 = arith.index_cast %swap3A_591 : i32 to index
          %swap3A_593 = arith.index_cast %mul3A_590 : i32 to index
          %swap3A_594 = tpu.vector_load %arg12[%swap3A_592, %swap3A_593] {strides = array<i32>} : memref<3x2560xf32, #tpu.memory_space<vmem>>, vector<16xf32>,
          tpu.vector_store %arg12[%swap3A_592, %swap3A_593], %add3A_588 {strides = array<i32>} : memref<3x2560xf32, #tpu.memory_space<vmem>>, vector<16xf32>,
          %scan3A_595 = arith.constant 0 : i32
          scf.yield %scan3A_595 : i32
        }
        %scan3A_371 = arith.constant 160 : i32
        %dma_start3A_372 = arith.constant 0 : i32
        %dma_start3A_373 = tpu.memref_slice %arg6[%add3A_249, %dma_start3A_372, %mul3A_297] : memref<125x3x12800xf32, #tpu.memory_space<hbm>> -> memref<1x3x2560xf32, #tpu.memory_space<hbm>>
        %dma_start3A_374 = tpu.memref_squeeze %dma_start3A_373 : memref<1x3x2560xf32, #tpu.memory_space<hbm>> -> memref<3x2560xf32, #tpu.memory_space<hbm>>
        %dma_start3A_375 = arith.constant 0 : i32
        %dma_start3A_376 = tpu.memref_slice %arg6[%add3A_249, %dma_start3A_375, %mul3A_297] : memref<125x3x12800xf32, #tpu.memory_space<hbm>> -> memref<1x3x2560xf32, #tpu.memory_space<hbm>>
        %dma_start3A_377 = tpu.memref_squeeze %dma_start3A_376 : memref<1x3x2560xf32, #tpu.memory_space<hbm>> -> memref<3x2560xf32, #tpu.memory_space<hbm>>
        tpu.enqueue_dma source(%arg12 : memref<3x2560xf32, #tpu.memory_space<vmem>>) target(%dma_start3A_377 : memref<3x2560xf32, #tpu.memory_space<hbm>>) target_semaphore(%arg15 : memref<!tpu.dma_semaphore, #tpu.memory_space<semaphore_mem>>)
        %dma_wait3A_378 = arith.constant 0 : i32
        %dma_wait3A_379 = tpu.memref_slice %arg6[%add3A_249, %dma_wait3A_378, %mul3A_297] : memref<125x3x12800xf32, #tpu.memory_space<hbm>> -> memref<1x3x2560xf32, #tpu.memory_space<hbm>>
        %dma_wait3A_380 = tpu.memref_squeeze %dma_wait3A_379 : memref<1x3x2560xf32, #tpu.memory_space<hbm>> -> memref<3x2560xf32, #tpu.memory_space<hbm>>
        %dma_wait3A_381 = arith.constant 0 : i32
        %dma_wait3A_382 = tpu.memref_slice %arg6[%add3A_249, %dma_wait3A_381, %mul3A_297] : memref<125x3x12800xf32, #tpu.memory_space<hbm>> -> memref<1x3x2560xf32, #tpu.memory_space<hbm>>
        %dma_wait3A_383 = tpu.memref_squeeze %dma_wait3A_382 : memref<1x3x2560xf32, #tpu.memory_space<hbm>> -> memref<3x2560xf32, #tpu.memory_space<hbm>>
        tpu.wait_dma2 semaphore(%arg15 : memref<!tpu.dma_semaphore, #tpu.memory_space<semaphore_mem>>) src(%arg12 : memref<3x2560xf32, #tpu.memory_space<vmem>>) dst(%dma_wait3A_383 : memref<3x2560xf32, #tpu.memory_space<hbm>>)
      }
      %scan3A_257 = arith.constant 5 : i32
      %add3A_258 = arith.constant 12800 : i32
      %add3A_259 = arith.addi %multiple_of3A_252, %add3A_258 : i32
      %multiple_of3A_260 = tpu.assume_multiple %add3A_259, 128 : i32
      %add3A_261 = arith.constant 1 : i32
      %add3A_262 = arith.addi %while3A_247, %add3A_261 : i32
      %sub3A_263 = arith.subi %min3A_5, %mul3A_2 : i32
      %lt3A_264 = arith.cmpi slt, %add3A_262, %sub3A_263 : i32
      %convert_element_type3A = arith.extui %lt3A_264 : i1 to i32
      %cond3A = arith.constant 0 : i32
      %cond3A_265 = arith.cmpi ne, %convert_element_type3A, %cond3A : i32
      scf.if %cond3A_265 {
        %dma_start3A_295 = arith.constant 0 : i32
        %dma_start3A_296 = tpu.memref_slice %arg13[%dma_start3A_295] : memref<32xi32, #tpu.memory_space<vmem>> -> memref<16xi32, #tpu.memory_space<vmem>>
        %dma_start3A_297 = tpu.memref_slice %arg2[%multiple_of3A_260] : memref<1600000xi32, #tpu.memory_space<hbm>> -> memref<16xi32, #tpu.memory_space<hbm>>
        %dma_start3A_298 = arith.constant 0 : i32
        %dma_start3A_299 = tpu.memref_slice %arg13[%dma_start3A_298] : memref<32xi32, #tpu.memory_space<vmem>> -> memref<16xi32, #tpu.memory_space<vmem>>
        %dma_start3A_300 = tpu.memref_slice %arg2[%multiple_of3A_260] : memref<1600000xi32, #tpu.memory_space<hbm>> -> memref<16xi32, #tpu.memory_space<hbm>>
        tpu.enqueue_dma source(%dma_start3A_300 : memref<16xi32, #tpu.memory_space<hbm>>) target(%dma_start3A_299 : memref<16xi32, #tpu.memory_space<vmem>>) target_semaphore(%arg15 : memref<!tpu.dma_semaphore, #tpu.memory_space<semaphore_mem>>)
        %dma_wait3A_301 = arith.constant 0 : i32
        %dma_wait3A_302 = tpu.memref_slice %arg13[%dma_wait3A_301] : memref<32xi32, #tpu.memory_space<vmem>> -> memref<16xi32, #tpu.memory_space<vmem>>
        %dma_wait3A_303 = tpu.memref_slice %arg2[%multiple_of3A_260] : memref<1600000xi32, #tpu.memory_space<hbm>> -> memref<16xi32, #tpu.memory_space<hbm>>
        %dma_wait3A_304 = arith.constant 0 : i32
        %dma_wait3A_305 = tpu.memref_slice %arg13[%dma_wait3A_304] : memref<32xi32, #tpu.memory_space<vmem>> -> memref<16xi32, #tpu.memory_space<vmem>>
        %dma_wait3A_306 = tpu.memref_slice %arg2[%multiple_of3A_260] : memref<1600000xi32, #tpu.memory_space<hbm>> -> memref<16xi32, #tpu.memory_space<hbm>>
        tpu.wait_dma2 semaphore(%arg15 : memref<!tpu.dma_semaphore, #tpu.memory_space<semaphore_mem>>) src(%dma_wait3A_306 : memref<16xi32, #tpu.memory_space<hbm>>) dst(%dma_wait3A_305 : memref<16xi32, #tpu.memory_space<vmem>>)
      } else {
      }
      %add3A_266 = arith.constant 1 : i32
      %add3A_267 = arith.addi %while3A_247, %add3A_266 : i32
      %sub3A_268 = arith.subi %min3A_5, %mul3A_2 : i32
      %lt3A_269 = arith.cmpi slt, %add3A_267, %sub3A_268 : i32
      %get3A_270 = arith.constant 0 : index
      %get3A_271 = tpu.vector_load %arg13[%get3A_270] {strides = array<i32>} : memref<32xi32, #tpu.memory_space<vmem>>, vector<16xi32>,
      %slice3A_272 = vector.extract_strided_slice %get3A_271 {offsets = [0], sizes = [1], strides = [1]} : vector<16xi32> to vector<1xi32>
      %squeeze3A_273 = vector.extract %slice3A_272[0] : i32 from vector<1xi32>
      %select_n3A_274 = arith.select %lt3A_269, %squeeze3A_273, %while3A_248 : i32
      %sub3A_275 = arith.subi %select_n3A_274, %while3A_248 : i32
      %mul3A_276 = arith.constant 4 : i32
      %mul3A_277 = arith.muli %sub3A_275, %mul3A_276 : i32
      %min3A_278 = arith.constant 51200 : i32
      %min3A_279 = arith.minsi %mul3A_277, %min3A_278 : i32
      %lt3A_280 = arith.constant 4 : i32
      %lt3A_281 = vector.broadcast %lt3A_280 : i32 to vector<16xi32>
      %lt3A_282 = arith.cmpi slt, %iota3A, %lt3A_281 : vector<16xi32>
      %jit3A_283 = arith.constant 0 : i32
      %broadcast_in_dim3A_284 = vector.broadcast %jit3A_283 : i32 to vector<16xi32>
      %select_n3A_285 = arith.select %lt3A_282, %iota3A, %broadcast_in_dim3A_284 : vector<16xi1>, vector<16xi32>
      %add3A_286 = vector.broadcast %min3A_279 : i32 to vector<16xi32>
      %add3A_287 = arith.addi %add3A_286, %select_n3A_285 : vector<16xi32>
      %gather3A_288 = tpu.vector_load_idx %arg11[%add3A_287] : memref<51264xf32, #tpu.memory_space<vmem>>[vector<16xi32>], vector<16xf32>,
      %lt3A_289 = arith.constant 4 : i32
      %lt3A_290 = vector.broadcast %lt3A_289 : i32 to vector<16xi32>
      %lt3A_291 = arith.cmpi slt, %iota3A, %lt3A_290 : vector<16xi32>
      %jit3A_292 = arith.constant 51200 : i32
      %broadcast_in_dim3A_293 = vector.broadcast %jit3A_292 : i32 to vector<16xi32>
      %select_n3A_294 = arith.select %lt3A_291, %iota3A, %broadcast_in_dim3A_293 : vector<16xi1>, vector<16xi32>
      tpu.vector_store_idx %arg11[%select_n3A_294], %gather3A_288 : memref<51264xf32, #tpu.memory_space<vmem>>[vector<16xi32>], vector<16xf32>,
      scf.yield %select_n3A_274 : i32
    }
    return
  }
}

#map = affine_map<(d0, d1) -> (0)>
#map1 = affine_map<(d0, d1) -> (0, 0, 0)>
module attributes {stable_mosaic.version = 14 : i64} {
  func.func @_c(%arg0: i32, %arg1: i32, %arg2: memref<1600000xi32, #tpu.memory_space<hbm>>, %arg3: memref<4800000xf32, #tpu.memory_space<hbm>>, %arg4: memref<125x6x12800xf32, #tpu.memory_space<hbm>>, %arg5: memref<802816xf32, #tpu.memory_space<hbm>>, %arg6: memref<2560xi32, #tpu.memory_space<vmem>>, %arg7: memref<7680xf32, #tpu.memory_space<vmem>>, %arg8: memref<6x2560xf32, #tpu.memory_space<vmem>>, %arg9: memref<25104xf32, #tpu.memory_space<vmem>>, %arg10: memref<32xi32, #tpu.memory_space<vmem>>, %arg11: memref<!tpu.dma_semaphore, #tpu.memory_space<semaphore_mem>>) attributes {dimension_semantics = [#tpu.dimension_semantics<core_parallel>, #tpu.dimension_semantics<subcore_parallel>], iteration_bounds = array<i64: 2, 16>, scalar_prefetch = 0 : i64, scratch_operands = 6 : i64, tpu.core_type = #tpu.core_type<sc_vector_subcore>, window_params = [{transform_indices = #map}, {transform_indices = #map}, {transform_indices = #map1}, {transform_indices = #map}]} {
    %mul3A = arith.constant 2 : i32
    %mul3A_0 = arith.muli %arg1, %mul3A : i32
    %add3A = arith.addi %mul3A_0, %arg0 : i32
    %iota3A = tpu.iota {dimensions = array<i32: 0>} : vector<16xi32>
    %mul3A_1 = arith.constant 3136 : i32
    %mul3A_2 = arith.muli %add3A, %mul3A_1 : i32
    %add3A_3 = arith.constant 3136 : i32
    %add3A_4 = arith.addi %mul3A_2, %add3A_3 : i32
    %scan3A = arith.constant 0 : i32
    %scan3A_5 = arith.constant 0 : i32
    %scan3A_6 = arith.constant 1569 : i32
    %scan3A_7 = arith.addi %scan3A_5, %scan3A_6 : i32
    %scan3A_8 = arith.constant 1 : i32
    %scan3A_9 = scf.for %scan3A_41 = %scan3A_5 to %scan3A_7 step %scan3A_8 iter_args(%scan3A_42 = %scan3A) -> (i32)  : i32 {
      %broadcast_in_dim3A = arith.constant 0.000000e+00 : f32
      %broadcast_in_dim3A_43 = vector.broadcast %broadcast_in_dim3A : f32 to vector<16xf32>
      %mul3A_44 = arith.constant 16 : i32
      %mul3A_45 = arith.muli %scan3A_41, %mul3A_44 : i32
      %swap3A = arith.index_cast %mul3A_45 : i32 to index
      %swap3A_46 = tpu.vector_load %arg9[%swap3A] {strides = array<i32>} : memref<25104xf32, #tpu.memory_space<vmem>>, vector<16xf32>,
      tpu.vector_store %arg9[%swap3A], %broadcast_in_dim3A_43 {strides = array<i32>} : memref<25104xf32, #tpu.memory_space<vmem>>, vector<16xf32>,
      %scan3A_47 = arith.constant 0 : i32
      scf.yield %scan3A_47 : i32
    }
    %scan3A_10 = arith.constant 1569 : i32
    %scan3A_11 = arith.constant 0 : i32
    %scan3A_12 = arith.constant 625 : i32
    %scan3A_13 = arith.constant 0 : i32
    %scan3A_14 = arith.constant 11 : i32
    %scan3A_15 = arith.addi %scan3A_13, %scan3A_14 : i32
    %scan3A_16 = arith.constant 1 : i32
    %scan3A_17:2 = scf.for %scan3A_41 = %scan3A_13 to %scan3A_15 step %scan3A_16 iter_args(%scan3A_42 = %scan3A_11, %scan3A_43 = %scan3A_12) -> (i32, i32)  : i32 {
      %add3A_44 = arith.addi %scan3A_42, %scan3A_43 : i32
      %jit3A = arith.constant 2 : i32
      %div3A = arith.divsi %add3A_44, %jit3A : i32
      %sign3A = arith.constant 0 : i32
      %sign3A_45 = arith.cmpi sgt, %add3A_44, %sign3A : i32
      %sign3A_46 = arith.extui %sign3A_45 : i1 to i32
      %sign3A_47 = arith.constant 0 : i32
      %sign3A_48 = arith.cmpi slt, %add3A_44, %sign3A_47 : i32
      %sign3A_49 = arith.extui %sign3A_48 : i1 to i32
      %sign3A_50 = arith.subi %sign3A_46, %sign3A_49 : i32
      %sign3A_51 = arith.constant 0 : i32
      %sign3A_52 = arith.cmpi sgt, %jit3A, %sign3A_51 : i32
      %sign3A_53 = arith.extui %sign3A_52 : i1 to i32
      %sign3A_54 = arith.constant 0 : i32
      %sign3A_55 = arith.cmpi slt, %jit3A, %sign3A_54 : i32
      %sign3A_56 = arith.extui %sign3A_55 : i1 to i32
      %sign3A_57 = arith.subi %sign3A_53, %sign3A_56 : i32
      %ne3A = arith.cmpi ne, %sign3A_50, %sign3A_57 : i32
      %rem3A = arith.remsi %add3A_44, %jit3A : i32
      %ne3A_58 = arith.constant 0 : i32
      %ne3A_59 = arith.cmpi ne, %rem3A, %ne3A_58 : i32
      %and3A = arith.andi %ne3A, %ne3A_59 : i1
      %sub3A_60 = arith.constant 1 : i32
      %sub3A_61 = arith.subi %div3A, %sub3A_60 : i32
      %select_n3A = arith.select %and3A, %sub3A_61, %div3A : i32
      %mul3A_62 = arith.constant 2560 : i32
      %mul3A_63 = arith.muli %select_n3A, %mul3A_62 : i32
      %add3A_64 = arith.constant 2544 : i32
      %add3A_65 = arith.addi %mul3A_63, %add3A_64 : i32
      %multiple_of3A_66 = tpu.assume_multiple %add3A_65, 16 : i32
      %dma_start3A = arith.constant 0 : i32
      %dma_start3A_67 = tpu.memref_slice %arg10[%dma_start3A] : memref<32xi32, #tpu.memory_space<vmem>> -> memref<16xi32, #tpu.memory_space<vmem>>
      %dma_start3A_68 = tpu.memref_slice %arg2[%multiple_of3A_66] : memref<1600000xi32, #tpu.memory_space<hbm>> -> memref<16xi32, #tpu.memory_space<hbm>>
      %dma_start3A_69 = arith.constant 0 : i32
      %dma_start3A_70 = tpu.memref_slice %arg10[%dma_start3A_69] : memref<32xi32, #tpu.memory_space<vmem>> -> memref<16xi32, #tpu.memory_space<vmem>>
      %dma_start3A_71 = tpu.memref_slice %arg2[%multiple_of3A_66] : memref<1600000xi32, #tpu.memory_space<hbm>> -> memref<16xi32, #tpu.memory_space<hbm>>
      tpu.enqueue_dma source(%dma_start3A_71 : memref<16xi32, #tpu.memory_space<hbm>>) target(%dma_start3A_70 : memref<16xi32, #tpu.memory_space<vmem>>) target_semaphore(%arg11 : memref<!tpu.dma_semaphore, #tpu.memory_space<semaphore_mem>>)
      %dma_wait3A = arith.constant 0 : i32
      %dma_wait3A_72 = tpu.memref_slice %arg10[%dma_wait3A] : memref<32xi32, #tpu.memory_space<vmem>> -> memref<16xi32, #tpu.memory_space<vmem>>
      %dma_wait3A_73 = tpu.memref_slice %arg2[%multiple_of3A_66] : memref<1600000xi32, #tpu.memory_space<hbm>> -> memref<16xi32, #tpu.memory_space<hbm>>
      %dma_wait3A_74 = arith.constant 0 : i32
      %dma_wait3A_75 = tpu.memref_slice %arg10[%dma_wait3A_74] : memref<32xi32, #tpu.memory_space<vmem>> -> memref<16xi32, #tpu.memory_space<vmem>>
      %dma_wait3A_76 = tpu.memref_slice %arg2[%multiple_of3A_66] : memref<1600000xi32, #tpu.memory_space<hbm>> -> memref<16xi32, #tpu.memory_space<hbm>>
      tpu.wait_dma2 semaphore(%arg11 : memref<!tpu.dma_semaphore, #tpu.memory_space<semaphore_mem>>) src(%dma_wait3A_76 : memref<16xi32, #tpu.memory_space<hbm>>) dst(%dma_wait3A_75 : memref<16xi32, #tpu.memory_space<vmem>>)
      %get3A = arith.constant 0 : index
      %get3A_77 = tpu.vector_load %arg10[%get3A] {strides = array<i32>} : memref<32xi32, #tpu.memory_space<vmem>>, vector<16xi32>,
      %slice3A = vector.extract_strided_slice %get3A_77 {offsets = [15], sizes = [1], strides = [1]} : vector<16xi32> to vector<1xi32>
      %squeeze3A = vector.extract %slice3A[0] : i32 from vector<1xi32>
      %ge3A = arith.cmpi sge, %squeeze3A, %mul3A_2 : i32
      %add3A_78 = arith.constant 1 : i32
      %add3A_79 = arith.addi %select_n3A, %add3A_78 : i32
      %select_n3A_80 = arith.select %ge3A, %scan3A_42, %add3A_79 : i32
      %select_n3A_81 = arith.select %ge3A, %select_n3A, %scan3A_43 : i32
      scf.yield %select_n3A_80, %select_n3A_81 : i32, i32
    }
    %scan3A_18 = arith.constant 11 : i32
    %scan3A_19 = arith.constant 0 : i32
    %scan3A_20 = arith.constant 625 : i32
    %scan3A_21 = arith.constant 0 : i32
    %scan3A_22 = arith.constant 11 : i32
    %scan3A_23 = arith.addi %scan3A_21, %scan3A_22 : i32
    %scan3A_24 = arith.constant 1 : i32
    %scan3A_25:2 = scf.for %scan3A_41 = %scan3A_21 to %scan3A_23 step %scan3A_24 iter_args(%scan3A_42 = %scan3A_19, %scan3A_43 = %scan3A_20) -> (i32, i32)  : i32 {
      %add3A_44 = arith.addi %scan3A_42, %scan3A_43 : i32
      %jit3A = arith.constant 2 : i32
      %div3A = arith.divsi %add3A_44, %jit3A : i32
      %sign3A = arith.constant 0 : i32
      %sign3A_45 = arith.cmpi sgt, %add3A_44, %sign3A : i32
      %sign3A_46 = arith.extui %sign3A_45 : i1 to i32
      %sign3A_47 = arith.constant 0 : i32
      %sign3A_48 = arith.cmpi slt, %add3A_44, %sign3A_47 : i32
      %sign3A_49 = arith.extui %sign3A_48 : i1 to i32
      %sign3A_50 = arith.subi %sign3A_46, %sign3A_49 : i32
      %sign3A_51 = arith.constant 0 : i32
      %sign3A_52 = arith.cmpi sgt, %jit3A, %sign3A_51 : i32
      %sign3A_53 = arith.extui %sign3A_52 : i1 to i32
      %sign3A_54 = arith.constant 0 : i32
      %sign3A_55 = arith.cmpi slt, %jit3A, %sign3A_54 : i32
      %sign3A_56 = arith.extui %sign3A_55 : i1 to i32
      %sign3A_57 = arith.subi %sign3A_53, %sign3A_56 : i32
      %ne3A = arith.cmpi ne, %sign3A_50, %sign3A_57 : i32
      %rem3A = arith.remsi %add3A_44, %jit3A : i32
      %ne3A_58 = arith.constant 0 : i32
      %ne3A_59 = arith.cmpi ne, %rem3A, %ne3A_58 : i32
      %and3A = arith.andi %ne3A, %ne3A_59 : i1
      %sub3A_60 = arith.constant 1 : i32
      %sub3A_61 = arith.subi %div3A, %sub3A_60 : i32
      %select_n3A = arith.select %and3A, %sub3A_61, %div3A : i32
      %mul3A_62 = arith.constant 2560 : i32
      %mul3A_63 = arith.muli %select_n3A, %mul3A_62 : i32
      %add3A_64 = arith.constant 0 : i32
      %add3A_65 = arith.addi %mul3A_63, %add3A_64 : i32
      %multiple_of3A_66 = tpu.assume_multiple %add3A_65, 16 : i32
      %dma_start3A = arith.constant 0 : i32
      %dma_start3A_67 = tpu.memref_slice %arg10[%dma_start3A] : memref<32xi32, #tpu.memory_space<vmem>> -> memref<16xi32, #tpu.memory_space<vmem>>
      %dma_start3A_68 = tpu.memref_slice %arg2[%multiple_of3A_66] : memref<1600000xi32, #tpu.memory_space<hbm>> -> memref<16xi32, #tpu.memory_space<hbm>>
      %dma_start3A_69 = arith.constant 0 : i32
      %dma_start3A_70 = tpu.memref_slice %arg10[%dma_start3A_69] : memref<32xi32, #tpu.memory_space<vmem>> -> memref<16xi32, #tpu.memory_space<vmem>>
      %dma_start3A_71 = tpu.memref_slice %arg2[%multiple_of3A_66] : memref<1600000xi32, #tpu.memory_space<hbm>> -> memref<16xi32, #tpu.memory_space<hbm>>
      tpu.enqueue_dma source(%dma_start3A_71 : memref<16xi32, #tpu.memory_space<hbm>>) target(%dma_start3A_70 : memref<16xi32, #tpu.memory_space<vmem>>) target_semaphore(%arg11 : memref<!tpu.dma_semaphore, #tpu.memory_space<semaphore_mem>>)
      %dma_wait3A = arith.constant 0 : i32
      %dma_wait3A_72 = tpu.memref_slice %arg10[%dma_wait3A] : memref<32xi32, #tpu.memory_space<vmem>> -> memref<16xi32, #tpu.memory_space<vmem>>
      %dma_wait3A_73 = tpu.memref_slice %arg2[%multiple_of3A_66] : memref<1600000xi32, #tpu.memory_space<hbm>> -> memref<16xi32, #tpu.memory_space<hbm>>
      %dma_wait3A_74 = arith.constant 0 : i32
      %dma_wait3A_75 = tpu.memref_slice %arg10[%dma_wait3A_74] : memref<32xi32, #tpu.memory_space<vmem>> -> memref<16xi32, #tpu.memory_space<vmem>>
      %dma_wait3A_76 = tpu.memref_slice %arg2[%multiple_of3A_66] : memref<1600000xi32, #tpu.memory_space<hbm>> -> memref<16xi32, #tpu.memory_space<hbm>>
      tpu.wait_dma2 semaphore(%arg11 : memref<!tpu.dma_semaphore, #tpu.memory_space<semaphore_mem>>) src(%dma_wait3A_76 : memref<16xi32, #tpu.memory_space<hbm>>) dst(%dma_wait3A_75 : memref<16xi32, #tpu.memory_space<vmem>>)
      %get3A = arith.constant 0 : index
      %get3A_77 = tpu.vector_load %arg10[%get3A] {strides = array<i32>} : memref<32xi32, #tpu.memory_space<vmem>>, vector<16xi32>,
      %slice3A = vector.extract_strided_slice %get3A_77 {offsets = [0], sizes = [1], strides = [1]} : vector<16xi32> to vector<1xi32>
      %squeeze3A = vector.extract %slice3A[0] : i32 from vector<1xi32>
      %ge3A = arith.cmpi sge, %squeeze3A, %add3A_4 : i32
      %add3A_78 = arith.constant 1 : i32
      %add3A_79 = arith.addi %select_n3A, %add3A_78 : i32
      %select_n3A_80 = arith.select %ge3A, %scan3A_42, %add3A_79 : i32
      %select_n3A_81 = arith.select %ge3A, %select_n3A, %scan3A_43 : i32
      scf.yield %select_n3A_80, %select_n3A_81 : i32, i32
    }
    %scan3A_26 = arith.constant 11 : i32
    %sub3A = arith.subi %scan3A_25#0, %scan3A_17#0 : i32
    %max3A = arith.constant 0 : i32
    %max3A_27 = arith.maxsi %sub3A, %max3A : i32
    %while3A = arith.constant 0 : i32
    %while3A_28 = arith.constant 0 : i32
    %while3A_29 = arith.subi %max3A_27, %while3A : i32
    %while3A_30 = arith.addi %while3A, %while3A_29 : i32
    %while3A_31 = arith.constant 1 : i32
    %while3A_32 = arith.divsi %while3A_29, %while3A_31 : i32
    %while3A_33 = arith.muli %while3A_32, %while3A_31 : i32
    %while3A_34 = arith.addi %while3A, %while3A_33 : i32
    %while3A_35 = arith.constant 1 : i32
    %while3A_36 = scf.for %while3A_41 = %while3A to %while3A_34 step %while3A_35 iter_args(%while3A_42 = %while3A_28) -> (i32)  : i32 {
      %add3A_43 = arith.addi %scan3A_17#0, %while3A_41 : i32
      %jit3A = arith.constant 5 : i32
      %div3A = arith.divsi %add3A_43, %jit3A : i32
      %sign3A = arith.constant 0 : i32
      %sign3A_44 = arith.cmpi sgt, %add3A_43, %sign3A : i32
      %sign3A_45 = arith.extui %sign3A_44 : i1 to i32
      %sign3A_46 = arith.constant 0 : i32
      %sign3A_47 = arith.cmpi slt, %add3A_43, %sign3A_46 : i32
      %sign3A_48 = arith.extui %sign3A_47 : i1 to i32
      %sign3A_49 = arith.subi %sign3A_45, %sign3A_48 : i32
      %sign3A_50 = arith.constant 0 : i32
      %sign3A_51 = arith.cmpi sgt, %jit3A, %sign3A_50 : i32
      %sign3A_52 = arith.extui %sign3A_51 : i1 to i32
      %sign3A_53 = arith.constant 0 : i32
      %sign3A_54 = arith.cmpi slt, %jit3A, %sign3A_53 : i32
      %sign3A_55 = arith.extui %sign3A_54 : i1 to i32
      %sign3A_56 = arith.subi %sign3A_52, %sign3A_55 : i32
      %ne3A = arith.cmpi ne, %sign3A_49, %sign3A_56 : i32
      %rem3A = arith.remsi %add3A_43, %jit3A : i32
      %ne3A_57 = arith.constant 0 : i32
      %ne3A_58 = arith.cmpi ne, %rem3A, %ne3A_57 : i32
      %and3A = arith.andi %ne3A, %ne3A_58 : i1
      %sub3A_59 = arith.constant 1 : i32
      %sub3A_60 = arith.subi %div3A, %sub3A_59 : i32
      %select_n3A = arith.select %and3A, %sub3A_60, %div3A : i32
      %jit3A_61 = arith.constant 5 : i32
      %eq3A = arith.constant 0 : i32
      %eq3A_62 = arith.cmpi eq, %jit3A_61, %eq3A : i32
      %jit3A_63 = arith.constant 1 : i32
      %select_n3A_64 = arith.select %eq3A_62, %jit3A_63, %jit3A_61 : i32
      %rem3A_65 = arith.remsi %add3A_43, %select_n3A_64 : i32
      %ne3A_66 = arith.constant 0 : i32
      %ne3A_67 = arith.cmpi ne, %rem3A_65, %ne3A_66 : i32
      %lt3A = arith.constant 0 : i32
      %lt3A_68 = arith.cmpi slt, %rem3A_65, %lt3A : i32
      %lt3A_69 = arith.constant 0 : i32
      %lt3A_70 = arith.cmpi slt, %select_n3A_64, %lt3A_69 : i32
      %ne3A_71 = arith.xori %lt3A_68, %lt3A_70 : i1
      %and3A_72 = arith.andi %ne3A_71, %ne3A_67 : i1
      %add3A_73 = arith.addi %rem3A_65, %select_n3A_64 : i32
      %select_n3A_74 = arith.select %and3A_72, %add3A_73, %rem3A_65 : i32
      %mul3A_75 = arith.constant 2560 : i32
      %mul3A_76 = arith.muli %select_n3A_74, %mul3A_75 : i32
      %mul3A_77 = arith.constant 2560 : i32
      %mul3A_78 = arith.muli %add3A_43, %mul3A_77 : i32
      %multiple_of3A_79 = tpu.assume_multiple %mul3A_78, 128 : i32
      %dma_start3A = tpu.memref_slice %arg2[%multiple_of3A_79] : memref<1600000xi32, #tpu.memory_space<hbm>> -> memref<2560xi32, #tpu.memory_space<hbm>>
      %dma_start3A_80 = tpu.memref_slice %arg2[%multiple_of3A_79] : memref<1600000xi32, #tpu.memory_space<hbm>> -> memref<2560xi32, #tpu.memory_space<hbm>>
      tpu.enqueue_dma source(%dma_start3A_80 : memref<2560xi32, #tpu.memory_space<hbm>>) target(%arg6 : memref<2560xi32, #tpu.memory_space<vmem>>) target_semaphore(%arg11 : memref<!tpu.dma_semaphore, #tpu.memory_space<semaphore_mem>>)
      %dma_wait3A = tpu.memref_slice %arg2[%multiple_of3A_79] : memref<1600000xi32, #tpu.memory_space<hbm>> -> memref<2560xi32, #tpu.memory_space<hbm>>
      %dma_wait3A_81 = tpu.memref_slice %arg2[%multiple_of3A_79] : memref<1600000xi32, #tpu.memory_space<hbm>> -> memref<2560xi32, #tpu.memory_space<hbm>>
      tpu.wait_dma2 semaphore(%arg11 : memref<!tpu.dma_semaphore, #tpu.memory_space<semaphore_mem>>) src(%dma_wait3A_81 : memref<2560xi32, #tpu.memory_space<hbm>>) dst(%arg6 : memref<2560xi32, #tpu.memory_space<vmem>>)
      %mul3A_82 = arith.constant 3 : i32
      %mul3A_83 = arith.muli %multiple_of3A_79, %mul3A_82 : i32
      %multiple_of3A_84 = tpu.assume_multiple %mul3A_83, 128 : i32
      %dma_start3A_85 = tpu.memref_slice %arg3[%multiple_of3A_84] : memref<4800000xf32, #tpu.memory_space<hbm>> -> memref<7680xf32, #tpu.memory_space<hbm>>
      %dma_start3A_86 = tpu.memref_slice %arg3[%multiple_of3A_84] : memref<4800000xf32, #tpu.memory_space<hbm>> -> memref<7680xf32, #tpu.memory_space<hbm>>
      tpu.enqueue_dma source(%dma_start3A_86 : memref<7680xf32, #tpu.memory_space<hbm>>) target(%arg7 : memref<7680xf32, #tpu.memory_space<vmem>>) target_semaphore(%arg11 : memref<!tpu.dma_semaphore, #tpu.memory_space<semaphore_mem>>)
      %dma_wait3A_87 = tpu.memref_slice %arg3[%multiple_of3A_84] : memref<4800000xf32, #tpu.memory_space<hbm>> -> memref<7680xf32, #tpu.memory_space<hbm>>
      %dma_wait3A_88 = tpu.memref_slice %arg3[%multiple_of3A_84] : memref<4800000xf32, #tpu.memory_space<hbm>> -> memref<7680xf32, #tpu.memory_space<hbm>>
      tpu.wait_dma2 semaphore(%arg11 : memref<!tpu.dma_semaphore, #tpu.memory_space<semaphore_mem>>) src(%dma_wait3A_88 : memref<7680xf32, #tpu.memory_space<hbm>>) dst(%arg7 : memref<7680xf32, #tpu.memory_space<vmem>>)
      %dma_start3A_89 = arith.constant 0 : i32
      %dma_start3A_90 = tpu.memref_slice %arg4[%select_n3A, %dma_start3A_89, %mul3A_76] : memref<125x6x12800xf32, #tpu.memory_space<hbm>> -> memref<1x6x2560xf32, #tpu.memory_space<hbm>>
      %dma_start3A_91 = tpu.memref_squeeze %dma_start3A_90 : memref<1x6x2560xf32, #tpu.memory_space<hbm>> -> memref<6x2560xf32, #tpu.memory_space<hbm>>
      %dma_start3A_92 = arith.constant 0 : i32
      %dma_start3A_93 = tpu.memref_slice %arg4[%select_n3A, %dma_start3A_92, %mul3A_76] : memref<125x6x12800xf32, #tpu.memory_space<hbm>> -> memref<1x6x2560xf32, #tpu.memory_space<hbm>>
      %dma_start3A_94 = tpu.memref_squeeze %dma_start3A_93 : memref<1x6x2560xf32, #tpu.memory_space<hbm>> -> memref<6x2560xf32, #tpu.memory_space<hbm>>
      tpu.enqueue_dma source(%dma_start3A_94 : memref<6x2560xf32, #tpu.memory_space<hbm>>) target(%arg8 : memref<6x2560xf32, #tpu.memory_space<vmem>>) target_semaphore(%arg11 : memref<!tpu.dma_semaphore, #tpu.memory_space<semaphore_mem>>)
      %dma_wait3A_95 = arith.constant 0 : i32
      %dma_wait3A_96 = tpu.memref_slice %arg4[%select_n3A, %dma_wait3A_95, %mul3A_76] : memref<125x6x12800xf32, #tpu.memory_space<hbm>> -> memref<1x6x2560xf32, #tpu.memory_space<hbm>>
      %dma_wait3A_97 = tpu.memref_squeeze %dma_wait3A_96 : memref<1x6x2560xf32, #tpu.memory_space<hbm>> -> memref<6x2560xf32, #tpu.memory_space<hbm>>
      %dma_wait3A_98 = arith.constant 0 : i32
      %dma_wait3A_99 = tpu.memref_slice %arg4[%select_n3A, %dma_wait3A_98, %mul3A_76] : memref<125x6x12800xf32, #tpu.memory_space<hbm>> -> memref<1x6x2560xf32, #tpu.memory_space<hbm>>
      %dma_wait3A_100 = tpu.memref_squeeze %dma_wait3A_99 : memref<1x6x2560xf32, #tpu.memory_space<hbm>> -> memref<6x2560xf32, #tpu.memory_space<hbm>>
      tpu.wait_dma2 semaphore(%arg11 : memref<!tpu.dma_semaphore, #tpu.memory_space<semaphore_mem>>) src(%dma_wait3A_100 : memref<6x2560xf32, #tpu.memory_space<hbm>>) dst(%arg8 : memref<6x2560xf32, #tpu.memory_space<vmem>>)
      %scan3A_101 = arith.constant 0 : i32
      %scan3A_102 = arith.constant 0 : i32
      %scan3A_103 = arith.constant 160 : i32
      %scan3A_104 = arith.addi %scan3A_102, %scan3A_103 : i32
      %scan3A_105 = arith.constant 1 : i32
      %scan3A_106 = scf.for %scan3A_109 = %scan3A_102 to %scan3A_104 step %scan3A_105 iter_args(%scan3A_110 = %scan3A_101) -> (i32)  : i32 {
        %mul3A_111 = arith.constant 16 : i32
        %mul3A_112 = arith.muli %scan3A_109, %mul3A_111 : i32
        %add3A_113 = vector.broadcast %mul3A_112 : i32 to vector<16xi32>
        %add3A_114 = arith.addi %add3A_113, %iota3A : vector<16xi32>
        %mul3A_115 = arith.constant 16 : i32
        %mul3A_116 = arith.muli %scan3A_109, %mul3A_115 : i32
        %get3A = arith.index_cast %mul3A_116 : i32 to index
        %get3A_117 = tpu.vector_load %arg6[%get3A] {strides = array<i32>} : memref<2560xi32, #tpu.memory_space<vmem>>, vector<16xi32>,
        %ge3A = vector.broadcast %mul3A_2 : i32 to vector<16xi32>
        %ge3A_118 = arith.cmpi sge, %get3A_117, %ge3A : vector<16xi32>
        %lt3A_119 = vector.broadcast %add3A_4 : i32 to vector<16xi32>
        %lt3A_120 = arith.cmpi slt, %get3A_117, %lt3A_119 : vector<16xi32>
        %and3A_121 = arith.andi %ge3A_118, %lt3A_120 : vector<16xi1>
        %sub3A_122 = vector.broadcast %mul3A_2 : i32 to vector<16xi32>
        %sub3A_123 = arith.subi %get3A_117, %sub3A_122 : vector<16xi32>
        %mul3A_124 = arith.constant 8 : i32
        %mul3A_125 = vector.broadcast %mul3A_124 : i32 to vector<16xi32>
        %mul3A_126 = arith.muli %sub3A_123, %mul3A_125 : vector<16xi32>
        %jit3A_127 = arith.constant 25088 : i32
        %broadcast_in_dim3A = vector.broadcast %jit3A_127 : i32 to vector<16xi32>
        %select_n3A_128 = arith.select %and3A_121, %mul3A_126, %broadcast_in_dim3A : vector<16xi1>, vector<16xi32>
        %mul3A_129 = arith.constant 3 : i32
        %mul3A_130 = vector.broadcast %mul3A_129 : i32 to vector<16xi32>
        %mul3A_131 = arith.muli %add3A_114, %mul3A_130 : vector<16xi32>
        %mul3A_132 = arith.constant 16 : i32
        %mul3A_133 = arith.muli %scan3A_109, %mul3A_132 : i32
        %get3A_134 = arith.constant 0 : i32
        %get3A_135 = arith.index_cast %get3A_134 : i32 to index
        %get3A_136 = arith.index_cast %mul3A_133 : i32 to index
        %get3A_137 = tpu.vector_load %arg8[%get3A_135, %get3A_136] {strides = array<i32>} : memref<6x2560xf32, #tpu.memory_space<vmem>>, vector<16xf32>,
        %add3A_138 = arith.constant 0 : i32
        %add3A_139 = vector.broadcast %add3A_138 : i32 to vector<16xi32>
        %add3A_140 = arith.addi %mul3A_131, %add3A_139 : vector<16xi32>
        %gather3A = tpu.vector_load_idx %arg7[%add3A_140] : memref<7680xf32, #tpu.memory_space<vmem>>[vector<16xi32>], vector<16xf32>,
        %add3A_141 = arith.addf %gather3A, %get3A_137 : vector<16xf32>
        %convert_element_type3A = arith.fptosi %add3A_141 : vector<16xf32> to vector<16xi32>
        %convert_element_type3A_142 = arith.sitofp %convert_element_type3A : vector<16xi32> to vector<16xf32>
        %sub3A_143 = arith.subf %add3A_141, %convert_element_type3A_142 : vector<16xf32>
        %lt3A_144 = arith.constant 0.000000e+00 : f32
        %lt3A_145 = vector.broadcast %lt3A_144 : f32 to vector<16xf32>
        %lt3A_146 = arith.cmpf olt, %sub3A_143, %lt3A_145 : vector<16xf32>
        %add3A_147 = arith.constant 1.000000e+00 : f32
        %add3A_148 = vector.broadcast %add3A_147 : f32 to vector<16xf32>
        %add3A_149 = arith.addf %sub3A_143, %add3A_148 : vector<16xf32>
        %select_n3A_150 = arith.select %lt3A_146, %add3A_149, %sub3A_143 : vector<16xi1>, vector<16xf32>
        %add3A_151 = arith.constant 0 : i32
        %add3A_152 = vector.broadcast %add3A_151 : i32 to vector<16xi32>
        %add3A_153 = arith.addi %select_n3A_128, %add3A_152 : vector<16xi32>
        tpu.vector_store_idx %arg9[%add3A_153], %select_n3A_150 {add = true} : memref<25104xf32, #tpu.memory_space<vmem>>[vector<16xi32>], vector<16xf32>,
        %mul3A_154 = arith.constant 16 : i32
        %mul3A_155 = arith.muli %scan3A_109, %mul3A_154 : i32
        %get3A_156 = arith.constant 3 : i32
        %get3A_157 = arith.index_cast %get3A_156 : i32 to index
        %get3A_158 = arith.index_cast %mul3A_155 : i32 to index
        %get3A_159 = tpu.vector_load %arg8[%get3A_157, %get3A_158] {strides = array<i32>} : memref<6x2560xf32, #tpu.memory_space<vmem>>, vector<16xf32>,
        %add3A_160 = arith.constant 3 : i32
        %add3A_161 = vector.broadcast %add3A_160 : i32 to vector<16xi32>
        %add3A_162 = arith.addi %select_n3A_128, %add3A_161 : vector<16xi32>
        tpu.vector_store_idx %arg9[%add3A_162], %get3A_159 {add = true} : memref<25104xf32, #tpu.memory_space<vmem>>[vector<16xi32>], vector<16xf32>,
        %mul3A_163 = arith.constant 16 : i32
        %mul3A_164 = arith.muli %scan3A_109, %mul3A_163 : i32
        %get3A_165 = arith.constant 1 : i32
        %get3A_166 = arith.index_cast %get3A_165 : i32 to index
        %get3A_167 = arith.index_cast %mul3A_164 : i32 to index
        %get3A_168 = tpu.vector_load %arg8[%get3A_166, %get3A_167] {strides = array<i32>} : memref<6x2560xf32, #tpu.memory_space<vmem>>, vector<16xf32>,
        %add3A_169 = arith.constant 1 : i32
        %add3A_170 = vector.broadcast %add3A_169 : i32 to vector<16xi32>
        %add3A_171 = arith.addi %mul3A_131, %add3A_170 : vector<16xi32>
        %gather3A_172 = tpu.vector_load_idx %arg7[%add3A_171] : memref<7680xf32, #tpu.memory_space<vmem>>[vector<16xi32>], vector<16xf32>,
        %add3A_173 = arith.addf %gather3A_172, %get3A_168 : vector<16xf32>
        %convert_element_type3A_174 = arith.fptosi %add3A_173 : vector<16xf32> to vector<16xi32>
        %convert_element_type3A_175 = arith.sitofp %convert_element_type3A_174 : vector<16xi32> to vector<16xf32>
        %sub3A_176 = arith.subf %add3A_173, %convert_element_type3A_175 : vector<16xf32>
        %lt3A_177 = arith.constant 0.000000e+00 : f32
        %lt3A_178 = vector.broadcast %lt3A_177 : f32 to vector<16xf32>
        %lt3A_179 = arith.cmpf olt, %sub3A_176, %lt3A_178 : vector<16xf32>
        %add3A_180 = arith.constant 1.000000e+00 : f32
        %add3A_181 = vector.broadcast %add3A_180 : f32 to vector<16xf32>
        %add3A_182 = arith.addf %sub3A_176, %add3A_181 : vector<16xf32>
        %select_n3A_183 = arith.select %lt3A_179, %add3A_182, %sub3A_176 : vector<16xi1>, vector<16xf32>
        %add3A_184 = arith.constant 1 : i32
        %add3A_185 = vector.broadcast %add3A_184 : i32 to vector<16xi32>
        %add3A_186 = arith.addi %select_n3A_128, %add3A_185 : vector<16xi32>
        tpu.vector_store_idx %arg9[%add3A_186], %select_n3A_183 {add = true} : memref<25104xf32, #tpu.memory_space<vmem>>[vector<16xi32>], vector<16xf32>,
        %mul3A_187 = arith.constant 16 : i32
        %mul3A_188 = arith.muli %scan3A_109, %mul3A_187 : i32
        %get3A_189 = arith.constant 4 : i32
        %get3A_190 = arith.index_cast %get3A_189 : i32 to index
        %get3A_191 = arith.index_cast %mul3A_188 : i32 to index
        %get3A_192 = tpu.vector_load %arg8[%get3A_190, %get3A_191] {strides = array<i32>} : memref<6x2560xf32, #tpu.memory_space<vmem>>, vector<16xf32>,
        %add3A_193 = arith.constant 4 : i32
        %add3A_194 = vector.broadcast %add3A_193 : i32 to vector<16xi32>
        %add3A_195 = arith.addi %select_n3A_128, %add3A_194 : vector<16xi32>
        tpu.vector_store_idx %arg9[%add3A_195], %get3A_192 {add = true} : memref<25104xf32, #tpu.memory_space<vmem>>[vector<16xi32>], vector<16xf32>,
        %mul3A_196 = arith.constant 16 : i32
        %mul3A_197 = arith.muli %scan3A_109, %mul3A_196 : i32
        %get3A_198 = arith.constant 2 : i32
        %get3A_199 = arith.index_cast %get3A_198 : i32 to index
        %get3A_200 = arith.index_cast %mul3A_197 : i32 to index
        %get3A_201 = tpu.vector_load %arg8[%get3A_199, %get3A_200] {strides = array<i32>} : memref<6x2560xf32, #tpu.memory_space<vmem>>, vector<16xf32>,
        %add3A_202 = arith.constant 2 : i32
        %add3A_203 = vector.broadcast %add3A_202 : i32 to vector<16xi32>
        %add3A_204 = arith.addi %mul3A_131, %add3A_203 : vector<16xi32>
        %gather3A_205 = tpu.vector_load_idx %arg7[%add3A_204] : memref<7680xf32, #tpu.memory_space<vmem>>[vector<16xi32>], vector<16xf32>,
        %add3A_206 = arith.addf %gather3A_205, %get3A_201 : vector<16xf32>
        %convert_element_type3A_207 = arith.fptosi %add3A_206 : vector<16xf32> to vector<16xi32>
        %convert_element_type3A_208 = arith.sitofp %convert_element_type3A_207 : vector<16xi32> to vector<16xf32>
        %sub3A_209 = arith.subf %add3A_206, %convert_element_type3A_208 : vector<16xf32>
        %lt3A_210 = arith.constant 0.000000e+00 : f32
        %lt3A_211 = vector.broadcast %lt3A_210 : f32 to vector<16xf32>
        %lt3A_212 = arith.cmpf olt, %sub3A_209, %lt3A_211 : vector<16xf32>
        %add3A_213 = arith.constant 1.000000e+00 : f32
        %add3A_214 = vector.broadcast %add3A_213 : f32 to vector<16xf32>
        %add3A_215 = arith.addf %sub3A_209, %add3A_214 : vector<16xf32>
        %select_n3A_216 = arith.select %lt3A_212, %add3A_215, %sub3A_209 : vector<16xi1>, vector<16xf32>
        %add3A_217 = arith.constant 2 : i32
        %add3A_218 = vector.broadcast %add3A_217 : i32 to vector<16xi32>
        %add3A_219 = arith.addi %select_n3A_128, %add3A_218 : vector<16xi32>
        tpu.vector_store_idx %arg9[%add3A_219], %select_n3A_216 {add = true} : memref<25104xf32, #tpu.memory_space<vmem>>[vector<16xi32>], vector<16xf32>,
        %mul3A_220 = arith.constant 16 : i32
        %mul3A_221 = arith.muli %scan3A_109, %mul3A_220 : i32
        %get3A_222 = arith.constant 5 : i32
        %get3A_223 = arith.index_cast %get3A_222 : i32 to index
        %get3A_224 = arith.index_cast %mul3A_221 : i32 to index
        %get3A_225 = tpu.vector_load %arg8[%get3A_223, %get3A_224] {strides = array<i32>} : memref<6x2560xf32, #tpu.memory_space<vmem>>, vector<16xf32>,
        %add3A_226 = arith.constant 5 : i32
        %add3A_227 = vector.broadcast %add3A_226 : i32 to vector<16xi32>
        %add3A_228 = arith.addi %select_n3A_128, %add3A_227 : vector<16xi32>
        tpu.vector_store_idx %arg9[%add3A_228], %get3A_225 {add = true} : memref<25104xf32, #tpu.memory_space<vmem>>[vector<16xi32>], vector<16xf32>,
        %add3A_229 = arith.constant 6 : i32
        %add3A_230 = vector.broadcast %add3A_229 : i32 to vector<16xi32>
        %add3A_231 = arith.addi %select_n3A_128, %add3A_230 : vector<16xi32>
        %broadcast_in_dim3A_232 = arith.constant 1.000000e+00 : f32
        %broadcast_in_dim3A_233 = vector.broadcast %broadcast_in_dim3A_232 : f32 to vector<16xf32>
        tpu.vector_store_idx %arg9[%add3A_231], %broadcast_in_dim3A_233 {add = true} : memref<25104xf32, #tpu.memory_space<vmem>>[vector<16xi32>], vector<16xf32>,
        %scan3A_234 = arith.constant 0 : i32
        scf.yield %scan3A_234 : i32
      }
      %scan3A_107 = arith.constant 160 : i32
      %while3A_108 = arith.constant 0 : i32
      scf.yield %while3A_108 : i32
    }
    %while3A_37 = arith.constant 1 : i32
    %while3A_38 = scf.for %while3A_41 = %while3A_34 to %while3A_30 step %while3A_37 iter_args(%while3A_42 = %while3A_36) -> (i32)  : i32 {
      %add3A_43 = arith.addi %scan3A_17#0, %while3A_41 : i32
      %jit3A = arith.constant 5 : i32
      %div3A = arith.divsi %add3A_43, %jit3A : i32
      %sign3A = arith.constant 0 : i32
      %sign3A_44 = arith.cmpi sgt, %add3A_43, %sign3A : i32
      %sign3A_45 = arith.extui %sign3A_44 : i1 to i32
      %sign3A_46 = arith.constant 0 : i32
      %sign3A_47 = arith.cmpi slt, %add3A_43, %sign3A_46 : i32
      %sign3A_48 = arith.extui %sign3A_47 : i1 to i32
      %sign3A_49 = arith.subi %sign3A_45, %sign3A_48 : i32
      %sign3A_50 = arith.constant 0 : i32
      %sign3A_51 = arith.cmpi sgt, %jit3A, %sign3A_50 : i32
      %sign3A_52 = arith.extui %sign3A_51 : i1 to i32
      %sign3A_53 = arith.constant 0 : i32
      %sign3A_54 = arith.cmpi slt, %jit3A, %sign3A_53 : i32
      %sign3A_55 = arith.extui %sign3A_54 : i1 to i32
      %sign3A_56 = arith.subi %sign3A_52, %sign3A_55 : i32
      %ne3A = arith.cmpi ne, %sign3A_49, %sign3A_56 : i32
      %rem3A = arith.remsi %add3A_43, %jit3A : i32
      %ne3A_57 = arith.constant 0 : i32
      %ne3A_58 = arith.cmpi ne, %rem3A, %ne3A_57 : i32
      %and3A = arith.andi %ne3A, %ne3A_58 : i1
      %sub3A_59 = arith.constant 1 : i32
      %sub3A_60 = arith.subi %div3A, %sub3A_59 : i32
      %select_n3A = arith.select %and3A, %sub3A_60, %div3A : i32
      %jit3A_61 = arith.constant 5 : i32
      %eq3A = arith.constant 0 : i32
      %eq3A_62 = arith.cmpi eq, %jit3A_61, %eq3A : i32
      %jit3A_63 = arith.constant 1 : i32
      %select_n3A_64 = arith.select %eq3A_62, %jit3A_63, %jit3A_61 : i32
      %rem3A_65 = arith.remsi %add3A_43, %select_n3A_64 : i32
      %ne3A_66 = arith.constant 0 : i32
      %ne3A_67 = arith.cmpi ne, %rem3A_65, %ne3A_66 : i32
      %lt3A = arith.constant 0 : i32
      %lt3A_68 = arith.cmpi slt, %rem3A_65, %lt3A : i32
      %lt3A_69 = arith.constant 0 : i32
      %lt3A_70 = arith.cmpi slt, %select_n3A_64, %lt3A_69 : i32
      %ne3A_71 = arith.xori %lt3A_68, %lt3A_70 : i1
      %and3A_72 = arith.andi %ne3A_71, %ne3A_67 : i1
      %add3A_73 = arith.addi %rem3A_65, %select_n3A_64 : i32
      %select_n3A_74 = arith.select %and3A_72, %add3A_73, %rem3A_65 : i32
      %mul3A_75 = arith.constant 2560 : i32
      %mul3A_76 = arith.muli %select_n3A_74, %mul3A_75 : i32
      %mul3A_77 = arith.constant 2560 : i32
      %mul3A_78 = arith.muli %add3A_43, %mul3A_77 : i32
      %multiple_of3A_79 = tpu.assume_multiple %mul3A_78, 128 : i32
      %dma_start3A = tpu.memref_slice %arg2[%multiple_of3A_79] : memref<1600000xi32, #tpu.memory_space<hbm>> -> memref<2560xi32, #tpu.memory_space<hbm>>
      %dma_start3A_80 = tpu.memref_slice %arg2[%multiple_of3A_79] : memref<1600000xi32, #tpu.memory_space<hbm>> -> memref<2560xi32, #tpu.memory_space<hbm>>
      tpu.enqueue_dma source(%dma_start3A_80 : memref<2560xi32, #tpu.memory_space<hbm>>) target(%arg6 : memref<2560xi32, #tpu.memory_space<vmem>>) target_semaphore(%arg11 : memref<!tpu.dma_semaphore, #tpu.memory_space<semaphore_mem>>)
      %dma_wait3A = tpu.memref_slice %arg2[%multiple_of3A_79] : memref<1600000xi32, #tpu.memory_space<hbm>> -> memref<2560xi32, #tpu.memory_space<hbm>>
      %dma_wait3A_81 = tpu.memref_slice %arg2[%multiple_of3A_79] : memref<1600000xi32, #tpu.memory_space<hbm>> -> memref<2560xi32, #tpu.memory_space<hbm>>
      tpu.wait_dma2 semaphore(%arg11 : memref<!tpu.dma_semaphore, #tpu.memory_space<semaphore_mem>>) src(%dma_wait3A_81 : memref<2560xi32, #tpu.memory_space<hbm>>) dst(%arg6 : memref<2560xi32, #tpu.memory_space<vmem>>)
      %mul3A_82 = arith.constant 3 : i32
      %mul3A_83 = arith.muli %multiple_of3A_79, %mul3A_82 : i32
      %multiple_of3A_84 = tpu.assume_multiple %mul3A_83, 128 : i32
      %dma_start3A_85 = tpu.memref_slice %arg3[%multiple_of3A_84] : memref<4800000xf32, #tpu.memory_space<hbm>> -> memref<7680xf32, #tpu.memory_space<hbm>>
      %dma_start3A_86 = tpu.memref_slice %arg3[%multiple_of3A_84] : memref<4800000xf32, #tpu.memory_space<hbm>> -> memref<7680xf32, #tpu.memory_space<hbm>>
      tpu.enqueue_dma source(%dma_start3A_86 : memref<7680xf32, #tpu.memory_space<hbm>>) target(%arg7 : memref<7680xf32, #tpu.memory_space<vmem>>) target_semaphore(%arg11 : memref<!tpu.dma_semaphore, #tpu.memory_space<semaphore_mem>>)
      %dma_wait3A_87 = tpu.memref_slice %arg3[%multiple_of3A_84] : memref<4800000xf32, #tpu.memory_space<hbm>> -> memref<7680xf32, #tpu.memory_space<hbm>>
      %dma_wait3A_88 = tpu.memref_slice %arg3[%multiple_of3A_84] : memref<4800000xf32, #tpu.memory_space<hbm>> -> memref<7680xf32, #tpu.memory_space<hbm>>
      tpu.wait_dma2 semaphore(%arg11 : memref<!tpu.dma_semaphore, #tpu.memory_space<semaphore_mem>>) src(%dma_wait3A_88 : memref<7680xf32, #tpu.memory_space<hbm>>) dst(%arg7 : memref<7680xf32, #tpu.memory_space<vmem>>)
      %dma_start3A_89 = arith.constant 0 : i32
      %dma_start3A_90 = tpu.memref_slice %arg4[%select_n3A, %dma_start3A_89, %mul3A_76] : memref<125x6x12800xf32, #tpu.memory_space<hbm>> -> memref<1x6x2560xf32, #tpu.memory_space<hbm>>
      %dma_start3A_91 = tpu.memref_squeeze %dma_start3A_90 : memref<1x6x2560xf32, #tpu.memory_space<hbm>> -> memref<6x2560xf32, #tpu.memory_space<hbm>>
      %dma_start3A_92 = arith.constant 0 : i32
      %dma_start3A_93 = tpu.memref_slice %arg4[%select_n3A, %dma_start3A_92, %mul3A_76] : memref<125x6x12800xf32, #tpu.memory_space<hbm>> -> memref<1x6x2560xf32, #tpu.memory_space<hbm>>
      %dma_start3A_94 = tpu.memref_squeeze %dma_start3A_93 : memref<1x6x2560xf32, #tpu.memory_space<hbm>> -> memref<6x2560xf32, #tpu.memory_space<hbm>>
      tpu.enqueue_dma source(%dma_start3A_94 : memref<6x2560xf32, #tpu.memory_space<hbm>>) target(%arg8 : memref<6x2560xf32, #tpu.memory_space<vmem>>) target_semaphore(%arg11 : memref<!tpu.dma_semaphore, #tpu.memory_space<semaphore_mem>>)
      %dma_wait3A_95 = arith.constant 0 : i32
      %dma_wait3A_96 = tpu.memref_slice %arg4[%select_n3A, %dma_wait3A_95, %mul3A_76] : memref<125x6x12800xf32, #tpu.memory_space<hbm>> -> memref<1x6x2560xf32, #tpu.memory_space<hbm>>
      %dma_wait3A_97 = tpu.memref_squeeze %dma_wait3A_96 : memref<1x6x2560xf32, #tpu.memory_space<hbm>> -> memref<6x2560xf32, #tpu.memory_space<hbm>>
      %dma_wait3A_98 = arith.constant 0 : i32
      %dma_wait3A_99 = tpu.memref_slice %arg4[%select_n3A, %dma_wait3A_98, %mul3A_76] : memref<125x6x12800xf32, #tpu.memory_space<hbm>> -> memref<1x6x2560xf32, #tpu.memory_space<hbm>>
      %dma_wait3A_100 = tpu.memref_squeeze %dma_wait3A_99 : memref<1x6x2560xf32, #tpu.memory_space<hbm>> -> memref<6x2560xf32, #tpu.memory_space<hbm>>
      tpu.wait_dma2 semaphore(%arg11 : memref<!tpu.dma_semaphore, #tpu.memory_space<semaphore_mem>>) src(%dma_wait3A_100 : memref<6x2560xf32, #tpu.memory_space<hbm>>) dst(%arg8 : memref<6x2560xf32, #tpu.memory_space<vmem>>)
      %scan3A_101 = arith.constant 0 : i32
      %scan3A_102 = arith.constant 0 : i32
      %scan3A_103 = arith.constant 160 : i32
      %scan3A_104 = arith.addi %scan3A_102, %scan3A_103 : i32
      %scan3A_105 = arith.constant 1 : i32
      %scan3A_106 = scf.for %scan3A_109 = %scan3A_102 to %scan3A_104 step %scan3A_105 iter_args(%scan3A_110 = %scan3A_101) -> (i32)  : i32 {
        %mul3A_111 = arith.constant 16 : i32
        %mul3A_112 = arith.muli %scan3A_109, %mul3A_111 : i32
        %add3A_113 = vector.broadcast %mul3A_112 : i32 to vector<16xi32>
        %add3A_114 = arith.addi %add3A_113, %iota3A : vector<16xi32>
        %mul3A_115 = arith.constant 16 : i32
        %mul3A_116 = arith.muli %scan3A_109, %mul3A_115 : i32
        %get3A = arith.index_cast %mul3A_116 : i32 to index
        %get3A_117 = tpu.vector_load %arg6[%get3A] {strides = array<i32>} : memref<2560xi32, #tpu.memory_space<vmem>>, vector<16xi32>,
        %ge3A = vector.broadcast %mul3A_2 : i32 to vector<16xi32>
        %ge3A_118 = arith.cmpi sge, %get3A_117, %ge3A : vector<16xi32>
        %lt3A_119 = vector.broadcast %add3A_4 : i32 to vector<16xi32>
        %lt3A_120 = arith.cmpi slt, %get3A_117, %lt3A_119 : vector<16xi32>
        %and3A_121 = arith.andi %ge3A_118, %lt3A_120 : vector<16xi1>
        %sub3A_122 = vector.broadcast %mul3A_2 : i32 to vector<16xi32>
        %sub3A_123 = arith.subi %get3A_117, %sub3A_122 : vector<16xi32>
        %mul3A_124 = arith.constant 8 : i32
        %mul3A_125 = vector.broadcast %mul3A_124 : i32 to vector<16xi32>
        %mul3A_126 = arith.muli %sub3A_123, %mul3A_125 : vector<16xi32>
        %jit3A_127 = arith.constant 25088 : i32
        %broadcast_in_dim3A = vector.broadcast %jit3A_127 : i32 to vector<16xi32>
        %select_n3A_128 = arith.select %and3A_121, %mul3A_126, %broadcast_in_dim3A : vector<16xi1>, vector<16xi32>
        %mul3A_129 = arith.constant 3 : i32
        %mul3A_130 = vector.broadcast %mul3A_129 : i32 to vector<16xi32>
        %mul3A_131 = arith.muli %add3A_114, %mul3A_130 : vector<16xi32>
        %mul3A_132 = arith.constant 16 : i32
        %mul3A_133 = arith.muli %scan3A_109, %mul3A_132 : i32
        %get3A_134 = arith.constant 0 : i32
        %get3A_135 = arith.index_cast %get3A_134 : i32 to index
        %get3A_136 = arith.index_cast %mul3A_133 : i32 to index
        %get3A_137 = tpu.vector_load %arg8[%get3A_135, %get3A_136] {strides = array<i32>} : memref<6x2560xf32, #tpu.memory_space<vmem>>, vector<16xf32>,
        %add3A_138 = arith.constant 0 : i32
        %add3A_139 = vector.broadcast %add3A_138 : i32 to vector<16xi32>
        %add3A_140 = arith.addi %mul3A_131, %add3A_139 : vector<16xi32>
        %gather3A = tpu.vector_load_idx %arg7[%add3A_140] : memref<7680xf32, #tpu.memory_space<vmem>>[vector<16xi32>], vector<16xf32>,
        %add3A_141 = arith.addf %gather3A, %get3A_137 : vector<16xf32>
        %convert_element_type3A = arith.fptosi %add3A_141 : vector<16xf32> to vector<16xi32>
        %convert_element_type3A_142 = arith.sitofp %convert_element_type3A : vector<16xi32> to vector<16xf32>
        %sub3A_143 = arith.subf %add3A_141, %convert_element_type3A_142 : vector<16xf32>
        %lt3A_144 = arith.constant 0.000000e+00 : f32
        %lt3A_145 = vector.broadcast %lt3A_144 : f32 to vector<16xf32>
        %lt3A_146 = arith.cmpf olt, %sub3A_143, %lt3A_145 : vector<16xf32>
        %add3A_147 = arith.constant 1.000000e+00 : f32
        %add3A_148 = vector.broadcast %add3A_147 : f32 to vector<16xf32>
        %add3A_149 = arith.addf %sub3A_143, %add3A_148 : vector<16xf32>
        %select_n3A_150 = arith.select %lt3A_146, %add3A_149, %sub3A_143 : vector<16xi1>, vector<16xf32>
        %add3A_151 = arith.constant 0 : i32
        %add3A_152 = vector.broadcast %add3A_151 : i32 to vector<16xi32>
        %add3A_153 = arith.addi %select_n3A_128, %add3A_152 : vector<16xi32>
        tpu.vector_store_idx %arg9[%add3A_153], %select_n3A_150 {add = true} : memref<25104xf32, #tpu.memory_space<vmem>>[vector<16xi32>], vector<16xf32>,
        %mul3A_154 = arith.constant 16 : i32
        %mul3A_155 = arith.muli %scan3A_109, %mul3A_154 : i32
        %get3A_156 = arith.constant 3 : i32
        %get3A_157 = arith.index_cast %get3A_156 : i32 to index
        %get3A_158 = arith.index_cast %mul3A_155 : i32 to index
        %get3A_159 = tpu.vector_load %arg8[%get3A_157, %get3A_158] {strides = array<i32>} : memref<6x2560xf32, #tpu.memory_space<vmem>>, vector<16xf32>,
        %add3A_160 = arith.constant 3 : i32
        %add3A_161 = vector.broadcast %add3A_160 : i32 to vector<16xi32>
        %add3A_162 = arith.addi %select_n3A_128, %add3A_161 : vector<16xi32>
        tpu.vector_store_idx %arg9[%add3A_162], %get3A_159 {add = true} : memref<25104xf32, #tpu.memory_space<vmem>>[vector<16xi32>], vector<16xf32>,
        %mul3A_163 = arith.constant 16 : i32
        %mul3A_164 = arith.muli %scan3A_109, %mul3A_163 : i32
        %get3A_165 = arith.constant 1 : i32
        %get3A_166 = arith.index_cast %get3A_165 : i32 to index
        %get3A_167 = arith.index_cast %mul3A_164 : i32 to index
        %get3A_168 = tpu.vector_load %arg8[%get3A_166, %get3A_167] {strides = array<i32>} : memref<6x2560xf32, #tpu.memory_space<vmem>>, vector<16xf32>,
        %add3A_169 = arith.constant 1 : i32
        %add3A_170 = vector.broadcast %add3A_169 : i32 to vector<16xi32>
        %add3A_171 = arith.addi %mul3A_131, %add3A_170 : vector<16xi32>
        %gather3A_172 = tpu.vector_load_idx %arg7[%add3A_171] : memref<7680xf32, #tpu.memory_space<vmem>>[vector<16xi32>], vector<16xf32>,
        %add3A_173 = arith.addf %gather3A_172, %get3A_168 : vector<16xf32>
        %convert_element_type3A_174 = arith.fptosi %add3A_173 : vector<16xf32> to vector<16xi32>
        %convert_element_type3A_175 = arith.sitofp %convert_element_type3A_174 : vector<16xi32> to vector<16xf32>
        %sub3A_176 = arith.subf %add3A_173, %convert_element_type3A_175 : vector<16xf32>
        %lt3A_177 = arith.constant 0.000000e+00 : f32
        %lt3A_178 = vector.broadcast %lt3A_177 : f32 to vector<16xf32>
        %lt3A_179 = arith.cmpf olt, %sub3A_176, %lt3A_178 : vector<16xf32>
        %add3A_180 = arith.constant 1.000000e+00 : f32
        %add3A_181 = vector.broadcast %add3A_180 : f32 to vector<16xf32>
        %add3A_182 = arith.addf %sub3A_176, %add3A_181 : vector<16xf32>
        %select_n3A_183 = arith.select %lt3A_179, %add3A_182, %sub3A_176 : vector<16xi1>, vector<16xf32>
        %add3A_184 = arith.constant 1 : i32
        %add3A_185 = vector.broadcast %add3A_184 : i32 to vector<16xi32>
        %add3A_186 = arith.addi %select_n3A_128, %add3A_185 : vector<16xi32>
        tpu.vector_store_idx %arg9[%add3A_186], %select_n3A_183 {add = true} : memref<25104xf32, #tpu.memory_space<vmem>>[vector<16xi32>], vector<16xf32>,
        %mul3A_187 = arith.constant 16 : i32
        %mul3A_188 = arith.muli %scan3A_109, %mul3A_187 : i32
        %get3A_189 = arith.constant 4 : i32
        %get3A_190 = arith.index_cast %get3A_189 : i32 to index
        %get3A_191 = arith.index_cast %mul3A_188 : i32 to index
        %get3A_192 = tpu.vector_load %arg8[%get3A_190, %get3A_191] {strides = array<i32>} : memref<6x2560xf32, #tpu.memory_space<vmem>>, vector<16xf32>,
        %add3A_193 = arith.constant 4 : i32
        %add3A_194 = vector.broadcast %add3A_193 : i32 to vector<16xi32>
        %add3A_195 = arith.addi %select_n3A_128, %add3A_194 : vector<16xi32>
        tpu.vector_store_idx %arg9[%add3A_195], %get3A_192 {add = true} : memref<25104xf32, #tpu.memory_space<vmem>>[vector<16xi32>], vector<16xf32>,
        %mul3A_196 = arith.constant 16 : i32
        %mul3A_197 = arith.muli %scan3A_109, %mul3A_196 : i32
        %get3A_198 = arith.constant 2 : i32
        %get3A_199 = arith.index_cast %get3A_198 : i32 to index
        %get3A_200 = arith.index_cast %mul3A_197 : i32 to index
        %get3A_201 = tpu.vector_load %arg8[%get3A_199, %get3A_200] {strides = array<i32>} : memref<6x2560xf32, #tpu.memory_space<vmem>>, vector<16xf32>,
        %add3A_202 = arith.constant 2 : i32
        %add3A_203 = vector.broadcast %add3A_202 : i32 to vector<16xi32>
        %add3A_204 = arith.addi %mul3A_131, %add3A_203 : vector<16xi32>
        %gather3A_205 = tpu.vector_load_idx %arg7[%add3A_204] : memref<7680xf32, #tpu.memory_space<vmem>>[vector<16xi32>], vector<16xf32>,
        %add3A_206 = arith.addf %gather3A_205, %get3A_201 : vector<16xf32>
        %convert_element_type3A_207 = arith.fptosi %add3A_206 : vector<16xf32> to vector<16xi32>
        %convert_element_type3A_208 = arith.sitofp %convert_element_type3A_207 : vector<16xi32> to vector<16xf32>
        %sub3A_209 = arith.subf %add3A_206, %convert_element_type3A_208 : vector<16xf32>
        %lt3A_210 = arith.constant 0.000000e+00 : f32
        %lt3A_211 = vector.broadcast %lt3A_210 : f32 to vector<16xf32>
        %lt3A_212 = arith.cmpf olt, %sub3A_209, %lt3A_211 : vector<16xf32>
        %add3A_213 = arith.constant 1.000000e+00 : f32
        %add3A_214 = vector.broadcast %add3A_213 : f32 to vector<16xf32>
        %add3A_215 = arith.addf %sub3A_209, %add3A_214 : vector<16xf32>
        %select_n3A_216 = arith.select %lt3A_212, %add3A_215, %sub3A_209 : vector<16xi1>, vector<16xf32>
        %add3A_217 = arith.constant 2 : i32
        %add3A_218 = vector.broadcast %add3A_217 : i32 to vector<16xi32>
        %add3A_219 = arith.addi %select_n3A_128, %add3A_218 : vector<16xi32>
        tpu.vector_store_idx %arg9[%add3A_219], %select_n3A_216 {add = true} : memref<25104xf32, #tpu.memory_space<vmem>>[vector<16xi32>], vector<16xf32>,
        %mul3A_220 = arith.constant 16 : i32
        %mul3A_221 = arith.muli %scan3A_109, %mul3A_220 : i32
        %get3A_222 = arith.constant 5 : i32
        %get3A_223 = arith.index_cast %get3A_222 : i32 to index
        %get3A_224 = arith.index_cast %mul3A_221 : i32 to index
        %get3A_225 = tpu.vector_load %arg8[%get3A_223, %get3A_224] {strides = array<i32>} : memref<6x2560xf32, #tpu.memory_space<vmem>>, vector<16xf32>,
        %add3A_226 = arith.constant 5 : i32
        %add3A_227 = vector.broadcast %add3A_226 : i32 to vector<16xi32>
        %add3A_228 = arith.addi %select_n3A_128, %add3A_227 : vector<16xi32>
        tpu.vector_store_idx %arg9[%add3A_228], %get3A_225 {add = true} : memref<25104xf32, #tpu.memory_space<vmem>>[vector<16xi32>], vector<16xf32>,
        %add3A_229 = arith.constant 6 : i32
        %add3A_230 = vector.broadcast %add3A_229 : i32 to vector<16xi32>
        %add3A_231 = arith.addi %select_n3A_128, %add3A_230 : vector<16xi32>
        %broadcast_in_dim3A_232 = arith.constant 1.000000e+00 : f32
        %broadcast_in_dim3A_233 = vector.broadcast %broadcast_in_dim3A_232 : f32 to vector<16xf32>
        tpu.vector_store_idx %arg9[%add3A_231], %broadcast_in_dim3A_233 {add = true} : memref<25104xf32, #tpu.memory_space<vmem>>[vector<16xi32>], vector<16xf32>,
        %scan3A_234 = arith.constant 0 : i32
        scf.yield %scan3A_234 : i32
      }
      %scan3A_107 = arith.constant 160 : i32
      %while3A_108 = arith.constant 0 : i32
      scf.yield %while3A_108 : i32
    }
    %mul3A_39 = arith.constant 25088 : i32
    %mul3A_40 = arith.muli %add3A, %mul3A_39 : i32
    %multiple_of3A = tpu.assume_multiple %mul3A_40, 128 : i32
    "tpu.region"() ({
      %run_scoped3A = tpu.sem_alloc : memref<!tpu.dma_semaphore, #tpu.memory_space<semaphore_mem>>
      %dma_start3A = arith.constant 0 : i32
      %dma_start3A_41 = tpu.memref_slice %arg9[%dma_start3A] : memref<25104xf32, #tpu.memory_space<vmem>> -> memref<25088xf32, #tpu.memory_space<vmem>>
      %dma_start3A_42 = tpu.memref_slice %arg5[%multiple_of3A] : memref<802816xf32, #tpu.memory_space<hbm>> -> memref<25088xf32, #tpu.memory_space<hbm>>
      %dma_start3A_43 = tpu.memref_slice %arg5[%multiple_of3A] : memref<802816xf32, #tpu.memory_space<hbm>> -> memref<25088xf32, #tpu.memory_space<hbm>>
      %dma_start3A_44 = arith.constant 0 : i32
      %dma_start3A_45 = tpu.memref_slice %arg9[%dma_start3A_44] : memref<25104xf32, #tpu.memory_space<vmem>> -> memref<25088xf32, #tpu.memory_space<vmem>>
      tpu.enqueue_dma source(%dma_start3A_45 : memref<25088xf32, #tpu.memory_space<vmem>>) target(%dma_start3A_43 : memref<25088xf32, #tpu.memory_space<hbm>>) target_semaphore(%run_scoped3A : memref<!tpu.dma_semaphore, #tpu.memory_space<semaphore_mem>>)
      %dma_wait3A = arith.constant 0 : i32
      %dma_wait3A_46 = tpu.memref_slice %arg9[%dma_wait3A] : memref<25104xf32, #tpu.memory_space<vmem>> -> memref<25088xf32, #tpu.memory_space<vmem>>
      %dma_wait3A_47 = tpu.memref_slice %arg5[%multiple_of3A] : memref<802816xf32, #tpu.memory_space<hbm>> -> memref<25088xf32, #tpu.memory_space<hbm>>
      %dma_wait3A_48 = tpu.memref_slice %arg5[%multiple_of3A] : memref<802816xf32, #tpu.memory_space<hbm>> -> memref<25088xf32, #tpu.memory_space<hbm>>
      %dma_wait3A_49 = arith.constant 0 : i32
      %dma_wait3A_50 = tpu.memref_slice %arg9[%dma_wait3A_49] : memref<25104xf32, #tpu.memory_space<vmem>> -> memref<25088xf32, #tpu.memory_space<vmem>>
      tpu.wait_dma2 semaphore(%run_scoped3A : memref<!tpu.dma_semaphore, #tpu.memory_space<semaphore_mem>>) src(%dma_wait3A_50 : memref<25088xf32, #tpu.memory_space<vmem>>) dst(%dma_wait3A_48 : memref<25088xf32, #tpu.memory_space<hbm>>)
      tpu.yield
    }) : () -> ()
    return
  }
}

module attributes {stable_mosaic.version = 14 : i64} {
  func.func @_b_body(%arg0: i32, %arg1: memref<1x3x100x128xf32, #tpu.memory_space<vmem>>, %arg2: memref<1x100x128xf32, #tpu.memory_space<vmem>>, %arg3: memref<1x6x100x128xf32, #tpu.memory_space<vmem>>, %arg4: memref<1x1xf32, #tpu.memory_space<smem>>) attributes {dimension_semantics = [#tpu.dimension_semantics<arbitrary>], iteration_bounds = array<i64: 125>, scalar_prefetch = 0 : i64, scratch_operands = 0 : i64, tpu.core_type = #tpu.core_type<tc>, window_params = [{transform_indices = @transform_0, window_bounds = array<i64: 1, 3, 100, 128>}, {transform_indices = @transform_1, window_bounds = array<i64: 1, 100, 128>}, {transform_indices = @transform_2, window_bounds = array<i64: 1, 6, 100, 128>}, {transform_indices = @transform_3, window_bounds = array<i64: 1, 1>}]} {
    %get3A = arith.constant 0 : index
    %get3A_0 = arith.constant 0 : index
    %get3A_1 = arith.constant 0 : index
    %get3A_2 = vector.load %arg2[%get3A, %get3A_0, %get3A_1] : memref<1x100x128xf32, #tpu.memory_space<vmem>>, vector<1x100x128xf32>
    %get3A_3 = vector.shape_cast %get3A_2 : vector<1x100x128xf32> to vector<100x128xf32>
    %add3A = arith.constant 0.00999999977 : f32
    %add3A_4 = vector.broadcast %add3A : f32 to vector<100x128xf32>
    %add3A_5 = arith.addf %get3A_3, %add3A_4 : vector<100x128xf32>
    %mul3A = arith.mulf %add3A_5, %add3A_5 : vector<100x128xf32>
    %div3A = arith.constant 1.000000e+00 : f32
    %div3A_6 = vector.broadcast %div3A : f32 to vector<100x128xf32>
    %div3A_7 = arith.divf %div3A_6, %mul3A : vector<100x128xf32>
    %mul3A_8 = arith.constant -5.000000e-01 : f32
    %mul3A_9 = vector.broadcast %mul3A_8 : f32 to vector<100x128xf32>
    %mul3A_10 = arith.mulf %mul3A_9, %div3A_7 : vector<100x128xf32>
    %sqrt3A = math.sqrt %add3A_5 : vector<100x128xf32>
    %div3A_11 = arith.constant 1.000000e+00 : f32
    %div3A_12 = vector.broadcast %div3A_11 : f32 to vector<100x128xf32>
    %div3A_13 = arith.divf %div3A_12, %sqrt3A : vector<100x128xf32>
    %get3A_14 = arith.constant 0 : index
    %get3A_15 = arith.constant 0 : index
    %get3A_16 = arith.constant 0 : index
    %get3A_17 = arith.constant 0 : index
    %get3A_18 = vector.load %arg1[%get3A_14, %get3A_15, %get3A_16, %get3A_17] : memref<1x3x100x128xf32, #tpu.memory_space<vmem>>, vector<1x1x100x128xf32>
    %get3A_19 = vector.shape_cast %get3A_18 : vector<1x1x100x128xf32> to vector<100x128xf32>
    %mul3A_20 = arith.mulf %add3A_5, %get3A_19 : vector<100x128xf32>
    %swap3A = arith.constant 0 : index
    %swap3A_21 = arith.constant 0 : index
    %swap3A_22 = arith.constant 0 : index
    %swap3A_23 = arith.constant 0 : index
    %swap3A_24 = vector.load %arg3[%swap3A, %swap3A_21, %swap3A_22, %swap3A_23] : memref<1x6x100x128xf32, #tpu.memory_space<vmem>>, vector<1x1x100x128xf32>
    %swap3A_25 = vector.shape_cast %swap3A_24 : vector<1x1x100x128xf32> to vector<100x128xf32>
    %swap3A_26 = vector.shape_cast %mul3A_20 : vector<100x128xf32> to vector<1x1x100x128xf32>
    tpu.vector_store %arg3[%swap3A, %swap3A_21, %swap3A_22, %swap3A_23], %swap3A_26 {strides = array<i32>} : memref<1x6x100x128xf32, #tpu.memory_space<vmem>>, vector<1x1x100x128xf32>,
    %broadcast_in_dim3A = arith.constant 0.000000e+00 : f32
    %broadcast_in_dim3A_27 = vector.broadcast %broadcast_in_dim3A : f32 to vector<100x128xf32>
    %broadcast_in_dim3A_28 = arith.constant 0.000000e+00 : f32
    %broadcast_in_dim3A_29 = vector.broadcast %broadcast_in_dim3A_28 : f32 to vector<100x128xf32>
    %add3A_30 = arith.constant -1.000000e+01 : f32
    %add3A_31 = vector.broadcast %add3A_30 : f32 to vector<100x128xf32>
    %add3A_32 = arith.addf %mul3A_20, %add3A_31 : vector<100x128xf32>
    %mul3A_33 = arith.mulf %add3A_32, %add3A_32 : vector<100x128xf32>
    %mul3A_34 = arith.mulf %mul3A_33, %mul3A_10 : vector<100x128xf32>
    %exp3A = math.exp %mul3A_34 : vector<100x128xf32>
    %mul3A_35 = arith.mulf %add3A_32, %div3A_7 : vector<100x128xf32>
    %mul3A_36 = arith.mulf %mul3A_35, %exp3A : vector<100x128xf32>
    %add3A_37 = arith.addf %broadcast_in_dim3A_27, %mul3A_36 : vector<100x128xf32>
    %add3A_38 = arith.addf %broadcast_in_dim3A_29, %exp3A : vector<100x128xf32>
    %add3A_39 = arith.constant -9.000000e+00 : f32
    %add3A_40 = vector.broadcast %add3A_39 : f32 to vector<100x128xf32>
    %add3A_41 = arith.addf %mul3A_20, %add3A_40 : vector<100x128xf32>
    %mul3A_42 = arith.mulf %add3A_41, %add3A_41 : vector<100x128xf32>
    %mul3A_43 = arith.mulf %mul3A_42, %mul3A_10 : vector<100x128xf32>
    %exp3A_44 = math.exp %mul3A_43 : vector<100x128xf32>
    %mul3A_45 = arith.mulf %add3A_41, %div3A_7 : vector<100x128xf32>
    %mul3A_46 = arith.mulf %mul3A_45, %exp3A_44 : vector<100x128xf32>
    %add3A_47 = arith.addf %add3A_37, %mul3A_46 : vector<100x128xf32>
    %add3A_48 = arith.addf %add3A_38, %exp3A_44 : vector<100x128xf32>
    %add3A_49 = arith.constant -8.000000e+00 : f32
    %add3A_50 = vector.broadcast %add3A_49 : f32 to vector<100x128xf32>
    %add3A_51 = arith.addf %mul3A_20, %add3A_50 : vector<100x128xf32>
    %mul3A_52 = arith.mulf %add3A_51, %add3A_51 : vector<100x128xf32>
    %mul3A_53 = arith.mulf %mul3A_52, %mul3A_10 : vector<100x128xf32>
    %exp3A_54 = math.exp %mul3A_53 : vector<100x128xf32>
    %mul3A_55 = arith.mulf %add3A_51, %div3A_7 : vector<100x128xf32>
    %mul3A_56 = arith.mulf %mul3A_55, %exp3A_54 : vector<100x128xf32>
    %add3A_57 = arith.addf %add3A_47, %mul3A_56 : vector<100x128xf32>
    %add3A_58 = arith.addf %add3A_48, %exp3A_54 : vector<100x128xf32>
    %add3A_59 = arith.constant -7.000000e+00 : f32
    %add3A_60 = vector.broadcast %add3A_59 : f32 to vector<100x128xf32>
    %add3A_61 = arith.addf %mul3A_20, %add3A_60 : vector<100x128xf32>
    %mul3A_62 = arith.mulf %add3A_61, %add3A_61 : vector<100x128xf32>
    %mul3A_63 = arith.mulf %mul3A_62, %mul3A_10 : vector<100x128xf32>
    %exp3A_64 = math.exp %mul3A_63 : vector<100x128xf32>
    %mul3A_65 = arith.mulf %add3A_61, %div3A_7 : vector<100x128xf32>
    %mul3A_66 = arith.mulf %mul3A_65, %exp3A_64 : vector<100x128xf32>
    %add3A_67 = arith.addf %add3A_57, %mul3A_66 : vector<100x128xf32>
    %add3A_68 = arith.addf %add3A_58, %exp3A_64 : vector<100x128xf32>
    %add3A_69 = arith.constant -6.000000e+00 : f32
    %add3A_70 = vector.broadcast %add3A_69 : f32 to vector<100x128xf32>
    %add3A_71 = arith.addf %mul3A_20, %add3A_70 : vector<100x128xf32>
    %mul3A_72 = arith.mulf %add3A_71, %add3A_71 : vector<100x128xf32>
    %mul3A_73 = arith.mulf %mul3A_72, %mul3A_10 : vector<100x128xf32>
    %exp3A_74 = math.exp %mul3A_73 : vector<100x128xf32>
    %mul3A_75 = arith.mulf %add3A_71, %div3A_7 : vector<100x128xf32>
    %mul3A_76 = arith.mulf %mul3A_75, %exp3A_74 : vector<100x128xf32>
    %add3A_77 = arith.addf %add3A_67, %mul3A_76 : vector<100x128xf32>
    %add3A_78 = arith.addf %add3A_68, %exp3A_74 : vector<100x128xf32>
    %add3A_79 = arith.constant -5.000000e+00 : f32
    %add3A_80 = vector.broadcast %add3A_79 : f32 to vector<100x128xf32>
    %add3A_81 = arith.addf %mul3A_20, %add3A_80 : vector<100x128xf32>
    %mul3A_82 = arith.mulf %add3A_81, %add3A_81 : vector<100x128xf32>
    %mul3A_83 = arith.mulf %mul3A_82, %mul3A_10 : vector<100x128xf32>
    %exp3A_84 = math.exp %mul3A_83 : vector<100x128xf32>
    %mul3A_85 = arith.mulf %add3A_81, %div3A_7 : vector<100x128xf32>
    %mul3A_86 = arith.mulf %mul3A_85, %exp3A_84 : vector<100x128xf32>
    %add3A_87 = arith.addf %add3A_77, %mul3A_86 : vector<100x128xf32>
    %add3A_88 = arith.addf %add3A_78, %exp3A_84 : vector<100x128xf32>
    %add3A_89 = arith.constant -4.000000e+00 : f32
    %add3A_90 = vector.broadcast %add3A_89 : f32 to vector<100x128xf32>
    %add3A_91 = arith.addf %mul3A_20, %add3A_90 : vector<100x128xf32>
    %mul3A_92 = arith.mulf %add3A_91, %add3A_91 : vector<100x128xf32>
    %mul3A_93 = arith.mulf %mul3A_92, %mul3A_10 : vector<100x128xf32>
    %exp3A_94 = math.exp %mul3A_93 : vector<100x128xf32>
    %mul3A_95 = arith.mulf %add3A_91, %div3A_7 : vector<100x128xf32>
    %mul3A_96 = arith.mulf %mul3A_95, %exp3A_94 : vector<100x128xf32>
    %add3A_97 = arith.addf %add3A_87, %mul3A_96 : vector<100x128xf32>
    %add3A_98 = arith.addf %add3A_88, %exp3A_94 : vector<100x128xf32>
    %add3A_99 = arith.constant -3.000000e+00 : f32
    %add3A_100 = vector.broadcast %add3A_99 : f32 to vector<100x128xf32>
    %add3A_101 = arith.addf %mul3A_20, %add3A_100 : vector<100x128xf32>
    %mul3A_102 = arith.mulf %add3A_101, %add3A_101 : vector<100x128xf32>
    %mul3A_103 = arith.mulf %mul3A_102, %mul3A_10 : vector<100x128xf32>
    %exp3A_104 = math.exp %mul3A_103 : vector<100x128xf32>
    %mul3A_105 = arith.mulf %add3A_101, %div3A_7 : vector<100x128xf32>
    %mul3A_106 = arith.mulf %mul3A_105, %exp3A_104 : vector<100x128xf32>
    %add3A_107 = arith.addf %add3A_97, %mul3A_106 : vector<100x128xf32>
    %add3A_108 = arith.addf %add3A_98, %exp3A_104 : vector<100x128xf32>
    %add3A_109 = arith.constant -2.000000e+00 : f32
    %add3A_110 = vector.broadcast %add3A_109 : f32 to vector<100x128xf32>
    %add3A_111 = arith.addf %mul3A_20, %add3A_110 : vector<100x128xf32>
    %mul3A_112 = arith.mulf %add3A_111, %add3A_111 : vector<100x128xf32>
    %mul3A_113 = arith.mulf %mul3A_112, %mul3A_10 : vector<100x128xf32>
    %exp3A_114 = math.exp %mul3A_113 : vector<100x128xf32>
    %mul3A_115 = arith.mulf %add3A_111, %div3A_7 : vector<100x128xf32>
    %mul3A_116 = arith.mulf %mul3A_115, %exp3A_114 : vector<100x128xf32>
    %add3A_117 = arith.addf %add3A_107, %mul3A_116 : vector<100x128xf32>
    %add3A_118 = arith.addf %add3A_108, %exp3A_114 : vector<100x128xf32>
    %add3A_119 = arith.constant -1.000000e+00 : f32
    %add3A_120 = vector.broadcast %add3A_119 : f32 to vector<100x128xf32>
    %add3A_121 = arith.addf %mul3A_20, %add3A_120 : vector<100x128xf32>
    %mul3A_122 = arith.mulf %add3A_121, %add3A_121 : vector<100x128xf32>
    %mul3A_123 = arith.mulf %mul3A_122, %mul3A_10 : vector<100x128xf32>
    %exp3A_124 = math.exp %mul3A_123 : vector<100x128xf32>
    %mul3A_125 = arith.mulf %add3A_121, %div3A_7 : vector<100x128xf32>
    %mul3A_126 = arith.mulf %mul3A_125, %exp3A_124 : vector<100x128xf32>
    %add3A_127 = arith.addf %add3A_117, %mul3A_126 : vector<100x128xf32>
    %add3A_128 = arith.addf %add3A_118, %exp3A_124 : vector<100x128xf32>
    %add3A_129 = arith.constant 0.000000e+00 : f32
    %add3A_130 = vector.broadcast %add3A_129 : f32 to vector<100x128xf32>
    %add3A_131 = arith.addf %mul3A_20, %add3A_130 : vector<100x128xf32>
    %mul3A_132 = arith.mulf %add3A_131, %add3A_131 : vector<100x128xf32>
    %mul3A_133 = arith.mulf %mul3A_132, %mul3A_10 : vector<100x128xf32>
    %exp3A_134 = math.exp %mul3A_133 : vector<100x128xf32>
    %mul3A_135 = arith.mulf %add3A_131, %div3A_7 : vector<100x128xf32>
    %mul3A_136 = arith.mulf %mul3A_135, %exp3A_134 : vector<100x128xf32>
    %add3A_137 = arith.addf %add3A_127, %mul3A_136 : vector<100x128xf32>
    %add3A_138 = arith.addf %add3A_128, %exp3A_134 : vector<100x128xf32>
    %add3A_139 = arith.constant 1.000000e+00 : f32
    %add3A_140 = vector.broadcast %add3A_139 : f32 to vector<100x128xf32>
    %add3A_141 = arith.addf %mul3A_20, %add3A_140 : vector<100x128xf32>
    %mul3A_142 = arith.mulf %add3A_141, %add3A_141 : vector<100x128xf32>
    %mul3A_143 = arith.mulf %mul3A_142, %mul3A_10 : vector<100x128xf32>
    %exp3A_144 = math.exp %mul3A_143 : vector<100x128xf32>
    %mul3A_145 = arith.mulf %add3A_141, %div3A_7 : vector<100x128xf32>
    %mul3A_146 = arith.mulf %mul3A_145, %exp3A_144 : vector<100x128xf32>
    %add3A_147 = arith.addf %add3A_137, %mul3A_146 : vector<100x128xf32>
    %add3A_148 = arith.addf %add3A_138, %exp3A_144 : vector<100x128xf32>
    %add3A_149 = arith.constant 2.000000e+00 : f32
    %add3A_150 = vector.broadcast %add3A_149 : f32 to vector<100x128xf32>
    %add3A_151 = arith.addf %mul3A_20, %add3A_150 : vector<100x128xf32>
    %mul3A_152 = arith.mulf %add3A_151, %add3A_151 : vector<100x128xf32>
    %mul3A_153 = arith.mulf %mul3A_152, %mul3A_10 : vector<100x128xf32>
    %exp3A_154 = math.exp %mul3A_153 : vector<100x128xf32>
    %mul3A_155 = arith.mulf %add3A_151, %div3A_7 : vector<100x128xf32>
    %mul3A_156 = arith.mulf %mul3A_155, %exp3A_154 : vector<100x128xf32>
    %add3A_157 = arith.addf %add3A_147, %mul3A_156 : vector<100x128xf32>
    %add3A_158 = arith.addf %add3A_148, %exp3A_154 : vector<100x128xf32>
    %add3A_159 = arith.constant 3.000000e+00 : f32
    %add3A_160 = vector.broadcast %add3A_159 : f32 to vector<100x128xf32>
    %add3A_161 = arith.addf %mul3A_20, %add3A_160 : vector<100x128xf32>
    %mul3A_162 = arith.mulf %add3A_161, %add3A_161 : vector<100x128xf32>
    %mul3A_163 = arith.mulf %mul3A_162, %mul3A_10 : vector<100x128xf32>
    %exp3A_164 = math.exp %mul3A_163 : vector<100x128xf32>
    %mul3A_165 = arith.mulf %add3A_161, %div3A_7 : vector<100x128xf32>
    %mul3A_166 = arith.mulf %mul3A_165, %exp3A_164 : vector<100x128xf32>
    %add3A_167 = arith.addf %add3A_157, %mul3A_166 : vector<100x128xf32>
    %add3A_168 = arith.addf %add3A_158, %exp3A_164 : vector<100x128xf32>
    %add3A_169 = arith.constant 4.000000e+00 : f32
    %add3A_170 = vector.broadcast %add3A_169 : f32 to vector<100x128xf32>
    %add3A_171 = arith.addf %mul3A_20, %add3A_170 : vector<100x128xf32>
    %mul3A_172 = arith.mulf %add3A_171, %add3A_171 : vector<100x128xf32>
    %mul3A_173 = arith.mulf %mul3A_172, %mul3A_10 : vector<100x128xf32>
    %exp3A_174 = math.exp %mul3A_173 : vector<100x128xf32>
    %mul3A_175 = arith.mulf %add3A_171, %div3A_7 : vector<100x128xf32>
    %mul3A_176 = arith.mulf %mul3A_175, %exp3A_174 : vector<100x128xf32>
    %add3A_177 = arith.addf %add3A_167, %mul3A_176 : vector<100x128xf32>
    %add3A_178 = arith.addf %add3A_168, %exp3A_174 : vector<100x128xf32>
    %add3A_179 = arith.constant 5.000000e+00 : f32
    %add3A_180 = vector.broadcast %add3A_179 : f32 to vector<100x128xf32>
    %add3A_181 = arith.addf %mul3A_20, %add3A_180 : vector<100x128xf32>
    %mul3A_182 = arith.mulf %add3A_181, %add3A_181 : vector<100x128xf32>
    %mul3A_183 = arith.mulf %mul3A_182, %mul3A_10 : vector<100x128xf32>
    %exp3A_184 = math.exp %mul3A_183 : vector<100x128xf32>
    %mul3A_185 = arith.mulf %add3A_181, %div3A_7 : vector<100x128xf32>
    %mul3A_186 = arith.mulf %mul3A_185, %exp3A_184 : vector<100x128xf32>
    %add3A_187 = arith.addf %add3A_177, %mul3A_186 : vector<100x128xf32>
    %add3A_188 = arith.addf %add3A_178, %exp3A_184 : vector<100x128xf32>
    %add3A_189 = arith.constant 6.000000e+00 : f32
    %add3A_190 = vector.broadcast %add3A_189 : f32 to vector<100x128xf32>
    %add3A_191 = arith.addf %mul3A_20, %add3A_190 : vector<100x128xf32>
    %mul3A_192 = arith.mulf %add3A_191, %add3A_191 : vector<100x128xf32>
    %mul3A_193 = arith.mulf %mul3A_192, %mul3A_10 : vector<100x128xf32>
    %exp3A_194 = math.exp %mul3A_193 : vector<100x128xf32>
    %mul3A_195 = arith.mulf %add3A_191, %div3A_7 : vector<100x128xf32>
    %mul3A_196 = arith.mulf %mul3A_195, %exp3A_194 : vector<100x128xf32>
    %add3A_197 = arith.addf %add3A_187, %mul3A_196 : vector<100x128xf32>
    %add3A_198 = arith.addf %add3A_188, %exp3A_194 : vector<100x128xf32>
    %add3A_199 = arith.constant 7.000000e+00 : f32
    %add3A_200 = vector.broadcast %add3A_199 : f32 to vector<100x128xf32>
    %add3A_201 = arith.addf %mul3A_20, %add3A_200 : vector<100x128xf32>
    %mul3A_202 = arith.mulf %add3A_201, %add3A_201 : vector<100x128xf32>
    %mul3A_203 = arith.mulf %mul3A_202, %mul3A_10 : vector<100x128xf32>
    %exp3A_204 = math.exp %mul3A_203 : vector<100x128xf32>
    %mul3A_205 = arith.mulf %add3A_201, %div3A_7 : vector<100x128xf32>
    %mul3A_206 = arith.mulf %mul3A_205, %exp3A_204 : vector<100x128xf32>
    %add3A_207 = arith.addf %add3A_197, %mul3A_206 : vector<100x128xf32>
    %add3A_208 = arith.addf %add3A_198, %exp3A_204 : vector<100x128xf32>
    %add3A_209 = arith.constant 8.000000e+00 : f32
    %add3A_210 = vector.broadcast %add3A_209 : f32 to vector<100x128xf32>
    %add3A_211 = arith.addf %mul3A_20, %add3A_210 : vector<100x128xf32>
    %mul3A_212 = arith.mulf %add3A_211, %add3A_211 : vector<100x128xf32>
    %mul3A_213 = arith.mulf %mul3A_212, %mul3A_10 : vector<100x128xf32>
    %exp3A_214 = math.exp %mul3A_213 : vector<100x128xf32>
    %mul3A_215 = arith.mulf %add3A_211, %div3A_7 : vector<100x128xf32>
    %mul3A_216 = arith.mulf %mul3A_215, %exp3A_214 : vector<100x128xf32>
    %add3A_217 = arith.addf %add3A_207, %mul3A_216 : vector<100x128xf32>
    %add3A_218 = arith.addf %add3A_208, %exp3A_214 : vector<100x128xf32>
    %add3A_219 = arith.constant 9.000000e+00 : f32
    %add3A_220 = vector.broadcast %add3A_219 : f32 to vector<100x128xf32>
    %add3A_221 = arith.addf %mul3A_20, %add3A_220 : vector<100x128xf32>
    %mul3A_222 = arith.mulf %add3A_221, %add3A_221 : vector<100x128xf32>
    %mul3A_223 = arith.mulf %mul3A_222, %mul3A_10 : vector<100x128xf32>
    %exp3A_224 = math.exp %mul3A_223 : vector<100x128xf32>
    %mul3A_225 = arith.mulf %add3A_221, %div3A_7 : vector<100x128xf32>
    %mul3A_226 = arith.mulf %mul3A_225, %exp3A_224 : vector<100x128xf32>
    %add3A_227 = arith.addf %add3A_217, %mul3A_226 : vector<100x128xf32>
    %add3A_228 = arith.addf %add3A_218, %exp3A_224 : vector<100x128xf32>
    %add3A_229 = arith.constant 1.000000e+01 : f32
    %add3A_230 = vector.broadcast %add3A_229 : f32 to vector<100x128xf32>
    %add3A_231 = arith.addf %mul3A_20, %add3A_230 : vector<100x128xf32>
    %mul3A_232 = arith.mulf %add3A_231, %add3A_231 : vector<100x128xf32>
    %mul3A_233 = arith.mulf %mul3A_232, %mul3A_10 : vector<100x128xf32>
    %exp3A_234 = math.exp %mul3A_233 : vector<100x128xf32>
    %mul3A_235 = arith.mulf %add3A_231, %div3A_7 : vector<100x128xf32>
    %mul3A_236 = arith.mulf %mul3A_235, %exp3A_234 : vector<100x128xf32>
    %add3A_237 = arith.addf %add3A_227, %mul3A_236 : vector<100x128xf32>
    %add3A_238 = arith.addf %add3A_228, %exp3A_234 : vector<100x128xf32>
    %add3A_239 = arith.constant 9.99999996E-13 : f32
    %add3A_240 = vector.broadcast %add3A_239 : f32 to vector<100x128xf32>
    %add3A_241 = arith.addf %add3A_238, %add3A_240 : vector<100x128xf32>
    %div3A_242 = arith.divf %add3A_237, %add3A_241 : vector<100x128xf32>
    %mul3A_243 = arith.mulf %div3A_242, %div3A_13 : vector<100x128xf32>
    %swap3A_244 = arith.constant 0 : index
    %swap3A_245 = arith.constant 3 : index
    %swap3A_246 = arith.constant 0 : index
    %swap3A_247 = arith.constant 0 : index
    %swap3A_248 = vector.load %arg3[%swap3A_244, %swap3A_245, %swap3A_246, %swap3A_247] : memref<1x6x100x128xf32, #tpu.memory_space<vmem>>, vector<1x1x100x128xf32>
    %swap3A_249 = vector.shape_cast %swap3A_248 : vector<1x1x100x128xf32> to vector<100x128xf32>
    %swap3A_250 = vector.shape_cast %mul3A_243 : vector<100x128xf32> to vector<1x1x100x128xf32>
    tpu.vector_store %arg3[%swap3A_244, %swap3A_245, %swap3A_246, %swap3A_247], %swap3A_250 {strides = array<i32>} : memref<1x6x100x128xf32, #tpu.memory_space<vmem>>, vector<1x1x100x128xf32>,
    %mul3A_251 = arith.mulf %mul3A_243, %mul3A_243 : vector<100x128xf32>
    %reduce_sum3A = vector.shape_cast %mul3A_251 : vector<100x128xf32> to vector<1x100x128xf32>
    %reduce_sum3A_252 = arith.constant dense<0.000000e+00> : vector<1xf32>
    %reduce_sum3A_253 = vector.multi_reduction <add>, %reduce_sum3A, %reduce_sum3A_252 [1, 2] : vector<1x100x128xf32> to vector<1xf32>
    %reduce_sum3A_254 = vector.shape_cast %reduce_sum3A_253 : vector<1xf32> to vector<1x1x1xf32>
    %reduce_sum3A_255 = vector.extract %reduce_sum3A_254[0, 0, 0] : f32 from vector<1x1x1xf32>
    %add3A_256 = arith.constant 0.000000e+00 : f32
    %add3A_257 = arith.addf %add3A_256, %reduce_sum3A_255 : f32
    %get3A_258 = arith.constant 0 : index
    %get3A_259 = arith.constant 1 : index
    %get3A_260 = arith.constant 0 : index
    %get3A_261 = arith.constant 0 : index
    %get3A_262 = vector.load %arg1[%get3A_258, %get3A_259, %get3A_260, %get3A_261] : memref<1x3x100x128xf32, #tpu.memory_space<vmem>>, vector<1x1x100x128xf32>
    %get3A_263 = vector.shape_cast %get3A_262 : vector<1x1x100x128xf32> to vector<100x128xf32>
    %mul3A_264 = arith.mulf %add3A_5, %get3A_263 : vector<100x128xf32>
    %swap3A_265 = arith.constant 0 : index
    %swap3A_266 = arith.constant 1 : index
    %swap3A_267 = arith.constant 0 : index
    %swap3A_268 = arith.constant 0 : index
    %swap3A_269 = vector.load %arg3[%swap3A_265, %swap3A_266, %swap3A_267, %swap3A_268] : memref<1x6x100x128xf32, #tpu.memory_space<vmem>>, vector<1x1x100x128xf32>
    %swap3A_270 = vector.shape_cast %swap3A_269 : vector<1x1x100x128xf32> to vector<100x128xf32>
    %swap3A_271 = vector.shape_cast %mul3A_264 : vector<100x128xf32> to vector<1x1x100x128xf32>
    tpu.vector_store %arg3[%swap3A_265, %swap3A_266, %swap3A_267, %swap3A_268], %swap3A_271 {strides = array<i32>} : memref<1x6x100x128xf32, #tpu.memory_space<vmem>>, vector<1x1x100x128xf32>,
    %broadcast_in_dim3A_272 = arith.constant 0.000000e+00 : f32
    %broadcast_in_dim3A_273 = vector.broadcast %broadcast_in_dim3A_272 : f32 to vector<100x128xf32>
    %broadcast_in_dim3A_274 = arith.constant 0.000000e+00 : f32
    %broadcast_in_dim3A_275 = vector.broadcast %broadcast_in_dim3A_274 : f32 to vector<100x128xf32>
    %add3A_276 = arith.constant -1.000000e+01 : f32
    %add3A_277 = vector.broadcast %add3A_276 : f32 to vector<100x128xf32>
    %add3A_278 = arith.addf %mul3A_264, %add3A_277 : vector<100x128xf32>
    %mul3A_279 = arith.mulf %add3A_278, %add3A_278 : vector<100x128xf32>
    %mul3A_280 = arith.mulf %mul3A_279, %mul3A_10 : vector<100x128xf32>
    %exp3A_281 = math.exp %mul3A_280 : vector<100x128xf32>
    %mul3A_282 = arith.mulf %add3A_278, %div3A_7 : vector<100x128xf32>
    %mul3A_283 = arith.mulf %mul3A_282, %exp3A_281 : vector<100x128xf32>
    %add3A_284 = arith.addf %broadcast_in_dim3A_273, %mul3A_283 : vector<100x128xf32>
    %add3A_285 = arith.addf %broadcast_in_dim3A_275, %exp3A_281 : vector<100x128xf32>
    %add3A_286 = arith.constant -9.000000e+00 : f32
    %add3A_287 = vector.broadcast %add3A_286 : f32 to vector<100x128xf32>
    %add3A_288 = arith.addf %mul3A_264, %add3A_287 : vector<100x128xf32>
    %mul3A_289 = arith.mulf %add3A_288, %add3A_288 : vector<100x128xf32>
    %mul3A_290 = arith.mulf %mul3A_289, %mul3A_10 : vector<100x128xf32>
    %exp3A_291 = math.exp %mul3A_290 : vector<100x128xf32>
    %mul3A_292 = arith.mulf %add3A_288, %div3A_7 : vector<100x128xf32>
    %mul3A_293 = arith.mulf %mul3A_292, %exp3A_291 : vector<100x128xf32>
    %add3A_294 = arith.addf %add3A_284, %mul3A_293 : vector<100x128xf32>
    %add3A_295 = arith.addf %add3A_285, %exp3A_291 : vector<100x128xf32>
    %add3A_296 = arith.constant -8.000000e+00 : f32
    %add3A_297 = vector.broadcast %add3A_296 : f32 to vector<100x128xf32>
    %add3A_298 = arith.addf %mul3A_264, %add3A_297 : vector<100x128xf32>
    %mul3A_299 = arith.mulf %add3A_298, %add3A_298 : vector<100x128xf32>
    %mul3A_300 = arith.mulf %mul3A_299, %mul3A_10 : vector<100x128xf32>
    %exp3A_301 = math.exp %mul3A_300 : vector<100x128xf32>
    %mul3A_302 = arith.mulf %add3A_298, %div3A_7 : vector<100x128xf32>
    %mul3A_303 = arith.mulf %mul3A_302, %exp3A_301 : vector<100x128xf32>
    %add3A_304 = arith.addf %add3A_294, %mul3A_303 : vector<100x128xf32>
    %add3A_305 = arith.addf %add3A_295, %exp3A_301 : vector<100x128xf32>
    %add3A_306 = arith.constant -7.000000e+00 : f32
    %add3A_307 = vector.broadcast %add3A_306 : f32 to vector<100x128xf32>
    %add3A_308 = arith.addf %mul3A_264, %add3A_307 : vector<100x128xf32>
    %mul3A_309 = arith.mulf %add3A_308, %add3A_308 : vector<100x128xf32>
    %mul3A_310 = arith.mulf %mul3A_309, %mul3A_10 : vector<100x128xf32>
    %exp3A_311 = math.exp %mul3A_310 : vector<100x128xf32>
    %mul3A_312 = arith.mulf %add3A_308, %div3A_7 : vector<100x128xf32>
    %mul3A_313 = arith.mulf %mul3A_312, %exp3A_311 : vector<100x128xf32>
    %add3A_314 = arith.addf %add3A_304, %mul3A_313 : vector<100x128xf32>
    %add3A_315 = arith.addf %add3A_305, %exp3A_311 : vector<100x128xf32>
    %add3A_316 = arith.constant -6.000000e+00 : f32
    %add3A_317 = vector.broadcast %add3A_316 : f32 to vector<100x128xf32>
    %add3A_318 = arith.addf %mul3A_264, %add3A_317 : vector<100x128xf32>
    %mul3A_319 = arith.mulf %add3A_318, %add3A_318 : vector<100x128xf32>
    %mul3A_320 = arith.mulf %mul3A_319, %mul3A_10 : vector<100x128xf32>
    %exp3A_321 = math.exp %mul3A_320 : vector<100x128xf32>
    %mul3A_322 = arith.mulf %add3A_318, %div3A_7 : vector<100x128xf32>
    %mul3A_323 = arith.mulf %mul3A_322, %exp3A_321 : vector<100x128xf32>
    %add3A_324 = arith.addf %add3A_314, %mul3A_323 : vector<100x128xf32>
    %add3A_325 = arith.addf %add3A_315, %exp3A_321 : vector<100x128xf32>
    %add3A_326 = arith.constant -5.000000e+00 : f32
    %add3A_327 = vector.broadcast %add3A_326 : f32 to vector<100x128xf32>
    %add3A_328 = arith.addf %mul3A_264, %add3A_327 : vector<100x128xf32>
    %mul3A_329 = arith.mulf %add3A_328, %add3A_328 : vector<100x128xf32>
    %mul3A_330 = arith.mulf %mul3A_329, %mul3A_10 : vector<100x128xf32>
    %exp3A_331 = math.exp %mul3A_330 : vector<100x128xf32>
    %mul3A_332 = arith.mulf %add3A_328, %div3A_7 : vector<100x128xf32>
    %mul3A_333 = arith.mulf %mul3A_332, %exp3A_331 : vector<100x128xf32>
    %add3A_334 = arith.addf %add3A_324, %mul3A_333 : vector<100x128xf32>
    %add3A_335 = arith.addf %add3A_325, %exp3A_331 : vector<100x128xf32>
    %add3A_336 = arith.constant -4.000000e+00 : f32
    %add3A_337 = vector.broadcast %add3A_336 : f32 to vector<100x128xf32>
    %add3A_338 = arith.addf %mul3A_264, %add3A_337 : vector<100x128xf32>
    %mul3A_339 = arith.mulf %add3A_338, %add3A_338 : vector<100x128xf32>
    %mul3A_340 = arith.mulf %mul3A_339, %mul3A_10 : vector<100x128xf32>
    %exp3A_341 = math.exp %mul3A_340 : vector<100x128xf32>
    %mul3A_342 = arith.mulf %add3A_338, %div3A_7 : vector<100x128xf32>
    %mul3A_343 = arith.mulf %mul3A_342, %exp3A_341 : vector<100x128xf32>
    %add3A_344 = arith.addf %add3A_334, %mul3A_343 : vector<100x128xf32>
    %add3A_345 = arith.addf %add3A_335, %exp3A_341 : vector<100x128xf32>
    %add3A_346 = arith.constant -3.000000e+00 : f32
    %add3A_347 = vector.broadcast %add3A_346 : f32 to vector<100x128xf32>
    %add3A_348 = arith.addf %mul3A_264, %add3A_347 : vector<100x128xf32>
    %mul3A_349 = arith.mulf %add3A_348, %add3A_348 : vector<100x128xf32>
    %mul3A_350 = arith.mulf %mul3A_349, %mul3A_10 : vector<100x128xf32>
    %exp3A_351 = math.exp %mul3A_350 : vector<100x128xf32>
    %mul3A_352 = arith.mulf %add3A_348, %div3A_7 : vector<100x128xf32>
    %mul3A_353 = arith.mulf %mul3A_352, %exp3A_351 : vector<100x128xf32>
    %add3A_354 = arith.addf %add3A_344, %mul3A_353 : vector<100x128xf32>
    %add3A_355 = arith.addf %add3A_345, %exp3A_351 : vector<100x128xf32>
    %add3A_356 = arith.constant -2.000000e+00 : f32
    %add3A_357 = vector.broadcast %add3A_356 : f32 to vector<100x128xf32>
    %add3A_358 = arith.addf %mul3A_264, %add3A_357 : vector<100x128xf32>
    %mul3A_359 = arith.mulf %add3A_358, %add3A_358 : vector<100x128xf32>
    %mul3A_360 = arith.mulf %mul3A_359, %mul3A_10 : vector<100x128xf32>
    %exp3A_361 = math.exp %mul3A_360 : vector<100x128xf32>
    %mul3A_362 = arith.mulf %add3A_358, %div3A_7 : vector<100x128xf32>
    %mul3A_363 = arith.mulf %mul3A_362, %exp3A_361 : vector<100x128xf32>
    %add3A_364 = arith.addf %add3A_354, %mul3A_363 : vector<100x128xf32>
    %add3A_365 = arith.addf %add3A_355, %exp3A_361 : vector<100x128xf32>
    %add3A_366 = arith.constant -1.000000e+00 : f32
    %add3A_367 = vector.broadcast %add3A_366 : f32 to vector<100x128xf32>
    %add3A_368 = arith.addf %mul3A_264, %add3A_367 : vector<100x128xf32>
    %mul3A_369 = arith.mulf %add3A_368, %add3A_368 : vector<100x128xf32>
    %mul3A_370 = arith.mulf %mul3A_369, %mul3A_10 : vector<100x128xf32>
    %exp3A_371 = math.exp %mul3A_370 : vector<100x128xf32>
    %mul3A_372 = arith.mulf %add3A_368, %div3A_7 : vector<100x128xf32>
    %mul3A_373 = arith.mulf %mul3A_372, %exp3A_371 : vector<100x128xf32>
    %add3A_374 = arith.addf %add3A_364, %mul3A_373 : vector<100x128xf32>
    %add3A_375 = arith.addf %add3A_365, %exp3A_371 : vector<100x128xf32>
    %add3A_376 = arith.constant 0.000000e+00 : f32
    %add3A_377 = vector.broadcast %add3A_376 : f32 to vector<100x128xf32>
    %add3A_378 = arith.addf %mul3A_264, %add3A_377 : vector<100x128xf32>
    %mul3A_379 = arith.mulf %add3A_378, %add3A_378 : vector<100x128xf32>
    %mul3A_380 = arith.mulf %mul3A_379, %mul3A_10 : vector<100x128xf32>
    %exp3A_381 = math.exp %mul3A_380 : vector<100x128xf32>
    %mul3A_382 = arith.mulf %add3A_378, %div3A_7 : vector<100x128xf32>
    %mul3A_383 = arith.mulf %mul3A_382, %exp3A_381 : vector<100x128xf32>
    %add3A_384 = arith.addf %add3A_374, %mul3A_383 : vector<100x128xf32>
    %add3A_385 = arith.addf %add3A_375, %exp3A_381 : vector<100x128xf32>
    %add3A_386 = arith.constant 1.000000e+00 : f32
    %add3A_387 = vector.broadcast %add3A_386 : f32 to vector<100x128xf32>
    %add3A_388 = arith.addf %mul3A_264, %add3A_387 : vector<100x128xf32>
    %mul3A_389 = arith.mulf %add3A_388, %add3A_388 : vector<100x128xf32>
    %mul3A_390 = arith.mulf %mul3A_389, %mul3A_10 : vector<100x128xf32>
    %exp3A_391 = math.exp %mul3A_390 : vector<100x128xf32>
    %mul3A_392 = arith.mulf %add3A_388, %div3A_7 : vector<100x128xf32>
    %mul3A_393 = arith.mulf %mul3A_392, %exp3A_391 : vector<100x128xf32>
    %add3A_394 = arith.addf %add3A_384, %mul3A_393 : vector<100x128xf32>
    %add3A_395 = arith.addf %add3A_385, %exp3A_391 : vector<100x128xf32>
    %add3A_396 = arith.constant 2.000000e+00 : f32
    %add3A_397 = vector.broadcast %add3A_396 : f32 to vector<100x128xf32>
    %add3A_398 = arith.addf %mul3A_264, %add3A_397 : vector<100x128xf32>
    %mul3A_399 = arith.mulf %add3A_398, %add3A_398 : vector<100x128xf32>
    %mul3A_400 = arith.mulf %mul3A_399, %mul3A_10 : vector<100x128xf32>
    %exp3A_401 = math.exp %mul3A_400 : vector<100x128xf32>
    %mul3A_402 = arith.mulf %add3A_398, %div3A_7 : vector<100x128xf32>
    %mul3A_403 = arith.mulf %mul3A_402, %exp3A_401 : vector<100x128xf32>
    %add3A_404 = arith.addf %add3A_394, %mul3A_403 : vector<100x128xf32>
    %add3A_405 = arith.addf %add3A_395, %exp3A_401 : vector<100x128xf32>
    %add3A_406 = arith.constant 3.000000e+00 : f32
    %add3A_407 = vector.broadcast %add3A_406 : f32 to vector<100x128xf32>
    %add3A_408 = arith.addf %mul3A_264, %add3A_407 : vector<100x128xf32>
    %mul3A_409 = arith.mulf %add3A_408, %add3A_408 : vector<100x128xf32>
    %mul3A_410 = arith.mulf %mul3A_409, %mul3A_10 : vector<100x128xf32>
    %exp3A_411 = math.exp %mul3A_410 : vector<100x128xf32>
    %mul3A_412 = arith.mulf %add3A_408, %div3A_7 : vector<100x128xf32>
    %mul3A_413 = arith.mulf %mul3A_412, %exp3A_411 : vector<100x128xf32>
    %add3A_414 = arith.addf %add3A_404, %mul3A_413 : vector<100x128xf32>
    %add3A_415 = arith.addf %add3A_405, %exp3A_411 : vector<100x128xf32>
    %add3A_416 = arith.constant 4.000000e+00 : f32
    %add3A_417 = vector.broadcast %add3A_416 : f32 to vector<100x128xf32>
    %add3A_418 = arith.addf %mul3A_264, %add3A_417 : vector<100x128xf32>
    %mul3A_419 = arith.mulf %add3A_418, %add3A_418 : vector<100x128xf32>
    %mul3A_420 = arith.mulf %mul3A_419, %mul3A_10 : vector<100x128xf32>
    %exp3A_421 = math.exp %mul3A_420 : vector<100x128xf32>
    %mul3A_422 = arith.mulf %add3A_418, %div3A_7 : vector<100x128xf32>
    %mul3A_423 = arith.mulf %mul3A_422, %exp3A_421 : vector<100x128xf32>
    %add3A_424 = arith.addf %add3A_414, %mul3A_423 : vector<100x128xf32>
    %add3A_425 = arith.addf %add3A_415, %exp3A_421 : vector<100x128xf32>
    %add3A_426 = arith.constant 5.000000e+00 : f32
    %add3A_427 = vector.broadcast %add3A_426 : f32 to vector<100x128xf32>
    %add3A_428 = arith.addf %mul3A_264, %add3A_427 : vector<100x128xf32>
    %mul3A_429 = arith.mulf %add3A_428, %add3A_428 : vector<100x128xf32>
    %mul3A_430 = arith.mulf %mul3A_429, %mul3A_10 : vector<100x128xf32>
    %exp3A_431 = math.exp %mul3A_430 : vector<100x128xf32>
    %mul3A_432 = arith.mulf %add3A_428, %div3A_7 : vector<100x128xf32>
    %mul3A_433 = arith.mulf %mul3A_432, %exp3A_431 : vector<100x128xf32>
    %add3A_434 = arith.addf %add3A_424, %mul3A_433 : vector<100x128xf32>
    %add3A_435 = arith.addf %add3A_425, %exp3A_431 : vector<100x128xf32>
    %add3A_436 = arith.constant 6.000000e+00 : f32
    %add3A_437 = vector.broadcast %add3A_436 : f32 to vector<100x128xf32>
    %add3A_438 = arith.addf %mul3A_264, %add3A_437 : vector<100x128xf32>
    %mul3A_439 = arith.mulf %add3A_438, %add3A_438 : vector<100x128xf32>
    %mul3A_440 = arith.mulf %mul3A_439, %mul3A_10 : vector<100x128xf32>
    %exp3A_441 = math.exp %mul3A_440 : vector<100x128xf32>
    %mul3A_442 = arith.mulf %add3A_438, %div3A_7 : vector<100x128xf32>
    %mul3A_443 = arith.mulf %mul3A_442, %exp3A_441 : vector<100x128xf32>
    %add3A_444 = arith.addf %add3A_434, %mul3A_443 : vector<100x128xf32>
    %add3A_445 = arith.addf %add3A_435, %exp3A_441 : vector<100x128xf32>
    %add3A_446 = arith.constant 7.000000e+00 : f32
    %add3A_447 = vector.broadcast %add3A_446 : f32 to vector<100x128xf32>
    %add3A_448 = arith.addf %mul3A_264, %add3A_447 : vector<100x128xf32>
    %mul3A_449 = arith.mulf %add3A_448, %add3A_448 : vector<100x128xf32>
    %mul3A_450 = arith.mulf %mul3A_449, %mul3A_10 : vector<100x128xf32>
    %exp3A_451 = math.exp %mul3A_450 : vector<100x128xf32>
    %mul3A_452 = arith.mulf %add3A_448, %div3A_7 : vector<100x128xf32>
    %mul3A_453 = arith.mulf %mul3A_452, %exp3A_451 : vector<100x128xf32>
    %add3A_454 = arith.addf %add3A_444, %mul3A_453 : vector<100x128xf32>
    %add3A_455 = arith.addf %add3A_445, %exp3A_451 : vector<100x128xf32>
    %add3A_456 = arith.constant 8.000000e+00 : f32
    %add3A_457 = vector.broadcast %add3A_456 : f32 to vector<100x128xf32>
    %add3A_458 = arith.addf %mul3A_264, %add3A_457 : vector<100x128xf32>
    %mul3A_459 = arith.mulf %add3A_458, %add3A_458 : vector<100x128xf32>
    %mul3A_460 = arith.mulf %mul3A_459, %mul3A_10 : vector<100x128xf32>
    %exp3A_461 = math.exp %mul3A_460 : vector<100x128xf32>
    %mul3A_462 = arith.mulf %add3A_458, %div3A_7 : vector<100x128xf32>
    %mul3A_463 = arith.mulf %mul3A_462, %exp3A_461 : vector<100x128xf32>
    %add3A_464 = arith.addf %add3A_454, %mul3A_463 : vector<100x128xf32>
    %add3A_465 = arith.addf %add3A_455, %exp3A_461 : vector<100x128xf32>
    %add3A_466 = arith.constant 9.000000e+00 : f32
    %add3A_467 = vector.broadcast %add3A_466 : f32 to vector<100x128xf32>
    %add3A_468 = arith.addf %mul3A_264, %add3A_467 : vector<100x128xf32>
    %mul3A_469 = arith.mulf %add3A_468, %add3A_468 : vector<100x128xf32>
    %mul3A_470 = arith.mulf %mul3A_469, %mul3A_10 : vector<100x128xf32>
    %exp3A_471 = math.exp %mul3A_470 : vector<100x128xf32>
    %mul3A_472 = arith.mulf %add3A_468, %div3A_7 : vector<100x128xf32>
    %mul3A_473 = arith.mulf %mul3A_472, %exp3A_471 : vector<100x128xf32>
    %add3A_474 = arith.addf %add3A_464, %mul3A_473 : vector<100x128xf32>
    %add3A_475 = arith.addf %add3A_465, %exp3A_471 : vector<100x128xf32>
    %add3A_476 = arith.constant 1.000000e+01 : f32
    %add3A_477 = vector.broadcast %add3A_476 : f32 to vector<100x128xf32>
    %add3A_478 = arith.addf %mul3A_264, %add3A_477 : vector<100x128xf32>
    %mul3A_479 = arith.mulf %add3A_478, %add3A_478 : vector<100x128xf32>
    %mul3A_480 = arith.mulf %mul3A_479, %mul3A_10 : vector<100x128xf32>
    %exp3A_481 = math.exp %mul3A_480 : vector<100x128xf32>
    %mul3A_482 = arith.mulf %add3A_478, %div3A_7 : vector<100x128xf32>
    %mul3A_483 = arith.mulf %mul3A_482, %exp3A_481 : vector<100x128xf32>
    %add3A_484 = arith.addf %add3A_474, %mul3A_483 : vector<100x128xf32>
    %add3A_485 = arith.addf %add3A_475, %exp3A_481 : vector<100x128xf32>
    %add3A_486 = arith.constant 9.99999996E-13 : f32
    %add3A_487 = vector.broadcast %add3A_486 : f32 to vector<100x128xf32>
    %add3A_488 = arith.addf %add3A_485, %add3A_487 : vector<100x128xf32>
    %div3A_489 = arith.divf %add3A_484, %add3A_488 : vector<100x128xf32>
    %mul3A_490 = arith.mulf %div3A_489, %div3A_13 : vector<100x128xf32>
    %swap3A_491 = arith.constant 0 : index
    %swap3A_492 = arith.constant 4 : index
    %swap3A_493 = arith.constant 0 : index
    %swap3A_494 = arith.constant 0 : index
    %swap3A_495 = vector.load %arg3[%swap3A_491, %swap3A_492, %swap3A_493, %swap3A_494] : memref<1x6x100x128xf32, #tpu.memory_space<vmem>>, vector<1x1x100x128xf32>
    %swap3A_496 = vector.shape_cast %swap3A_495 : vector<1x1x100x128xf32> to vector<100x128xf32>
    %swap3A_497 = vector.shape_cast %mul3A_490 : vector<100x128xf32> to vector<1x1x100x128xf32>
    tpu.vector_store %arg3[%swap3A_491, %swap3A_492, %swap3A_493, %swap3A_494], %swap3A_497 {strides = array<i32>} : memref<1x6x100x128xf32, #tpu.memory_space<vmem>>, vector<1x1x100x128xf32>,
    %mul3A_498 = arith.mulf %mul3A_490, %mul3A_490 : vector<100x128xf32>
    %reduce_sum3A_499 = vector.shape_cast %mul3A_498 : vector<100x128xf32> to vector<1x100x128xf32>
    %reduce_sum3A_500 = arith.constant dense<0.000000e+00> : vector<1xf32>
    %reduce_sum3A_501 = vector.multi_reduction <add>, %reduce_sum3A_499, %reduce_sum3A_500 [1, 2] : vector<1x100x128xf32> to vector<1xf32>
    %reduce_sum3A_502 = vector.shape_cast %reduce_sum3A_501 : vector<1xf32> to vector<1x1x1xf32>
    %reduce_sum3A_503 = vector.extract %reduce_sum3A_502[0, 0, 0] : f32 from vector<1x1x1xf32>
    %add3A_504 = arith.addf %add3A_257, %reduce_sum3A_503 : f32
    %get3A_505 = arith.constant 0 : index
    %get3A_506 = arith.constant 2 : index
    %get3A_507 = arith.constant 0 : index
    %get3A_508 = arith.constant 0 : index
    %get3A_509 = vector.load %arg1[%get3A_505, %get3A_506, %get3A_507, %get3A_508] : memref<1x3x100x128xf32, #tpu.memory_space<vmem>>, vector<1x1x100x128xf32>
    %get3A_510 = vector.shape_cast %get3A_509 : vector<1x1x100x128xf32> to vector<100x128xf32>
    %mul3A_511 = arith.mulf %add3A_5, %get3A_510 : vector<100x128xf32>
    %swap3A_512 = arith.constant 0 : index
    %swap3A_513 = arith.constant 2 : index
    %swap3A_514 = arith.constant 0 : index
    %swap3A_515 = arith.constant 0 : index
    %swap3A_516 = vector.load %arg3[%swap3A_512, %swap3A_513, %swap3A_514, %swap3A_515] : memref<1x6x100x128xf32, #tpu.memory_space<vmem>>, vector<1x1x100x128xf32>
    %swap3A_517 = vector.shape_cast %swap3A_516 : vector<1x1x100x128xf32> to vector<100x128xf32>
    %swap3A_518 = vector.shape_cast %mul3A_511 : vector<100x128xf32> to vector<1x1x100x128xf32>
    tpu.vector_store %arg3[%swap3A_512, %swap3A_513, %swap3A_514, %swap3A_515], %swap3A_518 {strides = array<i32>} : memref<1x6x100x128xf32, #tpu.memory_space<vmem>>, vector<1x1x100x128xf32>,
    %broadcast_in_dim3A_519 = arith.constant 0.000000e+00 : f32
    %broadcast_in_dim3A_520 = vector.broadcast %broadcast_in_dim3A_519 : f32 to vector<100x128xf32>
    %broadcast_in_dim3A_521 = arith.constant 0.000000e+00 : f32
    %broadcast_in_dim3A_522 = vector.broadcast %broadcast_in_dim3A_521 : f32 to vector<100x128xf32>
    %add3A_523 = arith.constant -1.000000e+01 : f32
    %add3A_524 = vector.broadcast %add3A_523 : f32 to vector<100x128xf32>
    %add3A_525 = arith.addf %mul3A_511, %add3A_524 : vector<100x128xf32>
    %mul3A_526 = arith.mulf %add3A_525, %add3A_525 : vector<100x128xf32>
    %mul3A_527 = arith.mulf %mul3A_526, %mul3A_10 : vector<100x128xf32>
    %exp3A_528 = math.exp %mul3A_527 : vector<100x128xf32>
    %mul3A_529 = arith.mulf %add3A_525, %div3A_7 : vector<100x128xf32>
    %mul3A_530 = arith.mulf %mul3A_529, %exp3A_528 : vector<100x128xf32>
    %add3A_531 = arith.addf %broadcast_in_dim3A_520, %mul3A_530 : vector<100x128xf32>
    %add3A_532 = arith.addf %broadcast_in_dim3A_522, %exp3A_528 : vector<100x128xf32>
    %add3A_533 = arith.constant -9.000000e+00 : f32
    %add3A_534 = vector.broadcast %add3A_533 : f32 to vector<100x128xf32>
    %add3A_535 = arith.addf %mul3A_511, %add3A_534 : vector<100x128xf32>
    %mul3A_536 = arith.mulf %add3A_535, %add3A_535 : vector<100x128xf32>
    %mul3A_537 = arith.mulf %mul3A_536, %mul3A_10 : vector<100x128xf32>
    %exp3A_538 = math.exp %mul3A_537 : vector<100x128xf32>
    %mul3A_539 = arith.mulf %add3A_535, %div3A_7 : vector<100x128xf32>
    %mul3A_540 = arith.mulf %mul3A_539, %exp3A_538 : vector<100x128xf32>
    %add3A_541 = arith.addf %add3A_531, %mul3A_540 : vector<100x128xf32>
    %add3A_542 = arith.addf %add3A_532, %exp3A_538 : vector<100x128xf32>
    %add3A_543 = arith.constant -8.000000e+00 : f32
    %add3A_544 = vector.broadcast %add3A_543 : f32 to vector<100x128xf32>
    %add3A_545 = arith.addf %mul3A_511, %add3A_544 : vector<100x128xf32>
    %mul3A_546 = arith.mulf %add3A_545, %add3A_545 : vector<100x128xf32>
    %mul3A_547 = arith.mulf %mul3A_546, %mul3A_10 : vector<100x128xf32>
    %exp3A_548 = math.exp %mul3A_547 : vector<100x128xf32>
    %mul3A_549 = arith.mulf %add3A_545, %div3A_7 : vector<100x128xf32>
    %mul3A_550 = arith.mulf %mul3A_549, %exp3A_548 : vector<100x128xf32>
    %add3A_551 = arith.addf %add3A_541, %mul3A_550 : vector<100x128xf32>
    %add3A_552 = arith.addf %add3A_542, %exp3A_548 : vector<100x128xf32>
    %add3A_553 = arith.constant -7.000000e+00 : f32
    %add3A_554 = vector.broadcast %add3A_553 : f32 to vector<100x128xf32>
    %add3A_555 = arith.addf %mul3A_511, %add3A_554 : vector<100x128xf32>
    %mul3A_556 = arith.mulf %add3A_555, %add3A_555 : vector<100x128xf32>
    %mul3A_557 = arith.mulf %mul3A_556, %mul3A_10 : vector<100x128xf32>
    %exp3A_558 = math.exp %mul3A_557 : vector<100x128xf32>
    %mul3A_559 = arith.mulf %add3A_555, %div3A_7 : vector<100x128xf32>
    %mul3A_560 = arith.mulf %mul3A_559, %exp3A_558 : vector<100x128xf32>
    %add3A_561 = arith.addf %add3A_551, %mul3A_560 : vector<100x128xf32>
    %add3A_562 = arith.addf %add3A_552, %exp3A_558 : vector<100x128xf32>
    %add3A_563 = arith.constant -6.000000e+00 : f32
    %add3A_564 = vector.broadcast %add3A_563 : f32 to vector<100x128xf32>
    %add3A_565 = arith.addf %mul3A_511, %add3A_564 : vector<100x128xf32>
    %mul3A_566 = arith.mulf %add3A_565, %add3A_565 : vector<100x128xf32>
    %mul3A_567 = arith.mulf %mul3A_566, %mul3A_10 : vector<100x128xf32>
    %exp3A_568 = math.exp %mul3A_567 : vector<100x128xf32>
    %mul3A_569 = arith.mulf %add3A_565, %div3A_7 : vector<100x128xf32>
    %mul3A_570 = arith.mulf %mul3A_569, %exp3A_568 : vector<100x128xf32>
    %add3A_571 = arith.addf %add3A_561, %mul3A_570 : vector<100x128xf32>
    %add3A_572 = arith.addf %add3A_562, %exp3A_568 : vector<100x128xf32>
    %add3A_573 = arith.constant -5.000000e+00 : f32
    %add3A_574 = vector.broadcast %add3A_573 : f32 to vector<100x128xf32>
    %add3A_575 = arith.addf %mul3A_511, %add3A_574 : vector<100x128xf32>
    %mul3A_576 = arith.mulf %add3A_575, %add3A_575 : vector<100x128xf32>
    %mul3A_577 = arith.mulf %mul3A_576, %mul3A_10 : vector<100x128xf32>
    %exp3A_578 = math.exp %mul3A_577 : vector<100x128xf32>
    %mul3A_579 = arith.mulf %add3A_575, %div3A_7 : vector<100x128xf32>
    %mul3A_580 = arith.mulf %mul3A_579, %exp3A_578 : vector<100x128xf32>
    %add3A_581 = arith.addf %add3A_571, %mul3A_580 : vector<100x128xf32>
    %add3A_582 = arith.addf %add3A_572, %exp3A_578 : vector<100x128xf32>
    %add3A_583 = arith.constant -4.000000e+00 : f32
    %add3A_584 = vector.broadcast %add3A_583 : f32 to vector<100x128xf32>
    %add3A_585 = arith.addf %mul3A_511, %add3A_584 : vector<100x128xf32>
    %mul3A_586 = arith.mulf %add3A_585, %add3A_585 : vector<100x128xf32>
    %mul3A_587 = arith.mulf %mul3A_586, %mul3A_10 : vector<100x128xf32>
    %exp3A_588 = math.exp %mul3A_587 : vector<100x128xf32>
    %mul3A_589 = arith.mulf %add3A_585, %div3A_7 : vector<100x128xf32>
    %mul3A_590 = arith.mulf %mul3A_589, %exp3A_588 : vector<100x128xf32>
    %add3A_591 = arith.addf %add3A_581, %mul3A_590 : vector<100x128xf32>
    %add3A_592 = arith.addf %add3A_582, %exp3A_588 : vector<100x128xf32>
    %add3A_593 = arith.constant -3.000000e+00 : f32
    %add3A_594 = vector.broadcast %add3A_593 : f32 to vector<100x128xf32>
    %add3A_595 = arith.addf %mul3A_511, %add3A_594 : vector<100x128xf32>
    %mul3A_596 = arith.mulf %add3A_595, %add3A_595 : vector<100x128xf32>
    %mul3A_597 = arith.mulf %mul3A_596, %mul3A_10 : vector<100x128xf32>
    %exp3A_598 = math.exp %mul3A_597 : vector<100x128xf32>
    %mul3A_599 = arith.mulf %add3A_595, %div3A_7 : vector<100x128xf32>
    %mul3A_600 = arith.mulf %mul3A_599, %exp3A_598 : vector<100x128xf32>
    %add3A_601 = arith.addf %add3A_591, %mul3A_600 : vector<100x128xf32>
    %add3A_602 = arith.addf %add3A_592, %exp3A_598 : vector<100x128xf32>
    %add3A_603 = arith.constant -2.000000e+00 : f32
    %add3A_604 = vector.broadcast %add3A_603 : f32 to vector<100x128xf32>
    %add3A_605 = arith.addf %mul3A_511, %add3A_604 : vector<100x128xf32>
    %mul3A_606 = arith.mulf %add3A_605, %add3A_605 : vector<100x128xf32>
    %mul3A_607 = arith.mulf %mul3A_606, %mul3A_10 : vector<100x128xf32>
    %exp3A_608 = math.exp %mul3A_607 : vector<100x128xf32>
    %mul3A_609 = arith.mulf %add3A_605, %div3A_7 : vector<100x128xf32>
    %mul3A_610 = arith.mulf %mul3A_609, %exp3A_608 : vector<100x128xf32>
    %add3A_611 = arith.addf %add3A_601, %mul3A_610 : vector<100x128xf32>
    %add3A_612 = arith.addf %add3A_602, %exp3A_608 : vector<100x128xf32>
    %add3A_613 = arith.constant -1.000000e+00 : f32
    %add3A_614 = vector.broadcast %add3A_613 : f32 to vector<100x128xf32>
    %add3A_615 = arith.addf %mul3A_511, %add3A_614 : vector<100x128xf32>
    %mul3A_616 = arith.mulf %add3A_615, %add3A_615 : vector<100x128xf32>
    %mul3A_617 = arith.mulf %mul3A_616, %mul3A_10 : vector<100x128xf32>
    %exp3A_618 = math.exp %mul3A_617 : vector<100x128xf32>
    %mul3A_619 = arith.mulf %add3A_615, %div3A_7 : vector<100x128xf32>
    %mul3A_620 = arith.mulf %mul3A_619, %exp3A_618 : vector<100x128xf32>
    %add3A_621 = arith.addf %add3A_611, %mul3A_620 : vector<100x128xf32>
    %add3A_622 = arith.addf %add3A_612, %exp3A_618 : vector<100x128xf32>
    %add3A_623 = arith.constant 0.000000e+00 : f32
    %add3A_624 = vector.broadcast %add3A_623 : f32 to vector<100x128xf32>
    %add3A_625 = arith.addf %mul3A_511, %add3A_624 : vector<100x128xf32>
    %mul3A_626 = arith.mulf %add3A_625, %add3A_625 : vector<100x128xf32>
    %mul3A_627 = arith.mulf %mul3A_626, %mul3A_10 : vector<100x128xf32>
    %exp3A_628 = math.exp %mul3A_627 : vector<100x128xf32>
    %mul3A_629 = arith.mulf %add3A_625, %div3A_7 : vector<100x128xf32>
    %mul3A_630 = arith.mulf %mul3A_629, %exp3A_628 : vector<100x128xf32>
    %add3A_631 = arith.addf %add3A_621, %mul3A_630 : vector<100x128xf32>
    %add3A_632 = arith.addf %add3A_622, %exp3A_628 : vector<100x128xf32>
    %add3A_633 = arith.constant 1.000000e+00 : f32
    %add3A_634 = vector.broadcast %add3A_633 : f32 to vector<100x128xf32>
    %add3A_635 = arith.addf %mul3A_511, %add3A_634 : vector<100x128xf32>
    %mul3A_636 = arith.mulf %add3A_635, %add3A_635 : vector<100x128xf32>
    %mul3A_637 = arith.mulf %mul3A_636, %mul3A_10 : vector<100x128xf32>
    %exp3A_638 = math.exp %mul3A_637 : vector<100x128xf32>
    %mul3A_639 = arith.mulf %add3A_635, %div3A_7 : vector<100x128xf32>
    %mul3A_640 = arith.mulf %mul3A_639, %exp3A_638 : vector<100x128xf32>
    %add3A_641 = arith.addf %add3A_631, %mul3A_640 : vector<100x128xf32>
    %add3A_642 = arith.addf %add3A_632, %exp3A_638 : vector<100x128xf32>
    %add3A_643 = arith.constant 2.000000e+00 : f32
    %add3A_644 = vector.broadcast %add3A_643 : f32 to vector<100x128xf32>
    %add3A_645 = arith.addf %mul3A_511, %add3A_644 : vector<100x128xf32>
    %mul3A_646 = arith.mulf %add3A_645, %add3A_645 : vector<100x128xf32>
    %mul3A_647 = arith.mulf %mul3A_646, %mul3A_10 : vector<100x128xf32>
    %exp3A_648 = math.exp %mul3A_647 : vector<100x128xf32>
    %mul3A_649 = arith.mulf %add3A_645, %div3A_7 : vector<100x128xf32>
    %mul3A_650 = arith.mulf %mul3A_649, %exp3A_648 : vector<100x128xf32>
    %add3A_651 = arith.addf %add3A_641, %mul3A_650 : vector<100x128xf32>
    %add3A_652 = arith.addf %add3A_642, %exp3A_648 : vector<100x128xf32>
    %add3A_653 = arith.constant 3.000000e+00 : f32
    %add3A_654 = vector.broadcast %add3A_653 : f32 to vector<100x128xf32>
    %add3A_655 = arith.addf %mul3A_511, %add3A_654 : vector<100x128xf32>
    %mul3A_656 = arith.mulf %add3A_655, %add3A_655 : vector<100x128xf32>
    %mul3A_657 = arith.mulf %mul3A_656, %mul3A_10 : vector<100x128xf32>
    %exp3A_658 = math.exp %mul3A_657 : vector<100x128xf32>
    %mul3A_659 = arith.mulf %add3A_655, %div3A_7 : vector<100x128xf32>
    %mul3A_660 = arith.mulf %mul3A_659, %exp3A_658 : vector<100x128xf32>
    %add3A_661 = arith.addf %add3A_651, %mul3A_660 : vector<100x128xf32>
    %add3A_662 = arith.addf %add3A_652, %exp3A_658 : vector<100x128xf32>
    %add3A_663 = arith.constant 4.000000e+00 : f32
    %add3A_664 = vector.broadcast %add3A_663 : f32 to vector<100x128xf32>
    %add3A_665 = arith.addf %mul3A_511, %add3A_664 : vector<100x128xf32>
    %mul3A_666 = arith.mulf %add3A_665, %add3A_665 : vector<100x128xf32>
    %mul3A_667 = arith.mulf %mul3A_666, %mul3A_10 : vector<100x128xf32>
    %exp3A_668 = math.exp %mul3A_667 : vector<100x128xf32>
    %mul3A_669 = arith.mulf %add3A_665, %div3A_7 : vector<100x128xf32>
    %mul3A_670 = arith.mulf %mul3A_669, %exp3A_668 : vector<100x128xf32>
    %add3A_671 = arith.addf %add3A_661, %mul3A_670 : vector<100x128xf32>
    %add3A_672 = arith.addf %add3A_662, %exp3A_668 : vector<100x128xf32>
    %add3A_673 = arith.constant 5.000000e+00 : f32
    %add3A_674 = vector.broadcast %add3A_673 : f32 to vector<100x128xf32>
    %add3A_675 = arith.addf %mul3A_511, %add3A_674 : vector<100x128xf32>
    %mul3A_676 = arith.mulf %add3A_675, %add3A_675 : vector<100x128xf32>
    %mul3A_677 = arith.mulf %mul3A_676, %mul3A_10 : vector<100x128xf32>
    %exp3A_678 = math.exp %mul3A_677 : vector<100x128xf32>
    %mul3A_679 = arith.mulf %add3A_675, %div3A_7 : vector<100x128xf32>
    %mul3A_680 = arith.mulf %mul3A_679, %exp3A_678 : vector<100x128xf32>
    %add3A_681 = arith.addf %add3A_671, %mul3A_680 : vector<100x128xf32>
    %add3A_682 = arith.addf %add3A_672, %exp3A_678 : vector<100x128xf32>
    %add3A_683 = arith.constant 6.000000e+00 : f32
    %add3A_684 = vector.broadcast %add3A_683 : f32 to vector<100x128xf32>
    %add3A_685 = arith.addf %mul3A_511, %add3A_684 : vector<100x128xf32>
    %mul3A_686 = arith.mulf %add3A_685, %add3A_685 : vector<100x128xf32>
    %mul3A_687 = arith.mulf %mul3A_686, %mul3A_10 : vector<100x128xf32>
    %exp3A_688 = math.exp %mul3A_687 : vector<100x128xf32>
    %mul3A_689 = arith.mulf %add3A_685, %div3A_7 : vector<100x128xf32>
    %mul3A_690 = arith.mulf %mul3A_689, %exp3A_688 : vector<100x128xf32>
    %add3A_691 = arith.addf %add3A_681, %mul3A_690 : vector<100x128xf32>
    %add3A_692 = arith.addf %add3A_682, %exp3A_688 : vector<100x128xf32>
    %add3A_693 = arith.constant 7.000000e+00 : f32
    %add3A_694 = vector.broadcast %add3A_693 : f32 to vector<100x128xf32>
    %add3A_695 = arith.addf %mul3A_511, %add3A_694 : vector<100x128xf32>
    %mul3A_696 = arith.mulf %add3A_695, %add3A_695 : vector<100x128xf32>
    %mul3A_697 = arith.mulf %mul3A_696, %mul3A_10 : vector<100x128xf32>
    %exp3A_698 = math.exp %mul3A_697 : vector<100x128xf32>
    %mul3A_699 = arith.mulf %add3A_695, %div3A_7 : vector<100x128xf32>
    %mul3A_700 = arith.mulf %mul3A_699, %exp3A_698 : vector<100x128xf32>
    %add3A_701 = arith.addf %add3A_691, %mul3A_700 : vector<100x128xf32>
    %add3A_702 = arith.addf %add3A_692, %exp3A_698 : vector<100x128xf32>
    %add3A_703 = arith.constant 8.000000e+00 : f32
    %add3A_704 = vector.broadcast %add3A_703 : f32 to vector<100x128xf32>
    %add3A_705 = arith.addf %mul3A_511, %add3A_704 : vector<100x128xf32>
    %mul3A_706 = arith.mulf %add3A_705, %add3A_705 : vector<100x128xf32>
    %mul3A_707 = arith.mulf %mul3A_706, %mul3A_10 : vector<100x128xf32>
    %exp3A_708 = math.exp %mul3A_707 : vector<100x128xf32>
    %mul3A_709 = arith.mulf %add3A_705, %div3A_7 : vector<100x128xf32>
    %mul3A_710 = arith.mulf %mul3A_709, %exp3A_708 : vector<100x128xf32>
    %add3A_711 = arith.addf %add3A_701, %mul3A_710 : vector<100x128xf32>
    %add3A_712 = arith.addf %add3A_702, %exp3A_708 : vector<100x128xf32>
    %add3A_713 = arith.constant 9.000000e+00 : f32
    %add3A_714 = vector.broadcast %add3A_713 : f32 to vector<100x128xf32>
    %add3A_715 = arith.addf %mul3A_511, %add3A_714 : vector<100x128xf32>
    %mul3A_716 = arith.mulf %add3A_715, %add3A_715 : vector<100x128xf32>
    %mul3A_717 = arith.mulf %mul3A_716, %mul3A_10 : vector<100x128xf32>
    %exp3A_718 = math.exp %mul3A_717 : vector<100x128xf32>
    %mul3A_719 = arith.mulf %add3A_715, %div3A_7 : vector<100x128xf32>
    %mul3A_720 = arith.mulf %mul3A_719, %exp3A_718 : vector<100x128xf32>
    %add3A_721 = arith.addf %add3A_711, %mul3A_720 : vector<100x128xf32>
    %add3A_722 = arith.addf %add3A_712, %exp3A_718 : vector<100x128xf32>
    %add3A_723 = arith.constant 1.000000e+01 : f32
    %add3A_724 = vector.broadcast %add3A_723 : f32 to vector<100x128xf32>
    %add3A_725 = arith.addf %mul3A_511, %add3A_724 : vector<100x128xf32>
    %mul3A_726 = arith.mulf %add3A_725, %add3A_725 : vector<100x128xf32>
    %mul3A_727 = arith.mulf %mul3A_726, %mul3A_10 : vector<100x128xf32>
    %exp3A_728 = math.exp %mul3A_727 : vector<100x128xf32>
    %mul3A_729 = arith.mulf %add3A_725, %div3A_7 : vector<100x128xf32>
    %mul3A_730 = arith.mulf %mul3A_729, %exp3A_728 : vector<100x128xf32>
    %add3A_731 = arith.addf %add3A_721, %mul3A_730 : vector<100x128xf32>
    %add3A_732 = arith.addf %add3A_722, %exp3A_728 : vector<100x128xf32>
    %add3A_733 = arith.constant 9.99999996E-13 : f32
    %add3A_734 = vector.broadcast %add3A_733 : f32 to vector<100x128xf32>
    %add3A_735 = arith.addf %add3A_732, %add3A_734 : vector<100x128xf32>
    %div3A_736 = arith.divf %add3A_731, %add3A_735 : vector<100x128xf32>
    %mul3A_737 = arith.mulf %div3A_736, %div3A_13 : vector<100x128xf32>
    %swap3A_738 = arith.constant 0 : index
    %swap3A_739 = arith.constant 5 : index
    %swap3A_740 = arith.constant 0 : index
    %swap3A_741 = arith.constant 0 : index
    %swap3A_742 = vector.load %arg3[%swap3A_738, %swap3A_739, %swap3A_740, %swap3A_741] : memref<1x6x100x128xf32, #tpu.memory_space<vmem>>, vector<1x1x100x128xf32>
    %swap3A_743 = vector.shape_cast %swap3A_742 : vector<1x1x100x128xf32> to vector<100x128xf32>
    %swap3A_744 = vector.shape_cast %mul3A_737 : vector<100x128xf32> to vector<1x1x100x128xf32>
    tpu.vector_store %arg3[%swap3A_738, %swap3A_739, %swap3A_740, %swap3A_741], %swap3A_744 {strides = array<i32>} : memref<1x6x100x128xf32, #tpu.memory_space<vmem>>, vector<1x1x100x128xf32>,
    %mul3A_745 = arith.mulf %mul3A_737, %mul3A_737 : vector<100x128xf32>
    %reduce_sum3A_746 = vector.shape_cast %mul3A_745 : vector<100x128xf32> to vector<1x100x128xf32>
    %reduce_sum3A_747 = arith.constant dense<0.000000e+00> : vector<1xf32>
    %reduce_sum3A_748 = vector.multi_reduction <add>, %reduce_sum3A_746, %reduce_sum3A_747 [1, 2] : vector<1x100x128xf32> to vector<1xf32>
    %reduce_sum3A_749 = vector.shape_cast %reduce_sum3A_748 : vector<1xf32> to vector<1x1x1xf32>
    %reduce_sum3A_750 = vector.extract %reduce_sum3A_749[0, 0, 0] : f32 from vector<1x1x1xf32>
    %add3A_751 = arith.addf %add3A_504, %reduce_sum3A_750 : f32
    %eq3A = arith.constant 0 : i32
    %eq3A_752 = arith.cmpi eq, %arg0, %eq3A : i32
    %convert_element_type3A = arith.extui %eq3A_752 : i1 to i32
    %cond3A = arith.constant 0 : i32
    %cond3A_753 = arith.cmpi ne, %convert_element_type3A, %cond3A : i32
    scf.if %cond3A_753 {
      %swap3A_761 = arith.constant 0.000000e+00 : f32
      %swap3A_762 = arith.constant 0 : index
      %swap3A_763 = arith.constant 0 : index
      %swap3A_764 = memref.load %arg4[%swap3A_762, %swap3A_763] : memref<1x1xf32, #tpu.memory_space<smem>>
      memref.store %swap3A_761, %arg4[%swap3A_762, %swap3A_763] : memref<1x1xf32, #tpu.memory_space<smem>>
    } else {
    }
    %get3A_754 = arith.constant 0 : index
    %get3A_755 = arith.constant 0 : index
    %get3A_756 = memref.load %arg4[%get3A_754, %get3A_755] : memref<1x1xf32, #tpu.memory_space<smem>>
    %add3A_757 = arith.addf %get3A_756, %add3A_751 : f32
    %swap3A_758 = arith.constant 0 : index
    %swap3A_759 = arith.constant 0 : index
    %swap3A_760 = memref.load %arg4[%swap3A_758, %swap3A_759] : memref<1x1xf32, #tpu.memory_space<smem>>
    memref.store %add3A_757, %arg4[%swap3A_758, %swap3A_759] : memref<1x1xf32, #tpu.memory_space<smem>>
    return
  }
  func.func @transform_0(%arg0: i32) -> (i32, i32, i32, i32) {
    %c0_i32 = arith.constant 0 : i32
    %c0_i32_0 = arith.constant 0 : i32
    %c0_i32_1 = arith.constant 0 : i32
    %c0_i32_2 = arith.constant 0 : i32
    return %arg0, %c0_i32, %c0_i32_0, %c0_i32_1 : i32, i32, i32, i32
  }
  func.func @transform_1(%arg0: i32) -> (i32, i32, i32) {
    %c0_i32 = arith.constant 0 : i32
    %c0_i32_0 = arith.constant 0 : i32
    %c0_i32_1 = arith.constant 0 : i32
    return %arg0, %c0_i32, %c0_i32_0 : i32, i32, i32
  }
  func.func @transform_2(%arg0: i32) -> (i32, i32, i32, i32) {
    %c0_i32 = arith.constant 0 : i32
    %c0_i32_0 = arith.constant 0 : i32
    %c0_i32_1 = arith.constant 0 : i32
    %c0_i32_2 = arith.constant 0 : i32
    return %arg0, %c0_i32, %c0_i32_0, %c0_i32_1 : i32, i32, i32, i32
  }
  func.func @transform_3(%arg0: i32) -> (i32, i32) {
    %c0_i32 = arith.constant 0 : i32
    %c0_i32_0 = arith.constant 0 : i32
    %c0_i32_1 = arith.constant 0 : i32
    return %c0_i32, %c0_i32_0 : i32, i32
  }
}

module attributes {stable_mosaic.version = 14 : i64} {
  func.func @_d_body(%arg0: memref<6272x128xf32, #tpu.memory_space<vmem>>, %arg1: memref<1x1xf32, #tpu.memory_space<smem>>, %arg2: memref<1x1xf32, #tpu.memory_space<smem>>) attributes {dimension_semantics = [], scalar_prefetch = 0 : i64, scratch_operands = 0 : i64, tpu.core_type = #tpu.core_type<tc>} {
    %get3A = arith.constant 0 : index
    %get3A_0 = arith.constant 0 : index
    %get3A_1 = vector.load %arg0[%get3A, %get3A_0] : memref<6272x128xf32, #tpu.memory_space<vmem>>, vector<6272x128xf32>
    %iota3A = tpu.iota {dimensions = array<i32: 1>} : vector<6272x128xi32>
    %jit3A = arith.constant 8 : i32
    %eq3A = arith.constant 0 : i32
    %eq3A_2 = arith.cmpi eq, %jit3A, %eq3A : i32
    %jit3A_3 = arith.constant 1 : i32
    %select_n3A = arith.select %eq3A_2, %jit3A_3, %jit3A : i32
    %rem3A = vector.broadcast %select_n3A : i32 to vector<6272x128xi32>
    %rem3A_4 = arith.remsi %iota3A, %rem3A : vector<6272x128xi32>
    %ne3A = arith.constant 0 : i32
    %ne3A_5 = vector.broadcast %ne3A : i32 to vector<6272x128xi32>
    %ne3A_6 = arith.cmpi ne, %rem3A_4, %ne3A_5 : vector<6272x128xi32>
    %lt3A = arith.constant 0 : i32
    %lt3A_7 = vector.broadcast %lt3A : i32 to vector<6272x128xi32>
    %lt3A_8 = arith.cmpi slt, %rem3A_4, %lt3A_7 : vector<6272x128xi32>
    %lt3A_9 = arith.constant 0 : i32
    %lt3A_10 = arith.cmpi slt, %select_n3A, %lt3A_9 : i32
    %ne3A_11 = vector.broadcast %lt3A_10 : i1 to vector<6272x128xi1>
    %ne3A_12 = vector.broadcast %ne3A_11 : vector<6272x128xi1> to vector<6272x128xi1>
    %ne3A_13 = arith.xori %lt3A_8, %ne3A_12 : vector<6272x128xi1>
    %and3A = arith.andi %ne3A_13, %ne3A_6 : vector<6272x128xi1>
    %add3A = vector.broadcast %select_n3A : i32 to vector<6272x128xi32>
    %add3A_14 = arith.addi %rem3A_4, %add3A : vector<6272x128xi32>
    %select_n3A_15 = arith.select %and3A, %add3A_14, %rem3A_4 : vector<6272x128xi1>, vector<6272x128xi32>
    %slice3A = vector.extract_strided_slice %get3A_1 {offsets = [0, 3], sizes = [6272, 125], strides = [1, 1]} : vector<6272x128xf32> to vector<6272x125xf32>
    %slice3A_16 = vector.extract_strided_slice %get3A_1 {offsets = [0, 0], sizes = [6272, 3], strides = [1, 1]} : vector<6272x128xf32> to vector<6272x3xf32>
    %concatenate3A = tpu.concatenate %slice3A, %slice3A_16 in 1 : vector<6272x125xf32>, vector<6272x3xf32> -> vector<6272x128xf32>
    %slice3A_17 = vector.extract_strided_slice %get3A_1 {offsets = [0, 6], sizes = [6272, 122], strides = [1, 1]} : vector<6272x128xf32> to vector<6272x122xf32>
    %slice3A_18 = vector.extract_strided_slice %get3A_1 {offsets = [0, 0], sizes = [6272, 6], strides = [1, 1]} : vector<6272x128xf32> to vector<6272x6xf32>
    %concatenate3A_19 = tpu.concatenate %slice3A_17, %slice3A_18 in 1 : vector<6272x122xf32>, vector<6272x6xf32> -> vector<6272x128xf32>
    %slice3A_20 = vector.extract_strided_slice %get3A_1 {offsets = [0, 5], sizes = [6272, 123], strides = [1, 1]} : vector<6272x128xf32> to vector<6272x123xf32>
    %slice3A_21 = vector.extract_strided_slice %get3A_1 {offsets = [0, 0], sizes = [6272, 5], strides = [1, 1]} : vector<6272x128xf32> to vector<6272x5xf32>
    %concatenate3A_22 = tpu.concatenate %slice3A_20, %slice3A_21 in 1 : vector<6272x123xf32>, vector<6272x5xf32> -> vector<6272x128xf32>
    %slice3A_23 = vector.extract_strided_slice %get3A_1 {offsets = [0, 4], sizes = [6272, 124], strides = [1, 1]} : vector<6272x128xf32> to vector<6272x124xf32>
    %slice3A_24 = vector.extract_strided_slice %get3A_1 {offsets = [0, 0], sizes = [6272, 4], strides = [1, 1]} : vector<6272x128xf32> to vector<6272x4xf32>
    %concatenate3A_25 = tpu.concatenate %slice3A_23, %slice3A_24 in 1 : vector<6272x124xf32>, vector<6272x4xf32> -> vector<6272x128xf32>
    %eq3A_26 = arith.constant 0 : i32
    %eq3A_27 = vector.broadcast %eq3A_26 : i32 to vector<6272x128xi32>
    %eq3A_28 = arith.cmpi eq, %select_n3A_15, %eq3A_27 : vector<6272x128xi32>
    %eq3A_29 = arith.constant 1 : i32
    %eq3A_30 = vector.broadcast %eq3A_29 : i32 to vector<6272x128xi32>
    %eq3A_31 = arith.cmpi eq, %select_n3A_15, %eq3A_30 : vector<6272x128xi32>
    %select_n3A_32 = arith.select %eq3A_31, %concatenate3A_22, %concatenate3A_25 : vector<6272x128xi1>, vector<6272x128xf32>
    %select_n3A_33 = arith.select %eq3A_28, %concatenate3A_19, %select_n3A_32 : vector<6272x128xi1>, vector<6272x128xf32>
    %max3A = arith.constant 1.000000e+00 : f32
    %max3A_34 = vector.broadcast %max3A : f32 to vector<6272x128xf32>
    %max3A_35 = arith.maximumf %select_n3A_33, %max3A_34 : vector<6272x128xf32>
    %mul3A = arith.mulf %get3A_1, %get3A_1 : vector<6272x128xf32>
    %mul3A_36 = arith.mulf %mul3A, %select_n3A_33 : vector<6272x128xf32>
    %mul3A_37 = arith.mulf %max3A_35, %max3A_35 : vector<6272x128xf32>
    %div3A = arith.divf %mul3A_36, %mul3A_37 : vector<6272x128xf32>
    %mul3A_38 = arith.constant 2.000000e+00 : f32
    %mul3A_39 = vector.broadcast %mul3A_38 : f32 to vector<6272x128xf32>
    %mul3A_40 = arith.mulf %mul3A_39, %get3A_1 : vector<6272x128xf32>
    %mul3A_41 = arith.mulf %mul3A_40, %concatenate3A : vector<6272x128xf32>
    %div3A_42 = arith.divf %mul3A_41, %max3A_35 : vector<6272x128xf32>
    %sub3A = arith.subf %div3A, %div3A_42 : vector<6272x128xf32>
    %lt3A_43 = arith.constant 3 : i32
    %lt3A_44 = vector.broadcast %lt3A_43 : i32 to vector<6272x128xi32>
    %lt3A_45 = arith.cmpi slt, %select_n3A_15, %lt3A_44 : vector<6272x128xi32>
    %jit3A_46 = arith.constant 0.000000e+00 : f32
    %broadcast_in_dim3A = vector.broadcast %jit3A_46 : f32 to vector<6272x128xf32>
    %select_n3A_47 = arith.select %lt3A_45, %sub3A, %broadcast_in_dim3A : vector<6272x128xi1>, vector<6272x128xf32>
    %reduce_sum3A = vector.shape_cast %select_n3A_47 : vector<6272x128xf32> to vector<1x6272x128xf32>
    %reduce_sum3A_48 = arith.constant dense<0.000000e+00> : vector<1xf32>
    %reduce_sum3A_49 = vector.multi_reduction <add>, %reduce_sum3A, %reduce_sum3A_48 [1, 2] : vector<1x6272x128xf32> to vector<1xf32>
    %reduce_sum3A_50 = vector.shape_cast %reduce_sum3A_49 : vector<1xf32> to vector<1x1x1xf32>
    %reduce_sum3A_51 = vector.extract %reduce_sum3A_50[0, 0, 0] : f32 from vector<1x1x1xf32>
    %get3A_52 = arith.constant 0 : index
    %get3A_53 = arith.constant 0 : index
    %get3A_54 = memref.load %arg1[%get3A_52, %get3A_53] : memref<1x1xf32, #tpu.memory_space<smem>>
    %add3A_55 = arith.addf %reduce_sum3A_51, %get3A_54 : f32
    %mul3A_56 = arith.constant 2.08333333E-7 : f32
    %mul3A_57 = arith.mulf %add3A_55, %mul3A_56 : f32
    %swap3A = arith.constant 0 : index
    %swap3A_58 = arith.constant 0 : index
    %swap3A_59 = memref.load %arg2[%swap3A, %swap3A_58] : memref<1x1xf32, #tpu.memory_space<smem>>
    memref.store %mul3A_57, %arg2[%swap3A, %swap3A_58] : memref<1x1xf32, #tpu.memory_space<smem>>
    return
  }
}

</mosaic_0001>

<sc_bundles>
// kernel: kernel.6.cloned.1.call-start
scs
__scs_entry_jumppad:
0x0: {  	(pc) =	sbr.rel $0x88, $3  }
0x1: {  	(tag) =	ssettag $0x0;
	lr =	simm.s32 $0x1  }
0x2: {  	[smem:$0x3F9B] =	sst lr;
	_ =	strace $0xD0000000  }
0x3: {  	_ = 	snop  }
0x4: {  	_ = 	snop  }
0x5: {  	_ = 	snop  }
0x6: {  	_ = 	snop  }
0x7: {  	_ = 	snop  }
__scs_overlays_trampoline_lowered:
0x8: {  	[smem:$0x3FAA] =	sst s0  }
0x9: {  	[smem:$0x3FAB] =	sst s1  }
0xa: {  	[smem:$0x3FAC] =	sst s2  }
0xb: {  	[smem:$0x3FAD] =	sst s3  }
0xc: {  	[smem:$0x3FAE] =	sst s4  }
0xd: {  	[smem:$0x3FAF] =	sst s5  }
0xe: {  	[smem:$0x3FB0] =	sst s6  }
0xf: {  	[smem:$0x3FB1] =	sst s7  }
0x10: {  	[smem:$0x3FB2] =	sst s8  }
0x11: {  	[smem:$0x3FB3] =	sst s9;
	s0 =	simm.s32 @!p0 $0x0  }
0x12: {  	s1 =	sld [smem:$0x3F99];
	s0 =	simm.s32 @p0 $0x1  }
0x13: {  	[smem:$0x3FB4] =	sst s0;
	s0 =	simm.s32 @!p1 $0x0  }
0x14: {  	s2 =	sld [smem:$0x3F98];
	s0 =	simm.s32 @p1 $0x1  }
0x15: {  	[smem:$0x3FB5] =	sst s0;
	s0 =	simm.s32 @!p2 $0x0  }
0x16: {  	s3 =	sld [smem:$0x3FDB];
	s0 =	simm.s32 @p2 $0x1  }
0x17: {  	s4 =	simm.s32 $0x1BF5;
	[smem:$0x3FB7] =	sst s0  }
0x18: {  	s0 =	sld [smem:$0x3F9A];
	_ =	swait.ge [sflag:s4], $0x0  }
0x19: {  	s7 =	sld [smem:$0x3F9B]  }
0x1a: {  	s8 =	sadd.s32 $0xFFFFE003, lr  }
0x1b: {  	s9 =	sadd.s32 $0xFFFFFEF7, lr;
	s5 =	simm.s32 $0xFFFFFFFF;
	p2 =	slt.u32 s8, $0xFFFFF086  }
0x1c: {  	p1 =	slt.u32 s9, $0xF7A;
	s5 =	simm.s32 @!p2 $0x0  }
0x1d: {  	s5 =	simm.s32 @p1 $0x1;
	p0 =	seq.s32 s7, s2  }
0x1e: {  	s7 =	smul.u32 @!p0 $0xF7A, s2;
	p2 =	seq.s32 @!p0 s5, $0x0  }
0x1f: {  	s9 =	smul.u32 $0xF7A, s1;
	s8 =	simm.s32 @!p0 $0x1BF5;
	p2 =	por !p2, p0  }
0x20: {  	[sflag:s8] =	ssyncset.s32 @!p0 $0xFFFFF086;
	s6 =	sadd.s32 @!p0 s3, s7;
	s7 =	simm.s32 @!p0 $0x108  }
0x21: {  	s3 =	sadd.s32 s3, s9;
	s6 =	sadd.s32 @!p0 $0x88, s6;
	s7 =	simm.s32 @p2 $0x1082  }
0x22: {  	[simem:s7], [sflag:s8] =	dma.local @!p0 [hbm:s6], $0xF7A  }
0x23: {  	s9 =	sor.u32 $0xD0000000, s2;
	s6 =	simm.s32 $0x108;
	_ =	swait.ge @!p0 [sflag:s8], $0x0  }
0x24: {  	s3 =	sadd.s32 $0x88, s3;
	s6 =	simm.s32 @!p1 $0x1082;
	[sflag:s4] =	ssyncset.s32 $0xFFFFF086  }
0x25: {  	[simem:s6], [sflag:s4] =	dma.local [hbm:s3], $0xF7A  }
0x26: {  	[smem:$0x3F9B] =	sst s1;
	(tag) =	ssettag s2;
	_ =	strace s9  }
0x27: {  	s1 =	sld [smem:$0x3FAB]  }
0x28: {  	s2 =	sld [smem:$0x3FAC]  }
0x29: {  	s4 =	sld [smem:$0x3FAE]  }
0x2a: {  	p0 =	seq.s32 s5, $0x0;
	s5 =	sld [smem:$0x3FAF]  }
0x2b: {  	s6 =	sld [smem:$0x3FB0]  }
0x2c: {  	s7 =	sld [smem:$0x3FB1]  }
0x2d: {  	s3 =	simm.s32 $0x108;
	s8 =	sld [smem:$0x3FB2]  }
0x2e: {  	s3 =	simm.s32 @!p0 $0x1082;
	s9 =	sld [smem:$0x3FB3]  }
0x2f: {  	lr =	sadd.s32 s0, s3;
	s0 =	sld [smem:$0x3FAA]  }
0x30: {  	s3 =	sld [smem:$0x3FAD]  }
0x31: {  	[smem:$0x3FB6] =	sst s10  }
0x32: {  	s10 =	sld [smem:$0x3FB4];
	_ =	sdelay $0x3  }
0x33: {  	p0 =	seq.s32 s10, $0x1;
	s10 =	sld [smem:$0x3FB6];
	_ =	sdelay $0x3  }
0x34: {  	[smem:$0x3FB6] =	sst s10  }
0x35: {  	s10 =	sld [smem:$0x3FB5];
	_ =	sdelay $0x3  }
0x36: {  	p1 =	seq.s32 s10, $0x1;
	s10 =	sld [smem:$0x3FB6];
	_ =	sdelay $0x3  }
0x37: {  	[smem:$0x3FB6] =	sst s10  }
0x38: {  	s10 =	sld [smem:$0x3FB7]  }
0x39: {  	_ = 	snop;
	(pc) =	sbr.ind lr, $3  }
0x3a: {  	_ = 	snop  }
0x3b: {  	_ = 	snop  }
0x3c: {  	p2 =	seq.s32 s10, $0x1;
	s10 =	sld [smem:$0x3FB6]  }
0x3d: {  	_ =	shalt  }
0x3e: {  	_ =	shalt  }
0x3f: {  	_ =	shalt  }
0x40: {  	_ =	shalt  }
0x41: {  	_ =	shalt  }
0x42: {  	_ =	shalt  }
0x43: {  	_ =	shalt  }
0x44: {  	_ =	shalt  }
0x45: {  	_ =	shalt  }
0x46: {  	_ =	shalt  }
0x47: {  	_ =	shalt  }
0x48: {  	_ =	shalt  }
0x49: {  	_ =	shalt  }
0x4a: {  	_ =	shalt  }
0x4b: {  	_ =	shalt  }
0x4c: {  	_ =	shalt  }
0x4d: {  	_ =	shalt  }
0x4e: {  	_ =	shalt  }
0x4f: {  	_ =	shalt  }
0x50: {  	_ =	shalt  }
0x51: {  	_ =	shalt  }
0x52: {  	_ =	shalt  }
0x53: {  	_ =	shalt  }
0x54: {  	_ =	shalt  }
0x55: {  	_ =	shalt  }
0x56: {  	_ =	shalt  }
0x57: {  	_ =	shalt  }
0x58: {  	_ =	shalt  }
0x59: {  	_ =	shalt  }
0x5a: {  	_ =	shalt  }
0x5b: {  	_ =	shalt  }
0x5c: {  	_ =	shalt  }
0x5d: {  	_ =	shalt  }
0x5e: {  	_ =	shalt  }
0x5f: {  	_ =	shalt  }
0x60: {  	_ =	shalt  }
0x61: {  	_ =	shalt  }
0x62: {  	_ =	shalt  }
0x63: {  	_ =	shalt  }
0x64: {  	_ =	shalt  }
0x65: {  	_ =	shalt  }
0x66: {  	_ =	shalt  }
0x67: {  	_ =	shalt  }
0x68: {  	_ =	shalt  }
0x69: {  	_ =	shalt  }
0x6a: {  	_ =	shalt  }
0x6b: {  	_ =	shalt  }
0x6c: {  	_ =	shalt  }
0x6d: {  	_ =	shalt  }
0x6e: {  	_ =	shalt  }
0x6f: {  	_ =	shalt  }
0x70: {  	_ =	shalt  }
0x71: {  	_ =	shalt  }
0x72: {  	_ =	shalt  }
0x73: {  	_ =	shalt  }
0x74: {  	_ =	shalt  }
0x75: {  	_ =	shalt  }
0x76: {  	_ =	shalt  }
0x77: {  	_ =	shalt  }
0x78: {  	_ =	shalt  }
0x79: {  	_ =	shalt  }
0x7a: {  	_ =	shalt  }
0x7b: {  	_ =	shalt  }
0x7c: {  	_ =	shalt  }
0x7d: {  	_ =	shalt  }
0x7e: {  	_ =	shalt  }
0x7f: {  	_ =	shalt  }
0x80: {  	_ =	shalt  }
0x81: {  	_ =	shalt  }
0x82: {  	_ =	shalt  }
0x83: {  	_ =	shalt  }
0x84: {  	_ =	shalt  }
0x85: {  	_ =	shalt  }
0x86: {  	_ =	shalt  }
0x87: {  	_ =	shalt  }
.Lfunc_end0:
.L_simem_size_0:
called_computation_lowered:
.L_overlay_start_0:
0x88: {  	s2 =	sld [smem:$0x3FD9]  }
0x89: {  	s3 =	sld [smem:$0x3FFE];
	_ =	sdelay $0x1  }
0x8a: {  	s1 =	srdreg.scid  }
0x8b: {  	s0 =	sand.u32 $0x1, s1  }
0x8c: {  	s17 =	sshll.u32 s0, $0xA;
	s2 =	sadd.s32 s3, s2  }
0x8d: {  	s2 =	sadd.s32 s2, s17  }
0x8e: {  	[smem:$0x3FC2] =	sst s2  }
0x8f: {  	_ = 	snop  }
0x90: {  	s2 =	sld [smem:$0x3FC4];
	(tm) =	ssettm $0x1  }
0x91: {  	s18 =	sld [smem:$0x3FFB];
	_ =	sdelay $0x3  }
0x92: {  	_ =	strace s18  }
0x93: {  	s3 =	sld [smem:$0x3FFC];
	_ =	sdelay $0x3  }
0x94: {  	_ =	strace s3  }
0x95: {  	s3 =	sld [smem:$0x3FFD];
	_ =	sdelay $0x3  }
0x96: {  	_ =	strace s3  }
0x97: {  	_ =	strace $0x8FFFFFFF  }
0x98: {  	s19 =	sld [smem:$0x3FDB];
	_ =	sdelay $0x1  }
0x99: {  	s4 =	simm.s32 $_scs_section_size  }
0x9a: {  	s5 =	simm.s32 $_size__tile_overlayer_lowered;
	s6 =	simm.s32 $_tile_overlayer_lowered  }
0x9b: {  	s22 =	simm.s32 $0x1BFF;
	s21 =	sshll.u32 s6, $0x1;
	s3 =	sadd.s32 s4, s19  }
0x9c: {  	s7 =	simm.s32 $0x0;
	s20 =	sshll.u32 s5, $0x1;
	s5 =	sadd.s32 s21, s3  }
0x9d: {  	[timem:s7], [sflag:s22] =	dma.local [hbm:s5], s20  }
0x9e: {  	_ =	swait.ge [sflag:s22], s20  }
0x9f: {  	s4 =	ssub.s32 $0x0, s20;
	[sflag:s22] =	ssyncset.done $0x0  }
0xa0: {  	[sflag:s22] =	ssyncadd.s32 s4;
	_ =	sdelay $0x1  }
0xa1: {  	s23 =	simm.s32 $0x1B8B  }
0xa2: {  	_ =	swait.ge [sflag:s23], $0x1  }
0xa3: {  	[sflag:s23] =	ssyncset.done $0x0  }
0xa4: {  	s25 =	simm.s32 $0x1B8E;
	s24 =	sld [smem:$0x3FFE];
	[sflag:s23] =	ssyncadd.s32 $0xFFFFFFFF  }
0xa5: {  	s26 =	simm.s32 $execute0_lowered;
	[smem:$0x3FD2] =	sst s25  }
0xa6: {  	s5 =	sshll.u32 s26, $0x1;
	_ =	strace $0x80000046;
	[dreg:$0x1] =	wrdreg $0xFFFFFFFF  }
0xa7: {  	s28 =	simm.s32 $_size_execute0_lowered;
	s3 =	sadd.s32 s3, s5;
	[dreg:$0x0] =	wrdreg $0x0  }
0xa8: {  	s5 =	sshll.u32 s28, $0x1;
	[dreg:$0x2] =	wrdreg s3  }
0xa9: {  	[dreg:$0x3] =	wrdreg s5  }
0xaa: {  	[dreg:$0x4] =	wrdreg $0xC0  }
0xab: {  	_ =	task [dreg:s7], $0x5FFFF  }
0xac: {  	[dreg:$0x1] =	wrdreg $0xFFFFFFFF  }
0xad: {  	[dreg:$0x0] =	wrdreg $0x60  }
0xae: {  	[dreg:$0x2] =	wrdreg s2  }
0xaf: {  	[dreg:$0x3] =	wrdreg s24  }
0xb0: {  	[dreg:$0x4] =	wrdreg $0x9  }
0xb1: {  	_ =	task.clear_ibuf [dreg:s7], $0x5FFFF;
	_ =	strace $0x90000046  }
0xb2: {  	s29 =	simm.s32 $0x9;
	_ =	strace $0x80000048  }
0xb3: {  	_ =	swait.ge [sflag:s29], $0x1  }
0xb4: {  	[sflag:s29] =	ssyncadd.s32 $0xFFFFFFFF  }
0xb5: {  	_ =	strace $0x90000048  }
0xb6: {  	_ =	sfence  }
0xb7: {  	s30 =	sld [smem:$0x0];
	_ =	sdelay $0x2  }
0xb8: {  	s31 =	sshll.u32 s1, $0xD;
	s1 =	sshrl.u32 s1, $0x2  }
0xb9: {  	s3 =	sand.u32 $0x4000, s31;
	s1 =	sadd.s32 s1, s30  }
0xba: {  	s0 =	sor.u32 s3, s0;
	s1 =	sshll.u32 s1, $0x11  }
0xbb: {  	s0 =	sor.u32 s1, s0  }
0xbc: {  	s0 =	sadd.s32 $0x8F2B, s0  }
0xbd: {  	[sflag:s0] =	ssyncadd.remote.s32 $0x1  }
0xbe: {  	_ =	sfence.sel $0xFFFF  }
0xbf: {  	[dreg:$0x0] =	wrdreg $0xFFFFFFFF;
	(pc) =	sbr.abs _section_cstart, $3  }
0xc0: {  	[dreg:$0x1] =	wrdreg $0xFFFFFFFF  }
0xc1: {  	_ =	task.clear_ibuf [dreg:s7], $0x2FFFF;
	_ =	strace $0x9FFFFFFF  }
0xc2: {  	(tm) =	ssettm $0x7FFFFFFF  }
0xc3: {  	_ =	shalt  }
tec
execute0_lowered:
.L_overlay_start_1:
0x0: {  	(tag) =	ssettag $0x1  }
0x1: {  	s1 =	rddreg [dreg:$0x0]  }
0x2: {  	s0 =	rddreg [dreg:$0x1];
	s2 =	simm.s32 $0x0;
	s3 =	srdreg.scid  }
0x3: {  	s8 =	stileid.u32;
	s16 =	simm.s32 $0x1;
	s17 =	simm.s32 $0x1CD90  }
0x4: {  	s18 =	simm.s32 $0x1CE00;
	s19 =	simm.s32 $0xDD00;
	s20 =	simm.s32 $0xA80  }
0x5: {  	s21 =	simm.s32 $0x6480;
	s22 =	simm.s32 $0xBE80;
	s23 =	simm.s32 $0x1A580  }
0x6: {  	s24 =	simm.s32 $0x0;
	[smem:$0x7FF] =	sst s2;
	s4 =	sadd.s32 $0x61A9400, s0  }
0x7: {  	s5 =	sadd.s32 $0x6360C00, s0;
	s6 =	sadd.s32 $0x1400, s0;
	s3 =	sand.u32 $0x1, s3  }
0x8: {  	s7 =	sshll.u32 s8, $0x1;
	s8 =	sshll.u32 s8, $0x3;
	_ =	strace $0x80000047  }
0x9: {  	v0 =	vlaneseq.u32;
	v1 =	vimm.s32 $0x20100;
	s9 =	sshll.u32 s3, $0x2;
	s10 =	ssub.s32 $0x2, s3;
	s3 =	sor.u32 s3, s7  }
0xa: {  	vm0 =	vcmask $0x300;
	vm1 =	vcmask $0x704;
	v2 =	vunpack.c.0.s8.s32 v1;
	s9 =	sor.u32 s9, s8;
	s11 =	sshrl.u32 s10, $0x1;
	s7 =	smul.u32 $0xC800, s3  }
0xb: {  	vm3 =	vcmask $0xB00;
	v6 =	vimm.s32 $0x3020100;
	v1 =	vmul.u32 $0x9, v0;
	s8 =	sadd.s32 $0xAC00, s0;
	s12 =	smin.u32 s9, $0x79;
	s26 =	ssub.s32 s10, s11  }
0xc: {  	vm2 =	vcmask $0xB08;
	v12 =	vunpack.c.0.s8.s32 v6;
	v2 =	vnsel vm3, $0xC800, v2;
	s28 =	ssub.s32 s12, s9;
	s9 =	sshll.u32 s3, $0x2;
	s29 =	sshrl.u32 s7, $0x3  }
0xd: {  	v3 =	vadd.s32 $0x1, v1;
	v4 =	vadd.s32 $0x2, v1;
	v5 =	vadd.s32 $0x3, v1;
	s31 =	sshrl.u32 s7, $0x4;
	s0 =	smax.u32 s26, $0x1;
	s10 =	sadd.s32 $0x4, s28  }
0xe: {  	v6 =	vadd.s32 $0x4, v1;
	v7 =	vadd.s32 $0x5, v1;
	vm3 =	vcmask $0x1300;
	s3 =	sadd.s32 s1, s29;
	s30 =	smax.u32 s9, $0x79;
	[dreg:$0x4] =	wrdreg s31  }
0xf: {  	v8 =	vadd.s32 $0x6, v1;
	v9 =	vnsel vm3, $0x0, v12;
	vm3 =	vcmask $0xF00;
	[dreg:$0x3] =	wrdreg s3;
	p0 =	sgt.s32 s10, $0x1;
	s3 =	sadd.s32 $0xFFFFFF87, s30  }
0x10: {  	v10 =	vadd.s32 $0x7, v1;
	v11 =	vadd.s32 $0x8, v1;
	v12 =	vnsel vm3, $0xC800, v12;
	[dreg:$0x5] =	wrdreg s0;
	s10 =	simm.s32 @!p0 $0x1;
	s14 =	sxor.u32 $0x3, s3  }
.LBB2_1:
0x11: {  	s0 =	rddreg [dreg:$0x3];
	s3 =	simm.s32 $0x1CD80  }
0x12: {  	[tilespmem:s3], [sflag:$0x1] =	stream.linear.gather [hbm4b:s0+s2], $0x10, $0x38;
	[tilespmem:$0x1CE80] =	vst v63  }
0x13: {  	_ =	swait.ge [sflag:s16], $0x10  }
0x14: {  	[sflag:s16] =	ssyncset.done $0x0  }
0x15: {  	[sflag:s16] =	ssyncadd.s32 $0xFFFFFFF0  }
0x16: {  	v13 =	vld [tilespmem:$0x1CD80];
	_ =	sdelay $0x4  }
0x17: {  	(v2sf) =	vpush v13, $0x0;
	_ =	sdelay $0x2  }
0x18: {  	s15 =	rddreg [dreg:$0x4]  }
0x19: {  	s29 =	sadd.s32 $0x0, s15  }
0x1a: {  	s30 =	sand.u32 $0x1, s29  }
0x1b: {  	p0 =	slt.s32 s29, $0x1;
	p1 =	seq.s32 s30, $0x1  }
0x1c: {  	s31 =	sshrl.u32 s29, $0x1F;
	p0 =	por !p0, !p1  }
0x1d: {  	s3 =	simm.s32 $0x1;
	s0 =	sadd.s32 s31, s29;
	p0 =	por !p0, !p0  }
0x1e: {  	s0 =	sshra.s32 s0, $0x1;
	s3 =	simm.s32 @!p0 $0x0  }
0x1f: {  	s0 =	ssub.s32 s0, s3  }
0x20: {  	s3 =	sshll.u32 s0, $0x1  }
0x21: {  	s3 =	sand.u32 $0x1FFFFFFE, s3  }
0x22: {  	s3 =	sadd.s32 s1, s3  }
0x23: {  	[tilespmem:s17], [sflag:$0x1] =	stream.linear.gather [hbm4b:s3+s2], $0x10, $0x38;
	[tilespmem:$0x1CE80] =	vst v63  }
0x24: {  	s25 =	spop (v2sf)  }
0x25: {  	_ =	swait.ge [sflag:s16], $0x10  }
0x26: {  	[sflag:s16] =	ssyncset.done $0x0  }
0x27: {  	[sflag:s16] =	ssyncadd.s32 $0xFFFFFFF0  }
0x28: {  	v14 =	vld [tilespmem:$0x1CD90];
	_ =	sdelay $0x4  }
0x29: {  	(v2sf) =	vpush v14, $0xF;
	_ =	sdelay $0xe  }
0x2a: {  	s13 =	sadd.s32 $0x1, s0;
	s11 =	spop (v2sf)  }
0x2b: {  	s3 =	simm.s32 $0x10;
	p1 =	slt.s32 s11, s25;
	s11 =	simm.s32 $0x0  }
.LBB2_2:
0x2c: {  	p0 =	sne.s32 s3, $0x1;
	s11 =	smov.u32 @p1 s13;
	s0 =	smov.u32 @p1 s15  }
0x2d: {  	s3 =	sadd.s32 $0xFFFFFFFF, s3;
	s13 =	sadd.s32 s11, s0  }
0x2e: {  	s15 =	sshrl.u32 s13, $0x1F;
	s26 =	sand.u32 $0x1, s13  }
0x2f: {  	p1 =	slt.s32 s13, $0x1;
	s15 =	sadd.s32 s15, s13;
	p2 =	seq.s32 s26, $0x1  }
0x30: {  	p1 =	por !p1, !p2  }
0x31: {  	s13 =	sshra.s32 s15, $0x1;
	s15 =	simm.s32 $0x1;
	p1 =	por !p1, !p1  }
0x32: {  	s15 =	simm.s32 @!p1 $0x0  }
0x33: {  	s26 =	ssub.s32 s13, s15  }
0x34: {  	s13 =	sshll.u32 s26, $0x1  }
0x35: {  	s13 =	sand.u32 $0x1FFFFFFE, s13  }
0x36: {  	s13 =	sadd.s32 s1, s13  }
0x37: {  	[tilespmem:s17], [sflag:$0x1] =	stream.linear.gather [hbm4b:s13+s2], $0x10, $0x38;
	[tilespmem:$0x1CE80] =	vst v63  }
0x38: {  	_ =	swait.ge [sflag:s16], $0x10  }
0x39: {  	[sflag:s16] =	ssyncset.done $0x0  }
0x3a: {  	[sflag:s16] =	ssyncadd.s32 $0xFFFFFFF0  }
0x3b: {  	v14 =	vld [tilespmem:$0x1CD90];
	_ =	sdelay $0x4  }
0x3c: {  	(v2sf) =	vpush v14, $0xF;
	_ =	sdelay $0xb  }
.Ltmp0:
0x3d: {  	(pc) =	sbr.rel @p0 .LBB2_2-.Ltmp0, $3  }
0x3e: {  	_ =	sdelay $0x1  }
0x3f: {  	s15 =	smov.u32 s0;
	s13 =	spop (v2sf)  }
0x40: {  	s0 =	smov.u32 s26;
	p1 =	slt.s32 s13, s25;
	s13 =	sadd.s32 $0x1, s26  }
0x41: {  	s11 =	smov.u32 @p1 s13  }
0x42: {  	s0 =	sshll.u32 s11, $0x4  }
0x43: {  	s3 =	sshrl.u32 s0, $0x3  }
0x44: {  	s26 =	simm.s32 $0x0;
	s3 =	sadd.s32 s1, s3  }
0x45: {  	[tilespmem:s17], [sflag:$0x1] =	stream.linear.gather [hbm4b:s3+s26], $0x10, $0x38;
	[tilespmem:$0x1CE80] =	vst v63  }
0x46: {  	_ =	swait.ge [sflag:s16], $0x10  }
0x47: {  	[sflag:s16] =	ssyncset.done $0x0  }
0x48: {  	[sflag:s16] =	ssyncadd.s32 $0xFFFFFFF0  }
0x49: {  	v14 =	vld [tilespmem:$0x1CD90];
	_ =	sdelay $0x2  }
0x4a: {  	v13 =	vbroadcast v13, $0x0;
	_ =	sdelay $0x1  }
0x4b: {  	vm3 =	vge.s32 v14, v13  }
0x4c: {  	v13 =	vmctz.xlane vm3;
	_ =	sdelay $0x1  }
0x4d: {  	(v2sf) =	vpush v13, $0x0;
	_ =	sdelay $0xe  }
0x4e: {  	s29 =	spop (v2sf)  }
0x4f: {  	s0 =	sadd.s32 s0, s29  }
0x50: {  	s3 =	smul.u32 $0x9, s0  }
0x51: {  	p0 =	sne.s32 s0, $0x0;
	s0 =	simm.s32 $0x1  }
0x52: {  	s0 =	simm.s32 @!p0 $0x0;
	s30 =	sshra.s32 s3, $0x1F  }
0x53: {  	s12 =	smul.u32 $0x3, s25;
	s31 =	sand.u32 $0x7, s3;
	s0 =	sor.u32 s0, s30  }
0x54: {  	s13 =	simm.s32 $0x1;
	p4 =	sne.s32 s31, $0x0;
	p3 =	sne.s32 s0, $0x1  }
0x55: {  	s15 =	sshra.s32 s12, $0x1F;
	s11 =	sshrl.u32 s30, $0x1D;
	p0 =	por !p4, !p3  }
0x56: {  	s0 =	sadd.s32 s11, s3;
	s11 =	simm.s32 $0x1;
	p0 =	por !p0, !p0  }
0x57: {  	s0 =	sshra.s32 s0, $0x3;
	s11 =	simm.s32 @!p0 $0x0;
	p0 =	sne.s32 s25, $0x0  }
0x58: {  	s28 =	sand.u32 $0x7, s12;
	s0 =	ssub.s32 s0, s11;
	s13 =	simm.s32 @!p0 $0x0  }
0x59: {  	p6 =	sne.s32 s28, $0x0;
	s11 =	sand.u32 $0x1FFFFFFF, s0;
	s13 =	sor.u32 s13, s15  }
0x5a: {  	s28 =	sshrl.u32 s15, $0x1D;
	s11 =	sadd.s32 s5, s11;
	p5 =	sne.s32 s13, $0x1  }
0x5b: {  	[tilespmem:s18], [sflag:$0x1] =	stream.linear.gather [hbm4b:s11+s26], $0x18, $0x38;
	[tilespmem:$0x1CE80] =	vst v63  }
0x5c: {  	s29 =	sadd.s32 s28, s12;
	s0 =	sshll.u32 s0, $0x3;
	p0 =	por !p6, !p5  }
0x5d: {  	s0 =	ssub.s32 s3, s0;
	s3 =	simm.s32 $0x1;
	p0 =	por !p0, !p0  }
0x5e: {  	v13 =	vadd.s32 s0, v0;
	s0 =	sshra.s32 s29, $0x3;
	s3 =	simm.s32 @!p0 $0x0  }
0x5f: {  	vm3 =	vlt.s32 v13, $0x17;
	s0 =	ssub.s32 s0, s3  }
0x60: {  	v13 =	vnsel vm3, $0x17, v13;
	s3 =	sshll.u32 s0, $0x3  }
0x61: {  	s3 =	ssub.s32 s12, s3  }
0x62: {  	_ =	swait.ge [sflag:s16], $0x18;
	v14 =	vadd.s32 s3, v0  }
0x63: {  	[sflag:s16] =	ssyncset.done $0x0;
	s0 =	sand.u32 $0x1FFFFFFF, s0;
	vm3 =	vlt.s32 v14, $0xF  }
0x64: {  	[sflag:s16] =	ssyncadd.s32 $0xFFFFFFE8;
	s0 =	sadd.s32 s6, s0;
	v14 =	vnsel vm3, $0xF, v14  }
0x65: {  	v13 =	vld.idx.msk [tilespmem:v13+s18+$0x0], $0xffff;
	[tilespmem:s18], [sflag:$0x1] =	stream.linear.gather [hbm4b:s0+s26], $0x10, $0x38  }
0x66: {  	_ =	swait.ge [sflag:s16], $0x10  }
0x67: {  	[sflag:s16] =	ssyncset.done $0x0  }
0x68: {  	[sflag:s16] =	ssyncadd.s32 $0xFFFFFFF0  }
0x69: {  	v14 =	vld.idx.msk [tilespmem:v14+s18+$0x0], $0xffff;
	_ =	sdelay $0x2  }
0x6a: {  	(v2sf) =	vpush v13, $0x0;
	_ =	sdelay $0x1  }
0x6b: {  	(v2sf) =	vpush v14, $0x0  }
0x6c: {  	(v2sf) =	vpush v13, $0x1  }
0x6d: {  	(v2sf) =	vpush v14, $0x1  }
0x6e: {  	(v2sf) =	vpush v13, $0x2  }
0x6f: {  	(v2sf) =	vpush v14, $0x2  }
0x70: {  	(v2sf) =	vpush v13, $0x3;
	_ =	sdelay $0x1  }
0x71: {  	(v2sf) =	vpush v13, $0x4  }
0x72: {  	(v2sf) =	vpush v13, $0x5  }
0x73: {  	(v2sf) =	vpush v13, $0x6;
	_ =	sdelay $0x1  }
0x74: {  	(v2sf) =	vpush v13, $0x7;
	_ =	sdelay $0x1  }
0x75: {  	s30 =	spop (v2sf);
	(v2sf) =	vpush v13, $0x8;
	_ =	sdelay $0x1  }
0x76: {  	s3 =	spop (v2sf)  }
0x77: {  	s31 =	spop (v2sf);
	s0 =	smul.f32 s3, s30  }
0x78: {  	s13 =	spop (v2sf)  }
0x79: {  	s15 =	spop (v2sf);
	s0 =	sadd.f32 $0.0e+00, s0  }
0x7a: {  	s11 =	smul.f32 s13, s31;
	s28 =	spop (v2sf)  }
0x7b: {  	s29 =	spop (v2sf)  }
0x7c: {  	s0 =	sadd.f32 s0, s11;
	s15 =	smul.f32 s28, s15  }
0x7d: {  	s30 =	spop (v2sf);
	s11 =	smul.f32 s3, s29  }
0x7e: {  	s31 =	spop (v2sf);
	s30 =	smul.f32 s13, s30  }
0x7f: {  	s12 =	spop (v2sf);
	s11 =	sadd.f32 $0.0e+00, s11  }
0x80: {  	s0 =	sadd.f32 s0, s15;
	s3 =	smul.f32 s3, s12  }
0x81: {  	s11 =	sadd.f32 s11, s30;
	s30 =	spop (v2sf)  }
0x82: {  	s3 =	sadd.f32 $0.0e+00, s3;
	s13 =	smul.f32 s13, s30  }
0x83: {  	s31 =	smul.f32 s28, s31;
	s12 =	spop (v2sf)  }
0x84: {  	s30 =	smul.f32 s28, s12;
	s3 =	sadd.f32 s3, s13  }
0x85: {  	v13 =	vmov s0;
	s11 =	sadd.f32 s11, s31  }
0x86: {  	v13 =	vnsel vm0, $0x0, v13;
	s31 =	sadd.f32 s3, s30  }
0x87: {  	v13 =	vsel vm1, s11, v13  }
0x88: {  	v13 =	vsel vm2, s31, v13  }
0x89: {  	[tilespmem:v2+s19+$0x0] =	vst.idx.msk $0xffff, v13  }
.LBB2_4:
0x8a: {  	s0 =	sadd.s32 s9, s26  }
0x8b: {  	s28 =	smul.u32 $0x3200, s0;
	_ =	sdelay $0x1  }
0x8c: {  	s29 =	sor.u32 s7, s26;
	s3 =	sshrl.u32 s28, $0x3  }
0x8d: {  	v13 =	vmov s25;
	s30 =	smul.u32 $0xC800, s0;
	s0 =	simm.s32 $0x0;
	s31 =	sadd.s32 s1, s3  }
.LBB2_5:
0x8e: {  	s3 =	smul.u32 $0xA00, s0  }
0x8f: {  	s11 =	sor.u32 s0, s29  }
0x90: {  	p0 =	sne.s32 s11, $0x0;
	s3 =	sadd.s32 s28, s3  }
0x91: {  	s11 =	sadd.s32 @p0 $0xFFFFFFF0, s3  }
0x92: {  	s11 =	sshrl.u32 @p0 s11, $0x3  }
0x93: {  	s13 =	simm.s32 @p0 $0x0;
	s11 =	sadd.s32 @p0 s1, s11  }
0x94: {  	[tilespmem:s13], [sflag:$0x1] =	stream.linear.gather @p0 [hbm4b:s11+s13], $0xA10, $0x38;
	[tilespmem:$0x1CE80] =	vst v63  }
0x95: {  	s11 =	simm.s32 @p0 $0x1  }
0x96: {  	_ =	swait.ge @p0 [sflag:s11], $0xA10  }
0x97: {  	[sflag:s11] =	ssyncset.done @p0 $0x0  }
0x98: {  	s13 =	simm.s32 @!p0 $0x10;
	[sflag:s11] =	ssyncadd.s32 @p0 $0xFFFFF5F0;
	s11 =	simm.s32 @!p0 $0x0  }
0x99: {  	[tilespmem:s13], [sflag:$0x1] =	stream.linear.gather @!p0 [hbm4b:s31+s11], $0xA00, $0x38;
	[tilespmem:$0x1CE80] =	vst v63  }
0x9a: {  	s11 =	simm.s32 @!p0 $0x1  }
0x9b: {  	_ =	swait.ge @!p0 [sflag:s11], $0xA00  }
0x9c: {  	[sflag:s11] =	ssyncset.done @!p0 $0x0  }
0x9d: {  	[sflag:s11] =	ssyncadd.s32 @!p0 $0xFFFFF600  }
0x9e: {  	v14 =	vld [tilespmem:$0x10];
	_ =	sdelay $0x4  }
0x9f: {  	(v2sf) =	vpush v14, $0x0;
	_ =	sdelay $0xe  }
0xa0: {  	s12 =	spop (v2sf)  }
0xa1: {  	s13 =	smul.u32 $0x3, s12  }
0xa2: {  	s11 =	simm.s32 $0x1;
	p1 =	sne.s32 s12, $0x0  }
0xa3: {  	s3 =	smul.u32 $0x9, s3;
	s11 =	simm.s32 @!p1 $0x0;
	s15 =	sshra.s32 s13, $0x1F  }
0xa4: {  	s12 =	sshrl.u32 s15, $0x1D;
	s11 =	sor.u32 s11, s15;
	s15 =	sand.u32 $0x7, s13  }
0xa5: {  	v14 =	vimm.s32 @!p0 $0xFFFFFFFF;
	s12 =	sadd.s32 s12, s13;
	p5 =	sne.s32 s11, $0x1;
	s13 =	sshrl.u32 s3, $0x3  }
0xa6: {  	[tilespmem:$0x0] =	vst @!p0 v14;
	p6 =	sne.s32 s15, $0x0;
	s3 =	simm.s32 $0x0;
	s15 =	sadd.s32 s4, s13  }
0xa7: {  	[tilespmem:s20], [sflag:$0x1] =	stream.linear.gather [hbm4b:s15+s3], $0x5A00, $0x38;
	[tilespmem:$0x1CE80] =	vst v63  }
0xa8: {  	p0 =	por !p6, !p5;
	s15 =	sshra.s32 s12, $0x3;
	_ =	swait.ge [sflag:s16], $0x5A00  }
0xa9: {  	p0 =	por !p0, !p0;
	s12 =	simm.s32 $0x1;
	[sflag:s16] =	ssyncset.done $0x0  }
0xaa: {  	s13 =	sadd.s32 s5, s13;
	s12 =	simm.s32 @!p0 $0x0;
	[sflag:s16] =	ssyncadd.s32 $0xFFFFA600  }
0xab: {  	[tilespmem:s21], [sflag:$0x1] =	stream.linear.gather [hbm4b:s13+s3], $0x5A00, $0x38;
	[tilespmem:$0x1CE80] =	vst v63  }
0xac: {  	s11 =	ssub.s32 s15, s12;
	_ =	swait.ge [sflag:s16], $0x5A00  }
0xad: {  	s12 =	sand.u32 $0x1FFFFFFF, s11;
	[sflag:s16] =	ssyncset.done $0x0  }
0xae: {  	s12 =	sadd.s32 s6, s12;
	[sflag:s16] =	ssyncadd.s32 $0xFFFFA600  }
0xaf: {  	[tilespmem:s22], [sflag:$0x1] =	stream.linear.gather [hbm4b:s12+s3], $0x1E78, $0x38;
	[tilespmem:$0x1CE80] =	vst v63  }
0xb0: {  	_ =	swait.ge [sflag:s16], $0x1E78  }
0xb1: {  	[sflag:s16] =	ssyncset.done $0x0  }
0xb2: {  	s15 =	simm.s32 $0x0;
	[sflag:s16] =	ssyncadd.s32 $0xFFFFE188  }
0xb3: {  	v15 =	vld [tilespmem:s15+$0x10]  }
0xb4: {  	v14 =	vmov s3  }
0xb5: {  	v16 =	vmul.u32 $0x9, v14;
	_ =	sdelay $0x1  }
0xb6: {  	v16 =	vbroadcast v16, $0x0  }
0xb7: {  	s11 =	sshll.u32 s11, $0x3;
	v17 =	vmul.u32 $0x3, v15  }
0xb8: {  	v14 =	vmov s11;
	v18 =	vadd.s32 v1, v16  }
0xb9: {  	v17 =	vsub.s32 v17, v14  }
0xba: {  	v20 =	vadd.s32 v3, v16  }
0xbb: {  	v19 =	vadd.s32 $0x1, v17  }
0xbc: {  	v23 =	vadd.s32 v4, v16;
	v22 =	vld [tilespmem:s15+$0xF]  }
0xbd: {  	v24 =	vld.idx.msk [tilespmem:v18+s21+$0x0], $0xffff;
	v21 =	vadd.s32 $0x2, v17  }
0xbe: {  	v17 =	vld.idx.msk [tilespmem:v17+s22+$0x0], $0xffff  }
0xbf: {  	v25 =	vld.idx.msk [tilespmem:v20+s21+$0x0], $0xffff  }
0xc0: {  	v19 =	vld.idx.msk [tilespmem:v19+s22+$0x0], $0xffff  }
0xc1: {  	v26 =	vld.idx.msk [tilespmem:v23+s21+$0x0], $0xffff  }
0xc2: {  	v21 =	vld.idx.msk [tilespmem:v21+s22+$0x0], $0xffff  }
0xc3: {  	v24 =	vmul.f32 v24, v17  }
0xc4: {  	v27 =	vsub.s32 v15, v13;
	vm3 =	veq.s32 v15, v22  }
0xc5: {  	v15 =	vshll.u32 v27, $0x2;
	v49 =	vmul.f32 v25, v19;
	v48 =	vadd.f32 $0.0e+00, v24  }
0xc6: {  	v50 =	vsel vm3, $0xC800, v15  }
0xc7: {  	v52 =	vadd.s32 v5, v16;
	v51 =	vmul.f32 v26, v21;
	v22 =	vadd.f32 v49, v48;
	_ =	sdelay $0x1  }
0xc8: {  	v53 =	vadd.s32 v6, v16;
	v22 =	vadd.f32 v51, v22;
	_ =	sdelay $0x1  }
0xc9: {  	v54 =	vadd.s32 v7, v16;
	[tilespmem:v50+s19+$0x0] =	vst.idx.msk $0xffff, v22  }
0xca: {  	v25 =	vld.idx.msk [tilespmem:v52+s21+$0x0], $0xffff;
	_ =	sdelay $0x1  }
0xcb: {  	v55 =	vld.idx.msk [tilespmem:v53+s21+$0x0], $0xffff;
	_ =	sdelay $0x1  }
0xcc: {  	v28 =	vld.idx.msk [tilespmem:v54+s21+$0x0], $0xffff  }
0xcd: {  	v25 =	vmul.f32 v25, v17;
	_ =	sdelay $0x1  }
0xce: {  	v29 =	vor.u32 $0x1, v15;
	v27 =	vmul.f32 v55, v19;
	v25 =	vadd.f32 $0.0e+00, v25  }
0xcf: {  	v30 =	vsel vm3, $0xC800, v29  }
0xd0: {  	v57 =	vadd.s32 v8, v16;
	v56 =	vmul.f32 v28, v21;
	v25 =	vadd.f32 v27, v25;
	_ =	sdelay $0x1  }
0xd1: {  	v58 =	vadd.s32 v10, v16;
	v25 =	vadd.f32 v56, v25;
	_ =	sdelay $0x1  }
0xd2: {  	v16 =	vadd.s32 v11, v16;
	[tilespmem:v30+s19+$0x0] =	vst.idx.msk $0xffff, v25  }
0xd3: {  	v25 =	vld.idx.msk [tilespmem:v57+s21+$0x0], $0xffff;
	_ =	sdelay $0x1  }
0xd4: {  	v30 =	vld.idx.msk [tilespmem:v58+s21+$0x0], $0xffff;
	_ =	sdelay $0x1  }
0xd5: {  	v31 =	vld.idx.msk [tilespmem:v16+s21+$0x0], $0xffff  }
0xd6: {  	v17 =	vmul.f32 v25, v17;
	_ =	sdelay $0x1  }
0xd7: {  	v59 =	vor.u32 $0x2, v15;
	v19 =	vmul.f32 v30, v19;
	v17 =	vadd.f32 $0.0e+00, v17  }
0xd8: {  	v60 =	vsel vm3, $0xC800, v59  }
0xd9: {  	v17 =	vadd.f32 v19, v17;
	v19 =	vmul.f32 v31, v21;
	_ =	sdelay $0x1  }
0xda: {  	v17 =	vadd.f32 v19, v17;
	_ =	sdelay $0x1  }
0xdb: {  	[tilespmem:v60+s19+$0x0] =	vst.idx.msk $0xffff, v17  }
0xdc: {  	v15 =	vld.idx.msk [tilespmem:v15+s19+$0x0], $0xffff  }
0xdd: {  	v17 =	vld.idx.msk [tilespmem:v18+s20+$0x0], $0xffff  }
0xde: {  	v18 =	vld.idx.msk [tilespmem:v20+s20+$0x0], $0xffff  }
0xdf: {  	v19 =	vld.idx.msk [tilespmem:v29+s19+$0x0], $0xffff  }
0xe0: {  	v61 =	vld.idx.msk [tilespmem:v23+s20+$0x0], $0xffff  }
0xe1: {  	v62 =	vld.idx.msk [tilespmem:v59+s19+$0x0], $0xffff  }
0xe2: {  	v17 =	vmul.f32 v17, v15;
	_ =	sdelay $0x1  }
0xe3: {  	v18 =	vmul.f32 v18, v19;
	v17 =	vadd.f32 $0.0e+00, v17;
	_ =	sdelay $0x1  }
0xe4: {  	v17 =	vadd.f32 v18, v17;
	v18 =	vmul.f32 v61, v62;
	_ =	sdelay $0x1  }
0xe5: {  	s13 =	sand.u32 $0x70, s3;
	s15 =	sand.u32 $0x3E00, s3;
	v17 =	vadd.f32 v18, v17  }
0xe6: {  	s11 =	sor.u32 s13, s15  }
0xe7: {  	[tilespmem:s11+$0x1A580] =	vst v17  }
0xe8: {  	v17 =	vld.idx.msk [tilespmem:v52+s20+$0x0], $0xffff;
	_ =	sdelay $0x1  }
0xe9: {  	v18 =	vld.idx.msk [tilespmem:v53+s20+$0x0], $0xffff;
	_ =	sdelay $0x1  }
0xea: {  	v63 =	vld.idx.msk [tilespmem:v54+s20+$0x0], $0xffff  }
0xeb: {  	v17 =	vmul.f32 v17, v15;
	_ =	sdelay $0x1  }
0xec: {  	v18 =	vmul.f32 v18, v19;
	v17 =	vadd.f32 $0.0e+00, v17;
	_ =	sdelay $0x1  }
0xed: {  	v17 =	vadd.f32 v18, v17;
	v18 =	vmul.f32 v63, v62;
	_ =	sdelay $0x1  }
0xee: {  	v17 =	vadd.f32 v18, v17  }
0xef: {  	s13 =	sadd.s32 $0x1A580, s11  }
0xf0: {  	[tilespmem:s13+$0x80] =	vst v17  }
0xf1: {  	v17 =	vld.idx.msk [tilespmem:v57+s20+$0x0], $0xffff;
	_ =	sdelay $0x1  }
0xf2: {  	v18 =	vld.idx.msk [tilespmem:v58+s20+$0x0], $0xffff;
	_ =	sdelay $0x1  }
0xf3: {  	v16 =	vld.idx.msk [tilespmem:v16+s20+$0x0], $0xffff  }
0xf4: {  	v15 =	vmul.f32 v17, v15;
	_ =	sdelay $0x1  }
0xf5: {  	v17 =	vmul.f32 v18, v19;
	v15 =	vadd.f32 $0.0e+00, v15;
	_ =	sdelay $0x1  }
0xf6: {  	s15 =	simm.s32 $0x10;
	v16 =	vmul.f32 v16, v62;
	v15 =	vadd.f32 v17, v15  }
.LBB2_6:
0xf7: {  	p0 =	sne.s32 s15, $0x9F0  }
0xf8: {  	s3 =	sadd.s32 $0x40, s3;
	s11 =	smov.u32 s15;
	s15 =	sadd.s32 $0x10, s15;
	v15 =	vadd.f32 v16, v15  }
0xf9: {  	_ = 	snop  }
0xfa: {  	s12 =	sshra.s32 s3, $0x2;
	[tilespmem:s13+$0x100] =	vst v15  }
0xfb: {  	v15 =	vld [tilespmem:s12+$0x10];
	_ =	sdelay $0x1  }
0xfc: {  	v16 =	vmov s11  }
0xfd: {  	v16 =	vmul.u32 $0x9, v16;
	_ =	sdelay $0x1  }
0xfe: {  	v16 =	vbroadcast v16, $0x0;
	v17 =	vsub.s32 v15, v13;
	v18 =	vmul.u32 $0x3, v15;
	_ =	sdelay $0x1  }
0xff: {  	v19 =	vadd.s32 v1, v16;
	v20 =	vadd.s32 v3, v16;
	v18 =	vsub.s32 v18, v14  }
0x100: {  	v23 =	vadd.s32 v4, v16;
	v21 =	vadd.s32 $0x1, v18;
	v22 =	vadd.s32 $0x2, v18;
	_ =	sdelay $0x2  }
0x101: {  	v24 =	vld [tilespmem:s12+$0xF]  }
0x102: {  	v18 =	vld.idx.msk [tilespmem:v18+s22+$0x0], $0xffff  }
0x103: {  	v25 =	vld.idx.msk [tilespmem:v19+s21+$0x0], $0xffff  }
0x104: {  	v21 =	vld.idx.msk [tilespmem:v21+s22+$0x0], $0xffff  }
0x105: {  	v26 =	vld.idx.msk [tilespmem:v20+s21+$0x0], $0xffff  }
0x106: {  	v22 =	vld.idx.msk [tilespmem:v22+s22+$0x0], $0xffff  }
0x107: {  	v27 =	vld.idx.msk [tilespmem:v23+s21+$0x0], $0xffff;
	_ =	sdelay $0x1  }
0x108: {  	v25 =	vmul.f32 v25, v18  }
0x109: {  	vm3 =	veq.s32 v15, v24  }
0x10a: {  	v15 =	vshll.u32 v17, $0x2;
	v17 =	vadd.f32 $0.0e+00, v25;
	v24 =	vmul.f32 v26, v21  }
0x10b: {  	v25 =	vsel vm3, $0xC800, v15  }
0x10c: {  	v26 =	vadd.s32 v5, v16;
	v17 =	vadd.f32 v24, v17;
	v24 =	vmul.f32 v27, v22;
	_ =	sdelay $0x1  }
0x10d: {  	v17 =	vadd.f32 v24, v17;
	v24 =	vadd.s32 v6, v16;
	_ =	sdelay $0x1  }
0x10e: {  	[tilespmem:v25+s19+$0x0] =	vst.idx.msk $0xffff, v17;
	v17 =	vadd.s32 v7, v16  }
0x10f: {  	v25 =	vld.idx.msk [tilespmem:v26+s21+$0x0], $0xffff;
	_ =	sdelay $0x1  }
0x110: {  	v27 =	vld.idx.msk [tilespmem:v24+s21+$0x0], $0xffff;
	_ =	sdelay $0x1  }
0x111: {  	v28 =	vld.idx.msk [tilespmem:v17+s21+$0x0], $0xffff;
	_ =	sdelay $0x1  }
0x112: {  	v25 =	vmul.f32 v25, v18;
	_ =	sdelay $0x1  }
0x113: {  	v29 =	vor.u32 $0x1, v15;
	v25 =	vadd.f32 $0.0e+00, v25;
	v27 =	vmul.f32 v27, v21  }
0x114: {  	v30 =	vsel vm3, $0xC800, v29  }
0x115: {  	v25 =	vadd.f32 v27, v25;
	v27 =	vmul.f32 v28, v22;
	v28 =	vadd.s32 v8, v16;
	_ =	sdelay $0x1  }
0x116: {  	v25 =	vadd.f32 v27, v25;
	v27 =	vadd.s32 v10, v16;
	_ =	sdelay $0x1  }
0x117: {  	v16 =	vadd.s32 v11, v16;
	[tilespmem:v30+s19+$0x0] =	vst.idx.msk $0xffff, v25  }
0x118: {  	v25 =	vld.idx.msk [tilespmem:v28+s21+$0x0], $0xffff;
	_ =	sdelay $0x1  }
0x119: {  	v30 =	vld.idx.msk [tilespmem:v27+s21+$0x0], $0xffff;
	_ =	sdelay $0x1  }
0x11a: {  	v31 =	vld.idx.msk [tilespmem:v16+s21+$0x0], $0xffff;
	_ =	sdelay $0x1  }
0x11b: {  	v18 =	vmul.f32 v25, v18;
	_ =	sdelay $0x1  }
0x11c: {  	v25 =	vor.u32 $0x2, v15;
	v18 =	vadd.f32 $0.0e+00, v18;
	v21 =	vmul.f32 v30, v21  }
0x11d: {  	v30 =	vsel vm3, $0xC800, v25  }
0x11e: {  	v18 =	vadd.f32 v21, v18;
	v21 =	vmul.f32 v31, v22;
	_ =	sdelay $0x1  }
0x11f: {  	v18 =	vadd.f32 v21, v18;
	_ =	sdelay $0x1  }
0x120: {  	[tilespmem:v30+s19+$0x0] =	vst.idx.msk $0xffff, v18  }
0x121: {  	v15 =	vld.idx.msk [tilespmem:v15+s19+$0x0], $0xffff  }
0x122: {  	v18 =	vld.idx.msk [tilespmem:v19+s20+$0x0], $0xffff  }
0x123: {  	v19 =	vld.idx.msk [tilespmem:v20+s20+$0x0], $0xffff  }
0x124: {  	v20 =	vld.idx.msk [tilespmem:v29+s19+$0x0], $0xffff  }
0x125: {  	v21 =	vld.idx.msk [tilespmem:v23+s20+$0x0], $0xffff  }
0x126: {  	v22 =	vld.idx.msk [tilespmem:v25+s19+$0x0], $0xffff;
	_ =	sdelay $0x1  }
0x127: {  	v18 =	vmul.f32 v18, v15;
	_ =	sdelay $0x1  }
0x128: {  	v18 =	vadd.f32 $0.0e+00, v18;
	v19 =	vmul.f32 v19, v20;
	_ =	sdelay $0x1  }
0x129: {  	v18 =	vadd.f32 v19, v18;
	v19 =	vmul.f32 v21, v22;
	_ =	sdelay $0x1  }
0x12a: {  	s11 =	sand.u32 $0x70, s11;
	s12 =	sand.u32 $0x3E00, s3;
	v18 =	vadd.f32 v19, v18  }
0x12b: {  	s11 =	sor.u32 s11, s12  }
0x12c: {  	[tilespmem:s11+$0x1A580] =	vst v18  }
0x12d: {  	v18 =	vld.idx.msk [tilespmem:v26+s20+$0x0], $0xffff  }
0x12e: {  	v19 =	vld.idx.msk [tilespmem:v24+s20+$0x0], $0xffff  }
0x12f: {  	v17 =	vld.idx.msk [tilespmem:v17+s20+$0x0], $0xffff;
	_ =	sdelay $0x3  }
0x130: {  	v18 =	vmul.f32 v18, v15;
	_ =	sdelay $0x1  }
0x131: {  	v19 =	vmul.f32 v19, v20;
	v18 =	vadd.f32 $0.0e+00, v18;
	_ =	sdelay $0x1  }
0x132: {  	v17 =	vmul.f32 v17, v22;
	v18 =	vadd.f32 v19, v18;
	_ =	sdelay $0x1  }
0x133: {  	v17 =	vadd.f32 v17, v18  }
0x134: {  	s13 =	sadd.s32 $0x1A580, s11  }
0x135: {  	[tilespmem:s13+$0x80] =	vst v17  }
0x136: {  	v17 =	vld.idx.msk [tilespmem:v28+s20+$0x0], $0xffff  }
0x137: {  	v18 =	vld.idx.msk [tilespmem:v27+s20+$0x0], $0xffff  }
0x138: {  	v16 =	vld.idx.msk [tilespmem:v16+s20+$0x0], $0xffff;
	_ =	sdelay $0x3  }
.Ltmp1:
0x139: {  	v15 =	vmul.f32 v17, v15;
	(pc) =	sbr.rel @p0 .LBB2_6-.Ltmp1, $3  }
0x13a: {  	_ = 	snop  }
0x13b: {  	v17 =	vmul.f32 v18, v20;
	v15 =	vadd.f32 $0.0e+00, v15;
	_ =	sdelay $0x1  }
0x13c: {  	v16 =	vmul.f32 v16, v22;
	v15 =	vadd.f32 v17, v15  }
0x13d: {  	s3 =	smul.u32 $0x2800, s0;
	_ =	sdelay $0x1  }
0x13e: {  	s0 =	sadd.s32 $0x1, s0;
	v14 =	vadd.f32 v16, v15;
	s3 =	sadd.s32 s30, s3  }
0x13f: {  	p0 =	sne.s32 s0, $0x5;
	s3 =	sshrl.u32 s3, $0x3  }
.Ltmp2:
0x140: {  	[tilespmem:s13+$0x100] =	vst v14;
	s3 =	sadd.s32 s8, s3;
	(pc) =	sbr.rel @p0 .LBB2_5-.Ltmp2, $4  }
0x141: {  	[hbm4b:s3+s2] =	stream.linear.scatter [tilespmem:s23], [sflag:$0x1], $0x2800, $0x38;
	[tilespmem:$0x1CE80] =	vst v63  }
0x142: {  	_ =	swait.ge [sflag:s16], $0x2800  }
0x143: {  	[sflag:s16] =	ssyncset.done $0x0  }
0x144: {  	[sflag:s16] =	ssyncadd.s32 $0xFFFFD800  }
0x145: {  	p0 =	sge.u32 s26, s14  }
0x146: {  	s0 =	sshrl.u32 @!p0 s28, $0x3  }
0x147: {  	s0 =	sadd.s32 @!p0 s1, s0  }
0x148: {  	s3 =	simm.s32 @!p0 $0x0;
	s11 =	simm.s32 @!p0 $0x1CD80;
	s0 =	sadd.s32 @!p0 $0x640, s0  }
0x149: {  	[tilespmem:s11], [sflag:$0x1] =	stream.linear.gather @!p0 [hbm4b:s0+s3], $0x10, $0x38;
	[tilespmem:$0x1CE80] =	vst v63  }
0x14a: {  	s0 =	simm.s32 @!p0 $0x1  }
0x14b: {  	_ =	swait.ge @!p0 [sflag:s0], $0x10  }
0x14c: {  	[sflag:s0] =	ssyncset.done @!p0 $0x0  }
0x14d: {  	[sflag:s0] =	ssyncadd.s32 @!p0 $0xFFFFFFF0  }
0x14e: {  	v13 =	vld [tilespmem:$0x1CD80];
	_ =	sdelay $0x4  }
0x14f: {  	(v2sf) =	vpush v13, $0x0;
	_ =	sdelay $0xe  }
0x150: {  	s3 =	smov.u32 s25;
	p0 =	slt.u32 s26, s14;
	s0 =	spop (v2sf)  }
0x151: {  	s3 =	smov.u32 @p0 s0  }
0x152: {  	s0 =	ssub.s32 s3, s25  }
0x153: {  	s0 =	sshll.u32 s0, $0x2  }
0x154: {  	p0 =	slt.s32 s0, $0xC800  }
0x155: {  	s0 =	simm.s32 @!p0 $0xC800  }
0x156: {  	v13 =	vor.u32 s0, v9;
	_ =	sdelay $0x3  }
0x157: {  	s26 =	sadd.s32 $0x1, s26  }
0x158: {  	p0 =	sne.s32 s26, s10;
	v13 =	vld.idx.msk [tilespmem:v13+s19+$0x0], $0xffff  }
.Ltmp3:
0x159: {  	_ = 	snop;
	(pc) =	sbr.rel @p0 .LBB2_4-.Ltmp3, $2  }
0x15a: {  	_ =	sdelay $0x2  }
0x15b: {  	s25 =	smov.u32 s3;
	[tilespmem:v12+s19+$0x0] =	vst.idx.msk $0xffff, v13  }
0x15c: {  	s24 =	sadd.s32 $0x1, s24;
	s0 =	rddreg [dreg:$0x5]  }
0x15d: {  	p0 =	sne.s32 s24, s0  }
.Ltmp4:
0x15e: {  	_ = 	snop;
	(pc) =	sbr.rel @p0 .LBB2_1-.Ltmp4, $1  }
0x15f: {  	_ =	sdelay $0x3  }
0x160: {  	_ =	sfence.sel $0x180000  }
0x161: {  	[bflag:$0x0] =	sbarrier.arrive $0xFFFF  }
0x162: {  	_ =	strace $0x90000047  }
0x163: {  	s0 =	stileid.u32;
	[bflag:$0x2] =	sbarrier.arrive $0xFFFF  }
0x164: {  	p0 =	sne.s32 s0, $0x0;
	s0 =	rddreg [dreg:$0x2]  }
0x165: {  	s0 =	sadd.s32 @!p0 $0x100000, s0  }
0x166: {  	[sflag:s0] =	ssyncadd.tile.s32 @!p0 $0x1;
	_ =	shalt  }
.Lfunc_end2:
_tile_overlayer_lowered:
.L_overlay_start_2:
0x167: {  	(tag) =	ssettag $0x2  }
0x168: {  	s0 =	rddreg [dreg:$0x0];
	s2 =	stileid.u32  }
0x169: {  	s1 =	rddreg [dreg:$0x1];
	p0 =	sne.s32 s2, $0x0  }
0x16a: {  	s3 =	rddreg [dreg:$0x2];
	[bflag:$0x3] =	sbarrier.arrive $0xFFFF;
	s2 =	simm.s32 @!p0 $0x1C02  }
0x16b: {  	[timem:s3], [sflag:s2] =	dma.local @!p0 [hbm:s0], s1  }
0x16c: {  	s0 =	simm.s32 @!p0 $0x2  }
0x16d: {  	_ =	swait.ge @!p0 [sflag:s0], s1  }
0x16e: {  	s1 =	ssub.s32 @!p0 $0x0, s1;
	[sflag:s0] =	ssyncset.done @!p0 $0x0  }
0x16f: {  	[sflag:s0] =	ssyncadd.s32 @!p0 s1  }
0x170: {  	[bflag:$0x3] =	sbarrier.arrive $0xFFFF  }
0x171: {  	_ =	shalt  }

// kernel: kernel.9.cloned.1.call-start
scs
__scs_entry_jumppad:
0x0: {  	(pc) =	sbr.rel $0x88, $3  }
0x1: {  	(tag) =	ssettag $0x0;
	lr =	simm.s32 $0x1  }
0x2: {  	[smem:$0x3F9B] =	sst lr;
	_ =	strace $0xD0000000  }
0x3: {  	_ = 	snop  }
0x4: {  	_ = 	snop  }
0x5: {  	_ = 	snop  }
0x6: {  	_ = 	snop  }
0x7: {  	_ = 	snop  }
__scs_overlays_trampoline_lowered:
0x8: {  	[smem:$0x3FAA] =	sst s0  }
0x9: {  	[smem:$0x3FAB] =	sst s1  }
0xa: {  	[smem:$0x3FAC] =	sst s2  }
0xb: {  	[smem:$0x3FAD] =	sst s3  }
0xc: {  	[smem:$0x3FAE] =	sst s4  }
0xd: {  	[smem:$0x3FAF] =	sst s5  }
0xe: {  	[smem:$0x3FB0] =	sst s6  }
0xf: {  	[smem:$0x3FB1] =	sst s7  }
0x10: {  	[smem:$0x3FB2] =	sst s8  }
0x11: {  	[smem:$0x3FB3] =	sst s9;
	s0 =	simm.s32 @!p0 $0x0  }
0x12: {  	s1 =	sld [smem:$0x3F99];
	s0 =	simm.s32 @p0 $0x1  }
0x13: {  	[smem:$0x3FB4] =	sst s0;
	s0 =	simm.s32 @!p1 $0x0  }
0x14: {  	s2 =	sld [smem:$0x3F98];
	s0 =	simm.s32 @p1 $0x1  }
0x15: {  	[smem:$0x3FB5] =	sst s0;
	s0 =	simm.s32 @!p2 $0x0  }
0x16: {  	s3 =	sld [smem:$0x3FDB];
	s0 =	simm.s32 @p2 $0x1  }
0x17: {  	s4 =	simm.s32 $0x1BF5;
	[smem:$0x3FB7] =	sst s0  }
0x18: {  	s0 =	sld [smem:$0x3F9A];
	_ =	swait.ge [sflag:s4], $0x0  }
0x19: {  	s7 =	sld [smem:$0x3F9B]  }
0x1a: {  	s8 =	sadd.s32 $0xFFFFE003, lr  }
0x1b: {  	s9 =	sadd.s32 $0xFFFFFEF7, lr;
	s5 =	simm.s32 $0xFFFFFFFF;
	p2 =	slt.u32 s8, $0xFFFFF086  }
0x1c: {  	p1 =	slt.u32 s9, $0xF7A;
	s5 =	simm.s32 @!p2 $0x0  }
0x1d: {  	s5 =	simm.s32 @p1 $0x1;
	p0 =	seq.s32 s7, s2  }
0x1e: {  	s7 =	smul.u32 @!p0 $0xF7A, s2;
	p2 =	seq.s32 @!p0 s5, $0x0  }
0x1f: {  	s9 =	smul.u32 $0xF7A, s1;
	s8 =	simm.s32 @!p0 $0x1BF5;
	p2 =	por !p2, p0  }
0x20: {  	[sflag:s8] =	ssyncset.s32 @!p0 $0xFFFFF086;
	s6 =	sadd.s32 @!p0 s3, s7;
	s7 =	simm.s32 @!p0 $0x108  }
0x21: {  	s3 =	sadd.s32 s3, s9;
	s6 =	sadd.s32 @!p0 $0x88, s6;
	s7 =	simm.s32 @p2 $0x1082  }
0x22: {  	[simem:s7], [sflag:s8] =	dma.local @!p0 [hbm:s6], $0xF7A  }
0x23: {  	s9 =	sor.u32 $0xD0000000, s2;
	s6 =	simm.s32 $0x108;
	_ =	swait.ge @!p0 [sflag:s8], $0x0  }
0x24: {  	s3 =	sadd.s32 $0x88, s3;
	s6 =	simm.s32 @!p1 $0x1082;
	[sflag:s4] =	ssyncset.s32 $0xFFFFF086  }
0x25: {  	[simem:s6], [sflag:s4] =	dma.local [hbm:s3], $0xF7A  }
0x26: {  	[smem:$0x3F9B] =	sst s1;
	(tag) =	ssettag s2;
	_ =	strace s9  }
0x27: {  	s1 =	sld [smem:$0x3FAB]  }
0x28: {  	s2 =	sld [smem:$0x3FAC]  }
0x29: {  	s4 =	sld [smem:$0x3FAE]  }
0x2a: {  	p0 =	seq.s32 s5, $0x0;
	s5 =	sld [smem:$0x3FAF]  }
0x2b: {  	s6 =	sld [smem:$0x3FB0]  }
0x2c: {  	s7 =	sld [smem:$0x3FB1]  }
0x2d: {  	s3 =	simm.s32 $0x108;
	s8 =	sld [smem:$0x3FB2]  }
0x2e: {  	s3 =	simm.s32 @!p0 $0x1082;
	s9 =	sld [smem:$0x3FB3]  }
0x2f: {  	lr =	sadd.s32 s0, s3;
	s0 =	sld [smem:$0x3FAA]  }
0x30: {  	s3 =	sld [smem:$0x3FAD]  }
0x31: {  	[smem:$0x3FB6] =	sst s10  }
0x32: {  	s10 =	sld [smem:$0x3FB4];
	_ =	sdelay $0x3  }
0x33: {  	p0 =	seq.s32 s10, $0x1;
	s10 =	sld [smem:$0x3FB6];
	_ =	sdelay $0x3  }
0x34: {  	[smem:$0x3FB6] =	sst s10  }
0x35: {  	s10 =	sld [smem:$0x3FB5];
	_ =	sdelay $0x3  }
0x36: {  	p1 =	seq.s32 s10, $0x1;
	s10 =	sld [smem:$0x3FB6];
	_ =	sdelay $0x3  }
0x37: {  	[smem:$0x3FB6] =	sst s10  }
0x38: {  	s10 =	sld [smem:$0x3FB7]  }
0x39: {  	_ = 	snop;
	(pc) =	sbr.ind lr, $3  }
0x3a: {  	_ = 	snop  }
0x3b: {  	_ = 	snop  }
0x3c: {  	p2 =	seq.s32 s10, $0x1;
	s10 =	sld [smem:$0x3FB6]  }
0x3d: {  	_ =	shalt  }
0x3e: {  	_ =	shalt  }
0x3f: {  	_ =	shalt  }
0x40: {  	_ =	shalt  }
0x41: {  	_ =	shalt  }
0x42: {  	_ =	shalt  }
0x43: {  	_ =	shalt  }
0x44: {  	_ =	shalt  }
0x45: {  	_ =	shalt  }
0x46: {  	_ =	shalt  }
0x47: {  	_ =	shalt  }
0x48: {  	_ =	shalt  }
0x49: {  	_ =	shalt  }
0x4a: {  	_ =	shalt  }
0x4b: {  	_ =	shalt  }
0x4c: {  	_ =	shalt  }
0x4d: {  	_ =	shalt  }
0x4e: {  	_ =	shalt  }
0x4f: {  	_ =	shalt  }
0x50: {  	_ =	shalt  }
0x51: {  	_ =	shalt  }
0x52: {  	_ =	shalt  }
0x53: {  	_ =	shalt  }
0x54: {  	_ =	shalt  }
0x55: {  	_ =	shalt  }
0x56: {  	_ =	shalt  }
0x57: {  	_ =	shalt  }
0x58: {  	_ =	shalt  }
0x59: {  	_ =	shalt  }
0x5a: {  	_ =	shalt  }
0x5b: {  	_ =	shalt  }
0x5c: {  	_ =	shalt  }
0x5d: {  	_ =	shalt  }
0x5e: {  	_ =	shalt  }
0x5f: {  	_ =	shalt  }
0x60: {  	_ =	shalt  }
0x61: {  	_ =	shalt  }
0x62: {  	_ =	shalt  }
0x63: {  	_ =	shalt  }
0x64: {  	_ =	shalt  }
0x65: {  	_ =	shalt  }
0x66: {  	_ =	shalt  }
0x67: {  	_ =	shalt  }
0x68: {  	_ =	shalt  }
0x69: {  	_ =	shalt  }
0x6a: {  	_ =	shalt  }
0x6b: {  	_ =	shalt  }
0x6c: {  	_ =	shalt  }
0x6d: {  	_ =	shalt  }
0x6e: {  	_ =	shalt  }
0x6f: {  	_ =	shalt  }
0x70: {  	_ =	shalt  }
0x71: {  	_ =	shalt  }
0x72: {  	_ =	shalt  }
0x73: {  	_ =	shalt  }
0x74: {  	_ =	shalt  }
0x75: {  	_ =	shalt  }
0x76: {  	_ =	shalt  }
0x77: {  	_ =	shalt  }
0x78: {  	_ =	shalt  }
0x79: {  	_ =	shalt  }
0x7a: {  	_ =	shalt  }
0x7b: {  	_ =	shalt  }
0x7c: {  	_ =	shalt  }
0x7d: {  	_ =	shalt  }
0x7e: {  	_ =	shalt  }
0x7f: {  	_ =	shalt  }
0x80: {  	_ =	shalt  }
0x81: {  	_ =	shalt  }
0x82: {  	_ =	shalt  }
0x83: {  	_ =	shalt  }
0x84: {  	_ =	shalt  }
0x85: {  	_ =	shalt  }
0x86: {  	_ =	shalt  }
0x87: {  	_ =	shalt  }
.Lfunc_end0:
.L_simem_size_0:
called_computation.1_lowered:
.L_overlay_start_0:
0x88: {  	s2 =	sld [smem:$0x3FD9]  }
0x89: {  	s3 =	sld [smem:$0x3FFE];
	_ =	sdelay $0x1  }
0x8a: {  	s1 =	srdreg.scid  }
0x8b: {  	s0 =	sand.u32 $0x1, s1  }
0x8c: {  	s17 =	sshll.u32 s0, $0xA;
	s2 =	sadd.s32 s3, s2  }
0x8d: {  	s2 =	sadd.s32 s2, s17  }
0x8e: {  	[smem:$0x3FC2] =	sst s2  }
0x8f: {  	_ = 	snop  }
0x90: {  	s2 =	sld [smem:$0x3FC4];
	(tm) =	ssettm $0x1  }
0x91: {  	s18 =	sld [smem:$0x3FFB];
	_ =	sdelay $0x3  }
0x92: {  	_ =	strace s18  }
0x93: {  	s3 =	sld [smem:$0x3FFC];
	_ =	sdelay $0x3  }
0x94: {  	_ =	strace s3  }
0x95: {  	s3 =	sld [smem:$0x3FFD];
	_ =	sdelay $0x3  }
0x96: {  	_ =	strace s3  }
0x97: {  	_ =	strace $0x8FFFFFFF  }
0x98: {  	s19 =	sld [smem:$0x3FDB];
	_ =	sdelay $0x1  }
0x99: {  	s4 =	simm.s32 $_scs_section_size  }
0x9a: {  	s5 =	simm.s32 $_size__tile_overlayer_lowered;
	s6 =	simm.s32 $_tile_overlayer_lowered  }
0x9b: {  	s22 =	simm.s32 $0x1BFF;
	s21 =	sshll.u32 s6, $0x1;
	s3 =	sadd.s32 s4, s19  }
0x9c: {  	s7 =	simm.s32 $0x0;
	s20 =	sshll.u32 s5, $0x1;
	s5 =	sadd.s32 s21, s3  }
0x9d: {  	[timem:s7], [sflag:s22] =	dma.local [hbm:s5], s20  }
0x9e: {  	_ =	swait.ge [sflag:s22], s20  }
0x9f: {  	s4 =	ssub.s32 $0x0, s20;
	[sflag:s22] =	ssyncset.done $0x0  }
0xa0: {  	[sflag:s22] =	ssyncadd.s32 s4;
	_ =	sdelay $0x1  }
0xa1: {  	s23 =	simm.s32 $0x1B8B  }
0xa2: {  	_ =	swait.ge [sflag:s23], $0x1  }
0xa3: {  	[sflag:s23] =	ssyncset.done $0x0  }
0xa4: {  	s25 =	simm.s32 $0x1B8E;
	s24 =	sld [smem:$0x3FFE];
	[sflag:s23] =	ssyncadd.s32 $0xFFFFFFFF  }
0xa5: {  	s26 =	simm.s32 $execute0_lowered;
	[smem:$0x3FD2] =	sst s25  }
0xa6: {  	s5 =	sshll.u32 s26, $0x1;
	_ =	strace $0x80000049;
	[dreg:$0x1] =	wrdreg $0xFFFFFFFF  }
0xa7: {  	s28 =	simm.s32 $_size_execute0_lowered;
	s3 =	sadd.s32 s3, s5;
	[dreg:$0x0] =	wrdreg $0x0  }
0xa8: {  	s5 =	sshll.u32 s28, $0x1;
	[dreg:$0x2] =	wrdreg s3  }
0xa9: {  	[dreg:$0x3] =	wrdreg s5  }
0xaa: {  	[dreg:$0x4] =	wrdreg $0xC0  }
0xab: {  	_ =	task [dreg:s7], $0x5FFFF  }
0xac: {  	[dreg:$0x1] =	wrdreg $0xFFFFFFFF  }
0xad: {  	[dreg:$0x0] =	wrdreg $0x60  }
0xae: {  	[dreg:$0x2] =	wrdreg s2  }
0xaf: {  	[dreg:$0x3] =	wrdreg s24  }
0xb0: {  	[dreg:$0x4] =	wrdreg $0x9  }
0xb1: {  	_ =	task.clear_ibuf [dreg:s7], $0x5FFFF;
	_ =	strace $0x90000049  }
0xb2: {  	s29 =	simm.s32 $0x9;
	_ =	strace $0x8000004B  }
0xb3: {  	_ =	swait.ge [sflag:s29], $0x1  }
0xb4: {  	[sflag:s29] =	ssyncadd.s32 $0xFFFFFFFF  }
0xb5: {  	_ =	strace $0x9000004B  }
0xb6: {  	_ =	sfence  }
0xb7: {  	s30 =	sld [smem:$0x0];
	_ =	sdelay $0x2  }
0xb8: {  	s31 =	sshll.u32 s1, $0xD;
	s1 =	sshrl.u32 s1, $0x2  }
0xb9: {  	s3 =	sand.u32 $0x4000, s31;
	s1 =	sadd.s32 s1, s30  }
0xba: {  	s0 =	sor.u32 s3, s0;
	s1 =	sshll.u32 s1, $0x11  }
0xbb: {  	s0 =	sor.u32 s1, s0  }
0xbc: {  	s0 =	sadd.s32 $0x8F2B, s0  }
0xbd: {  	[sflag:s0] =	ssyncadd.remote.s32 $0x1  }
0xbe: {  	_ =	sfence.sel $0xFFFF  }
0xbf: {  	[dreg:$0x0] =	wrdreg $0xFFFFFFFF;
	(pc) =	sbr.abs _section_cstart, $3  }
0xc0: {  	[dreg:$0x1] =	wrdreg $0xFFFFFFFF  }
0xc1: {  	_ =	task.clear_ibuf [dreg:s7], $0x2FFFF;
	_ =	strace $0x9FFFFFFF  }
0xc2: {  	(tm) =	ssettm $0x7FFFFFFF  }
0xc3: {  	_ =	shalt  }
tec
execute0_lowered:
.L_overlay_start_1:
0x0: {  	(tag) =	ssettag $0x1  }
0x1: {  	s2 =	rddreg [dreg:$0x0]  }
0x2: {  	s7 =	rddreg [dreg:$0x1]  }
0x3: {  	s0 =	rddreg [dreg:$0x2]  }
0x4: {  	s4 =	srdreg.scid;
	s1 =	stileid.u32  }
0x5: {  	s3 =	simm.s32 $0x0;
	s11 =	simm.s32 $0xDA80;
	s12 =	simm.s32 $0xA00  }
0x6: {  	s13 =	simm.s32 $0x2800;
	s14 =	simm.s32 $0x7800;
	s15 =	simm.s32 $0x2  }
0x7: {  	s16 =	simm.s32 $0x0;
	s5 =	sand.u32 $0x1, s4;
	s31 =	sshll.u32 s1, $0x1  }
.Ltmp0:
0x8: {  	v0 =	vlaneseq.u32;
	[smem:$0x7FF] =	sst s3;
	s4 =	sor.u32 s5, s31;
	(pc) =	sbr.rel .LBB2_1-.Ltmp0, $4  }
0x9: {  	s6 =	sadd.s32 $0x1400, s7;
	v0 =	vmul.u32 $0x3, v0;
	s8 =	ssub.s32 $0x2, s5;
	s4 =	smul.u32 $0xC40, s4  }
0xa: {  	_ =	strace $0x8000004A;
	s5 =	sadd.s32 $0x196B000, s7;
	s9 =	sshrl.u32 s8, $0x1  }
0xb: {  	v3 =	vimm.f32 $0.0e+00;
	v4 =	vimm.f32 $1.000000000e+00;
	v5 =	vadd.s32 $0x1, v0;
	s9 =	ssub.s32 s8, s9;
	s10 =	sadd.s32 s4, s7;
	s7 =	sadd.s32 $0xC40, s4  }
0xc: {  	v6 =	vadd.s32 $0x2, v0;
	s9 =	smax.u32 s9, $0x1;
	v1 =	vmov s4;
	s8 =	sadd.s32 $0x187E00, s10;
	s10 =	simm.s32 $0x1;
	v2 =	vmov s7  }
.LBB2_11:
0xd: {  	s16 =	sadd.s32 $0x1, s16  }
0xe: {  	p0 =	sne.s32 s16, s9  }
.Ltmp1:
0xf: {  	_ = 	snop;
	(pc) =	sbr.rel @!p0 .LBB2_12-.Ltmp1, $4  }
0x10: {  	[hbm4b:s8+s3] =	stream.linear.scatter [tilespmem:s14], [sflag:$0x2], $0x6200, $0x38;
	[tilespmem:$0xDB00] =	vst v63  }
0x11: {  	_ =	swait.ge [sflag:s15], $0x6200  }
0x12: {  	[sflag:s15] =	ssyncset.done $0x0  }
0x13: {  	[sflag:s15] =	ssyncadd.s32 $0xFFFF9E00  }
.LBB2_1:
0x14: {  	s18 =	simm.s32 $0x40;
	s17 =	simm.s32 $0x0;
	s19 =	simm.s32 $0x271  }
.LBB2_2:
0x15: {  	p0 =	sne.s32 s18, $0x18800;
	[tilespmem:s17+$0x7800] =	vst v3;
	s17 =	smov.u32 s18;
	s18 =	sadd.s32 $0x40, s18  }
.Ltmp2:
0x16: {  	(pc) =	sbr.rel @p0 .LBB2_2-.Ltmp2, $2  }
0x17: {  	_ =	sdelay $0x2  }
0x18: {  	s17 =	sshra.s32 s17, $0x2  }
0x19: {  	s18 =	simm.s32 $0x271  }
0x1a: {  	s18 =	sand.u32 $0x1, s18  }
0x1b: {  	p0 =	por $0x0, $0x0;
	p1 =	seq.s32 s18, $0x1  }
0x1c: {  	p0 =	por !p0, !p1  }
0x1d: {  	s20 =	simm.s32 $0x1;
	p0 =	por !p0, !p0  }
0x1e: {  	s20 =	simm.s32 @!p0 $0x0  }
0x1f: {  	s21 =	ssub.s32 $0x138, s20  }
0x20: {  	s29 =	smul.u32 $0xA00, s21;
	_ =	sdelay $0x1  }
0x21: {  	s18 =	sadd.s32 $0x9F0, s29  }
0x22: {  	s22 =	sshrl.u32 s18, $0x3  }
0x23: {  	[tilespmem:s17+$0x7800] =	vst v3;
	s18 =	simm.s32 $0x0;
	s30 =	sadd.s32 s2, s22  }
0x24: {  	[tilespmem:s11], [sflag:$0x1] =	stream.linear.gather [hbm4b:s30+s18], $0x10, $0x38;
	[tilespmem:$0xDB00] =	vst v63  }
0x25: {  	_ =	swait.ge [sflag:s10], $0x10  }
0x26: {  	[sflag:s10] =	ssyncset.done $0x0  }
0x27: {  	[sflag:s10] =	ssyncadd.s32 $0xFFFFFFF0  }
0x28: {  	v7 =	vld [tilespmem:$0xDA80];
	_ =	sdelay $0x4  }
0x29: {  	(v2sf) =	vpush v7, $0xF;
	_ =	sdelay $0xe  }
0x2a: {  	s17 =	simm.s32 $0x0;
	s24 =	simm.s32 $0x271;
	s31 =	spop (v2sf)  }
0x2b: {  	s23 =	sadd.s32 $0x1, s21;
	s22 =	simm.s32 $0xA;
	p1 =	slt.s32 s31, s4  }
.LBB2_4:
0x2c: {  	p0 =	sne.s32 s22, $0x1;
	s17 =	smov.u32 @p1 s23;
	s21 =	smov.u32 @p1 s24  }
0x2d: {  	s22 =	sadd.s32 $0xFFFFFFFF, s22;
	s23 =	sadd.s32 s17, s21  }
0x2e: {  	s24 =	sshrl.u32 s23, $0x1F;
	s25 =	sand.u32 $0x1, s23  }
0x2f: {  	p1 =	slt.s32 s23, $0x1;
	s24 =	sadd.s32 s24, s23;
	p2 =	seq.s32 s25, $0x1  }
0x30: {  	p1 =	por !p1, !p2  }
0x31: {  	s23 =	sshra.s32 s24, $0x1;
	s24 =	simm.s32 $0x1;
	p1 =	por !p1, !p1  }
0x32: {  	s24 =	simm.s32 @!p1 $0x0  }
0x33: {  	s25 =	ssub.s32 s23, s24  }
0x34: {  	s23 =	smul.u32 $0xA00, s25;
	_ =	sdelay $0x1  }
0x35: {  	s23 =	sadd.s32 $0x9F0, s23  }
0x36: {  	s23 =	sshrl.u32 s23, $0x3  }
0x37: {  	s23 =	sadd.s32 s2, s23  }
0x38: {  	[tilespmem:s11], [sflag:$0x1] =	stream.linear.gather [hbm4b:s23+s18], $0x10, $0x38;
	[tilespmem:$0xDB00] =	vst v63  }
0x39: {  	_ =	swait.ge [sflag:s10], $0x10  }
0x3a: {  	[sflag:s10] =	ssyncset.done $0x0  }
0x3b: {  	[sflag:s10] =	ssyncadd.s32 $0xFFFFFFF0  }
0x3c: {  	v7 =	vld [tilespmem:$0xDA80];
	_ =	sdelay $0x4  }
0x3d: {  	(v2sf) =	vpush v7, $0xF;
	_ =	sdelay $0xb  }
.Ltmp3:
0x3e: {  	(pc) =	sbr.rel @p0 .LBB2_4-.Ltmp3, $3  }
0x3f: {  	_ =	sdelay $0x1  }
0x40: {  	s24 =	smov.u32 s21;
	s23 =	spop (v2sf)  }
0x41: {  	s21 =	smov.u32 s25;
	p1 =	slt.s32 s23, s4;
	s23 =	sadd.s32 $0x1, s25  }
0x42: {  	s20 =	ssub.s32 $0x138, s20  }
0x43: {  	s21 =	smul.u32 $0xA00, s20;
	_ =	sdelay $0x1  }
0x44: {  	s21 =	sshrl.u32 s21, $0x3  }
0x45: {  	s21 =	sadd.s32 s2, s21  }
0x46: {  	[tilespmem:s11], [sflag:$0x1] =	stream.linear.gather [hbm4b:s21+s3], $0x10, $0x38;
	[tilespmem:$0xDB00] =	vst v63  }
0x47: {  	_ =	swait.ge [sflag:s10], $0x10  }
0x48: {  	[sflag:s10] =	ssyncset.done $0x0  }
0x49: {  	[sflag:s10] =	ssyncadd.s32 $0xFFFFFFF0  }
0x4a: {  	v7 =	vld [tilespmem:$0xDA80];
	_ =	sdelay $0x4  }
0x4b: {  	(v2sf) =	vpush v7, $0x0;
	_ =	sdelay $0xe  }
0x4c: {  	s17 =	smov.u32 @p1 s23;
	s22 =	spop (v2sf)  }
0x4d: {  	s21 =	simm.s32 $0xA;
	p1 =	slt.s32 s22, s7;
	s22 =	sadd.s32 $0x1, s20  }
.LBB2_6:
0x4e: {  	p0 =	sne.s32 s21, $0x1;
	s18 =	smov.u32 @p1 s22;
	s20 =	smov.u32 @p1 s19  }
0x4f: {  	s21 =	sadd.s32 $0xFFFFFFFF, s21;
	s19 =	sadd.s32 s18, s20  }
0x50: {  	s22 =	sshrl.u32 s19, $0x1F;
	s23 =	sand.u32 $0x1, s19  }
0x51: {  	p1 =	slt.s32 s19, $0x1;
	s22 =	sadd.s32 s22, s19;
	p2 =	seq.s32 s23, $0x1  }
0x52: {  	p1 =	por !p1, !p2  }
0x53: {  	s19 =	sshra.s32 s22, $0x1;
	s22 =	simm.s32 $0x1;
	p1 =	por !p1, !p1  }
0x54: {  	s22 =	simm.s32 @!p1 $0x0  }
0x55: {  	s23 =	ssub.s32 s19, s22  }
0x56: {  	s19 =	smul.u32 $0xA00, s23;
	_ =	sdelay $0x1  }
0x57: {  	s19 =	sshrl.u32 s19, $0x3  }
0x58: {  	s19 =	sadd.s32 s2, s19  }
0x59: {  	[tilespmem:s11], [sflag:$0x1] =	stream.linear.gather [hbm4b:s19+s3], $0x10, $0x38;
	[tilespmem:$0xDB00] =	vst v63  }
0x5a: {  	_ =	swait.ge [sflag:s10], $0x10  }
0x5b: {  	[sflag:s10] =	ssyncset.done $0x0  }
0x5c: {  	[sflag:s10] =	ssyncadd.s32 $0xFFFFFFF0  }
0x5d: {  	v7 =	vld [tilespmem:$0xDA80];
	_ =	sdelay $0x4  }
0x5e: {  	(v2sf) =	vpush v7, $0x0;
	_ =	sdelay $0xb  }
.Ltmp4:
0x5f: {  	(pc) =	sbr.rel @p0 .LBB2_6-.Ltmp4, $3  }
0x60: {  	_ =	sdelay $0x1  }
0x61: {  	s22 =	sadd.s32 $0x1, s23;
	s19 =	spop (v2sf)  }
0x62: {  	p1 =	slt.s32 s19, s7;
	s19 =	smov.u32 s20;
	s20 =	smov.u32 s23  }
0x63: {  	s18 =	smov.u32 @p1 s22  }
0x64: {  	s18 =	ssub.s32 s18, s17  }
0x65: {  	p0 =	slt.s32 s18, $0x1  }
.Ltmp5:
0x66: {  	_ = 	snop;
	(pc) =	sbr.rel @p0 .LBB2_11-.Ltmp5, $2  }
0x67: {  	_ =	sdelay $0x2  }
0x68: {  	s19 =	simm.s32 $0x0;
	s20 =	simm.s32 $0x0  }
.LBB2_8:
0x69: {  	s21 =	sadd.s32 s17, s20  }
0x6a: {  	s22 =	smulhi.u32 $0x66666667, s21;
	s23 =	sshra.s32 s21, $0x1F  }
0x6b: {  	s23 =	smul.u32 $0x66666667, s23;
	_ =	sdelay $0x1  }
0x6c: {  	s24 =	smul.u32 $0xA00, s21;
	s22 =	sadd.s32 s23, s22  }
0x6d: {  	s23 =	sshrl.u32 s22, $0x1F;
	s22 =	sshra.s32 s22, $0x1  }
0x6e: {  	s24 =	sshrl.u32 s24, $0x3;
	s22 =	sadd.s32 s23, s22  }
0x6f: {  	s24 =	sadd.s32 s2, s24;
	s23 =	smul.u32 $0xFFFFFFFB, s22  }
0x70: {  	[tilespmem:s19], [sflag:$0x1] =	stream.linear.gather [hbm4b:s24+s19], $0xA00, $0x38;
	[tilespmem:$0xDB00] =	vst v63  }
0x71: {  	s23 =	sadd.s32 s21, s23  }
0x72: {  	p0 =	slt.s32 s21, $0x1;
	p1 =	sne.s32 s23, $0x0  }
0x73: {  	p0 =	por !p0, !p1  }
0x74: {  	s25 =	simm.s32 $0x1;
	_ =	swait.ge [sflag:s10], $0xA00;
	p0 =	por !p0, !p0  }
0x75: {  	[sflag:s10] =	ssyncset.done $0x0;
	s21 =	smul.u32 $0x1E00, s21;
	s25 =	simm.s32 @!p0 $0x0  }
0x76: {  	s24 =	sadd.s32 $0x5, s23;
	p0 =	slt.s32 s23, $0x0;
	s22 =	ssub.s32 s22, s25  }
0x77: {  	v7 =	vmov s19;
	s21 =	sshrl.u32 s21, $0x3;
	s23 =	smov.u32 @p0 s24;
	s22 =	smul.u32 $0x19000, s22  }
0x78: {  	v7 =	vmul.u32 $0x3, v7;
	[sflag:s10] =	ssyncadd.s32 $0xFFFFF600;
	s21 =	sadd.s32 s5, s21;
	s23 =	smul.u32 $0x5000, s23  }
0x79: {  	[tilespmem:s12], [sflag:$0x1] =	stream.linear.gather [hbm4b:s21+s19], $0x1E00, $0x38;
	[tilespmem:$0xDB00] =	vst v63  }
0x7a: {  	v7 =	vbroadcast v7, $0x0;
	_ =	swait.ge [sflag:s10], $0x1E00;
	s29 =	sadd.s32 s23, s22  }
0x7b: {  	[sflag:s10] =	ssyncset.done $0x0;
	s21 =	sshrl.u32 s29, $0x3  }
0x7c: {  	v8 =	vadd.s32 v0, v7;
	[sflag:s10] =	ssyncadd.s32 $0xFFFFE200;
	s21 =	sadd.s32 s6, s21  }
0x7d: {  	[tilespmem:s13], [sflag:$0x1] =	stream.linear.gather [hbm4b:s21+s19], $0x5000, $0x38;
	[tilespmem:$0xDB00] =	vst v63  }
0x7e: {  	_ =	swait.ge [sflag:s10], $0x5000  }
0x7f: {  	[sflag:s10] =	ssyncset.done $0x0  }
0x80: {  	s30 =	sand.u32 $0x70, s19;
	s31 =	sand.u32 $0x7C00, s19;
	[sflag:s10] =	ssyncadd.s32 $0xFFFFB000  }
0x81: {  	s22 =	sor.u32 s30, s31;
	v8 =	vld.idx.msk [tilespmem:v8+s12+$0x0], $0xffff  }
0x82: {  	v9 =	vld [tilespmem:s22+$0x2800];
	_ =	sdelay $0x3  }
0x83: {  	v10 =	vld [tilespmem:s19+$0x0]  }
0x84: {  	v8 =	vadd.f32 v8, v9;
	_ =	sdelay $0x1  }
0x85: {  	v9 =	vtrunc.f32 v8  }
0x86: {  	v9 =	vcvt.f32.s32 v9  }
0x87: {  	vm0 =	vge.s32 v10, v1  }
0x88: {  	vm1 =	vlt.s32 v10, v2;
	v10 =	vsub.s32 v10, v1;
	v9 =	vcvt.s32.f32 v9  }
0x89: {  	vm0 =	vmand vm0, vm1;
	v10 =	vshll.u32 v10, $0x3  }
0x8a: {  	v12 =	vnsel vm0, $0x6200, v10;
	v8 =	vsub.f32 v8, v9;
	_ =	sdelay $0x1  }
0x8b: {  	v9 =	vadd.f32 $1.000000000e+00, v8  }
0x8c: {  	vm13 =	vlt.f32 v8, $0.0e+00  }
0x8d: {  	v8 =	vsel vm13, v9, v8  }
0x8e: {  	[tilespmem:v12+s14+$0x0] =	vst.idx.add.f32.msk $0xffff, v8  }
0x8f: {  	v8 =	vor.u32 $0x3, v12;
	v9 =	vld [tilespmem:s22+$0x2980]  }
0x90: {  	v10 =	vadd.s32 v5, v7;
	_ =	sdelay $0x3  }
0x91: {  	[tilespmem:v8+s14+$0x0] =	vst.idx.add.f32.msk $0xffff, v9  }
0x92: {  	v8 =	vld.idx.msk [tilespmem:v10+s12+$0x0], $0xffff  }
0x93: {  	v9 =	vld [tilespmem:s22+$0x2880];
	_ =	sdelay $0x4  }
0x94: {  	v8 =	vadd.f32 v8, v9;
	_ =	sdelay $0x1  }
0x95: {  	v9 =	vtrunc.f32 v8  }
0x96: {  	v9 =	vcvt.f32.s32 v9;
	_ =	sdelay $0x1  }
0x97: {  	v9 =	vcvt.s32.f32 v9;
	_ =	sdelay $0x1  }
0x98: {  	v10 =	vor.u32 $0x1, v12;
	v8 =	vsub.f32 v8, v9;
	_ =	sdelay $0x1  }
0x99: {  	v9 =	vadd.f32 $1.000000000e+00, v8  }
0x9a: {  	vm14 =	vlt.f32 v8, $0.0e+00  }
0x9b: {  	v8 =	vsel vm14, v9, v8  }
0x9c: {  	[tilespmem:v10+s14+$0x0] =	vst.idx.add.f32.msk $0xffff, v8  }
0x9d: {  	v8 =	vor.u32 $0x4, v12;
	v9 =	vld [tilespmem:s22+$0x2A00]  }
0x9e: {  	v7 =	vadd.s32 v6, v7;
	_ =	sdelay $0x3  }
0x9f: {  	[tilespmem:v8+s14+$0x0] =	vst.idx.add.f32.msk $0xffff, v9  }
0xa0: {  	v7 =	vld.idx.msk [tilespmem:v7+s12+$0x0], $0xffff  }
0xa1: {  	v8 =	vld [tilespmem:s22+$0x2900];
	_ =	sdelay $0x4  }
0xa2: {  	v7 =	vadd.f32 v7, v8;
	_ =	sdelay $0x1  }
0xa3: {  	v8 =	vtrunc.f32 v7  }
0xa4: {  	v8 =	vcvt.f32.s32 v8;
	_ =	sdelay $0x1  }
0xa5: {  	v8 =	vcvt.s32.f32 v8;
	_ =	sdelay $0x1  }
0xa6: {  	v9 =	vor.u32 $0x2, v12;
	v7 =	vsub.f32 v7, v8;
	_ =	sdelay $0x1  }
0xa7: {  	s21 =	simm.s32 $0x10;
	v10 =	vadd.f32 $1.000000000e+00, v7  }
0xa8: {  	v8 =	vmov s21;
	vm15 =	vlt.f32 v7, $0.0e+00  }
0xa9: {  	v8 =	vmul.u32 $0x3, v8;
	v10 =	vsel vm15, v10, v7  }
0xaa: {  	[tilespmem:v9+s14+$0x0] =	vst.idx.add.f32.msk $0xffff, v10  }
0xab: {  	v7 =	vbroadcast v8, $0x0;
	v10 =	vor.u32 $0x5, v12;
	v11 =	vld [tilespmem:s22+$0x2A80]  }
0xac: {  	v9 =	vor.u32 $0x6, v12  }
0xad: {  	v8 =	vadd.s32 v0, v7  }
0xae: {  	s24 =	simm.s32 $0x80;
	s23 =	simm.s32 $0x20;
	s22 =	simm.s32 $0x0  }
.LBB2_9:
0xaf: {  	p0 =	sne.s32 s23, $0x9F0  }
0xb0: {  	[tilespmem:v10+s14+$0x0] =	vst.idx.add.f32.msk $0xffff, v11;
	s22 =	sadd.s32 $0x10, s22;
	s25 =	smov.u32 s23;
	s23 =	sadd.s32 $0x10, s23  }
0xb1: {  	s26 =	sand.u32 $0x70, s21;
	s28 =	sand.u32 $0x7C00, s24;
	[tilespmem:v9+s14+$0x0] =	vst.idx.add.f32.msk $0xffff, v4;
	s21 =	smov.u32 s25  }
0xb2: {  	s25 =	sor.u32 s26, s28;
	v8 =	vld.idx.msk [tilespmem:v8+s12+$0x0], $0xffff  }
0xb3: {  	v9 =	vld [tilespmem:s25+$0x2800];
	_ =	sdelay $0x3  }
0xb4: {  	v10 =	vld [tilespmem:s22+$0x0]  }
0xb5: {  	v8 =	vadd.f32 v8, v9;
	_ =	sdelay $0x1  }
0xb6: {  	v9 =	vtrunc.f32 v8  }
0xb7: {  	v9 =	vcvt.f32.s32 v9  }
0xb8: {  	vm0 =	vge.s32 v10, v1;
	vm1 =	vlt.s32 v10, v2  }
0xb9: {  	v10 =	vsub.s32 v10, v1;
	vm0 =	vmand vm0, vm1;
	v9 =	vcvt.s32.f32 v9  }
0xba: {  	v10 =	vshll.u32 v10, $0x3  }
0xbb: {  	v12 =	vnsel vm0, $0x6200, v10;
	v8 =	vsub.f32 v8, v9;
	_ =	sdelay $0x1  }
0xbc: {  	vm0 =	vlt.f32 v8, $0.0e+00;
	v9 =	vadd.f32 $1.000000000e+00, v8;
	_ =	sdelay $0x1  }
0xbd: {  	v8 =	vsel vm0, v9, v8  }
0xbe: {  	[tilespmem:v12+s14+$0x0] =	vst.idx.add.f32.msk $0xffff, v8;
	v8 =	vor.u32 $0x3, v12  }
0xbf: {  	v10 =	vadd.s32 v5, v7;
	v9 =	vld [tilespmem:s25+$0x2980];
	_ =	sdelay $0x4  }
0xc0: {  	[tilespmem:v8+s14+$0x0] =	vst.idx.add.f32.msk $0xffff, v9  }
0xc1: {  	v8 =	vld.idx.msk [tilespmem:v10+s12+$0x0], $0xffff  }
0xc2: {  	v9 =	vld [tilespmem:s25+$0x2880];
	_ =	sdelay $0x4  }
0xc3: {  	v8 =	vadd.f32 v8, v9;
	_ =	sdelay $0x1  }
0xc4: {  	v9 =	vtrunc.f32 v8  }
0xc5: {  	v9 =	vcvt.f32.s32 v9;
	_ =	sdelay $0x1  }
0xc6: {  	v9 =	vcvt.s32.f32 v9  }
0xc7: {  	v10 =	vor.u32 $0x1, v12  }
0xc8: {  	v8 =	vsub.f32 v8, v9;
	_ =	sdelay $0x1  }
0xc9: {  	vm0 =	vlt.f32 v8, $0.0e+00;
	v9 =	vadd.f32 $1.000000000e+00, v8;
	_ =	sdelay $0x1  }
0xca: {  	v8 =	vsel vm0, v9, v8  }
0xcb: {  	[tilespmem:v10+s14+$0x0] =	vst.idx.add.f32.msk $0xffff, v8;
	v8 =	vor.u32 $0x4, v12  }
0xcc: {  	v7 =	vadd.s32 v6, v7;
	v9 =	vld [tilespmem:s25+$0x2A00];
	_ =	sdelay $0x4  }
0xcd: {  	[tilespmem:v8+s14+$0x0] =	vst.idx.add.f32.msk $0xffff, v9  }
0xce: {  	v7 =	vld.idx.msk [tilespmem:v7+s12+$0x0], $0xffff  }
0xcf: {  	v8 =	vld [tilespmem:s25+$0x2900];
	_ =	sdelay $0x4  }
0xd0: {  	v7 =	vadd.f32 v7, v8;
	_ =	sdelay $0x1  }
0xd1: {  	v8 =	vtrunc.f32 v7  }
0xd2: {  	v8 =	vcvt.f32.s32 v8;
	_ =	sdelay $0x1  }
0xd3: {  	v8 =	vcvt.s32.f32 v8  }
0xd4: {  	v9 =	vor.u32 $0x2, v12  }
0xd5: {  	v7 =	vsub.f32 v7, v8;
	_ =	sdelay $0x1  }
0xd6: {  	v8 =	vmov s21;
	vm0 =	vlt.f32 v7, $0.0e+00;
	v10 =	vadd.f32 $1.000000000e+00, v7  }
0xd7: {  	v8 =	vmul.u32 $0x3, v8  }
0xd8: {  	v10 =	vsel vm0, v10, v7  }
0xd9: {  	v7 =	vbroadcast v8, $0x0;
	[tilespmem:v9+s14+$0x0] =	vst.idx.add.f32.msk $0xffff, v10;
	v10 =	vor.u32 $0x5, v12  }
.Ltmp6:
0xda: {  	v9 =	vor.u32 $0x6, v12;
	v11 =	vld [tilespmem:s25+$0x2A80];
	(pc) =	sbr.rel @p0 .LBB2_9-.Ltmp6, $2  }
0xdb: {  	v8 =	vadd.s32 v0, v7;
	_ =	sdelay $0x2  }
0xdc: {  	s24 =	sadd.s32 $0x80, s24  }
0xdd: {  	_ =	sdelay $0x3  }
0xde: {  	[tilespmem:v10+s14+$0x0] =	vst.idx.add.f32.msk $0xffff, v11  }
0xdf: {  	s21 =	sand.u32 $0x70, s21;
	s23 =	sand.u32 $0x7C00, s24;
	[tilespmem:v9+s14+$0x0] =	vst.idx.add.f32.msk $0xffff, v4  }
0xe0: {  	s21 =	sor.u32 s21, s23;
	v8 =	vld.idx.msk [tilespmem:v8+s12+$0x0], $0xffff  }
0xe1: {  	v9 =	vld [tilespmem:s21+$0x2800];
	_ =	sdelay $0x2  }
0xe2: {  	s22 =	sadd.s32 $0x10, s22  }
0xe3: {  	v10 =	vld [tilespmem:s22+$0x0]  }
0xe4: {  	v8 =	vadd.f32 v8, v9;
	_ =	sdelay $0x1  }
0xe5: {  	v9 =	vtrunc.f32 v8  }
0xe6: {  	v9 =	vcvt.f32.s32 v9  }
0xe7: {  	vm0 =	vge.s32 v10, v1  }
0xe8: {  	vm1 =	vlt.s32 v10, v2;
	v10 =	vsub.s32 v10, v1;
	v9 =	vcvt.s32.f32 v9  }
0xe9: {  	vm0 =	vmand vm0, vm1;
	v10 =	vshll.u32 v10, $0x3  }
0xea: {  	v10 =	vnsel vm0, $0x6200, v10;
	v8 =	vsub.f32 v8, v9;
	_ =	sdelay $0x1  }
0xeb: {  	v9 =	vadd.f32 $1.000000000e+00, v8  }
0xec: {  	vm13 =	vlt.f32 v8, $0.0e+00  }
0xed: {  	v8 =	vsel vm13, v9, v8  }
0xee: {  	[tilespmem:v10+s14+$0x0] =	vst.idx.add.f32.msk $0xffff, v8  }
0xef: {  	v8 =	vor.u32 $0x3, v10;
	v58 =	vld [tilespmem:s21+$0x2980]  }
0xf0: {  	v59 =	vadd.s32 v5, v7;
	_ =	sdelay $0x3  }
0xf1: {  	[tilespmem:v8+s14+$0x0] =	vst.idx.add.f32.msk $0xffff, v58  }
0xf2: {  	v8 =	vld.idx.msk [tilespmem:v59+s12+$0x0], $0xffff  }
0xf3: {  	v9 =	vld [tilespmem:s21+$0x2880];
	_ =	sdelay $0x4  }
0xf4: {  	v8 =	vadd.f32 v8, v9;
	_ =	sdelay $0x1  }
0xf5: {  	v9 =	vtrunc.f32 v8  }
0xf6: {  	v9 =	vcvt.f32.s32 v9;
	_ =	sdelay $0x1  }
0xf7: {  	v9 =	vcvt.s32.f32 v9;
	_ =	sdelay $0x1  }
0xf8: {  	v60 =	vor.u32 $0x1, v10;
	v8 =	vsub.f32 v8, v9;
	_ =	sdelay $0x1  }
0xf9: {  	v9 =	vadd.f32 $1.000000000e+00, v8  }
0xfa: {  	vm14 =	vlt.f32 v8, $0.0e+00  }
0xfb: {  	v8 =	vsel vm14, v9, v8  }
0xfc: {  	[tilespmem:v60+s14+$0x0] =	vst.idx.add.f32.msk $0xffff, v8  }
0xfd: {  	v8 =	vor.u32 $0x4, v10;
	v61 =	vld [tilespmem:s21+$0x2A00]  }
0xfe: {  	v7 =	vadd.s32 v6, v7;
	_ =	sdelay $0x3  }
0xff: {  	[tilespmem:v8+s14+$0x0] =	vst.idx.add.f32.msk $0xffff, v61  }
0x100: {  	v7 =	vld.idx.msk [tilespmem:v7+s12+$0x0], $0xffff  }
0x101: {  	v8 =	vld [tilespmem:s21+$0x2900];
	_ =	sdelay $0x4  }
0x102: {  	v7 =	vadd.f32 v7, v8;
	_ =	sdelay $0x1  }
0x103: {  	v8 =	vtrunc.f32 v7  }
0x104: {  	v8 =	vcvt.f32.s32 v8;
	_ =	sdelay $0x1  }
0x105: {  	v8 =	vcvt.s32.f32 v8;
	_ =	sdelay $0x1  }
0x106: {  	v62 =	vor.u32 $0x2, v10;
	v7 =	vsub.f32 v7, v8;
	_ =	sdelay $0x1  }
0x107: {  	v8 =	vadd.f32 $1.000000000e+00, v7  }
0x108: {  	vm15 =	vlt.f32 v7, $0.0e+00  }
0x109: {  	v7 =	vsel vm15, v8, v7  }
0x10a: {  	[tilespmem:v62+s14+$0x0] =	vst.idx.add.f32.msk $0xffff, v7  }
0x10b: {  	s20 =	sadd.s32 $0x1, s20;
	v7 =	vor.u32 $0x5, v10;
	v8 =	vld [tilespmem:s21+$0x2A80]  }
0x10c: {  	p0 =	sne.s32 s20, s18;
	v63 =	vor.u32 $0x6, v10  }
.Ltmp7:
0x10d: {  	_ = 	snop;
	(pc) =	sbr.rel @p0 .LBB2_8-.Ltmp7, $4  }
.Ltmp8:
0x10e: {  	_ = 	snop;
	(pc) =	sbr.rel @!p0 .LBB2_11-.Ltmp8, $4  }
0x10f: {  	_ = 	snop  }
0x110: {  	[tilespmem:v7+s14+$0x0] =	vst.idx.add.f32.msk $0xffff, v8  }
0x111: {  	[tilespmem:v63+s14+$0x0] =	vst.idx.add.f32.msk $0xffff, v4  }
0x112: {  	_ = 	snop  }
.LBB2_12:
0x113: {  	_ =	sfence.sel $0x180000  }
0x114: {  	[bflag:$0x0] =	sbarrier.arrive $0xFFFF  }
0x115: {  	p0 =	sne.s32 s1, $0x0;
	_ =	strace $0x9000004A  }
0x116: {  	s0 =	sadd.s32 @!p0 $0x100000, s0;
	[bflag:$0x2] =	sbarrier.arrive $0xFFFF  }
0x117: {  	[sflag:s0] =	ssyncadd.tile.s32 @!p0 $0x1;
	_ =	shalt  }
.Lfunc_end2:
_tile_overlayer_lowered:
.L_overlay_start_2:
0x118: {  	(tag) =	ssettag $0x2  }
0x119: {  	s0 =	rddreg [dreg:$0x0];
	s2 =	stileid.u32  }
0x11a: {  	s1 =	rddreg [dreg:$0x1];
	p0 =	sne.s32 s2, $0x0  }
0x11b: {  	s3 =	rddreg [dreg:$0x2];
	[bflag:$0x3] =	sbarrier.arrive $0xFFFF;
	s2 =	simm.s32 @!p0 $0x1C02  }
0x11c: {  	[timem:s3], [sflag:s2] =	dma.local @!p0 [hbm:s0], s1  }
0x11d: {  	s0 =	simm.s32 @!p0 $0x2  }
0x11e: {  	_ =	swait.ge @!p0 [sflag:s0], s1  }
0x11f: {  	s1 =	ssub.s32 @!p0 $0x0, s1;
	[sflag:s0] =	ssyncset.done @!p0 $0x0  }
0x120: {  	[sflag:s0] =	ssyncadd.s32 @!p0 s1  }
0x121: {  	[bflag:$0x3] =	sbarrier.arrive $0xFFFF  }
0x122: {  	_ =	shalt  }

</sc_bundles>
